<compile_context>
chip_gen: v7x
topology: tpu7x:2x2x1
jax: 0.10.2.dev20260603
libtpu: 0.0.44.dev20260713+nightly
codegen_flags: <defaults>
</compile_context>

<pallas_src>
import functools

import jax
import jax.numpy as jnp
from jax import lax
from jax.experimental import pallas as pl
from jax.experimental.pallas import tpu as pltpu
from jax.experimental.pallas import tpu_sc as plsc

N = 50000
E = 800000
HID = 32
OUT = 4
NUM_GRAPHS = 128

NTILES = 32
CH = 128
NCH = 196
EPT = NCH * CH
EPAD = NTILES * EPT
KC = 28
NST = NCH // KC
PK = 4
BN = 1024
BP = BN // PK
GRID = -(-N // BN)
NBPAD = GRID * BN

ACC_ROWS = 50304
ZROWS = ACC_ROWS // 16
NPROWS = ACC_ROWS // PK

_mesh = plsc.VectorSubcoreMesh(core_axis_name="c", subcore_axis_name="s")
_sc_params = pltpu.CompilerParams(use_tc_tiling_on_sc=False)



@functools.partial(
    pl.kernel, mesh=_mesh,
    out_type=jax.ShapeDtypeStruct((2, ACC_ROWS, HID), jnp.float32),
    scratch_types=[
        pltpu.VMEM((KC, CH), jnp.int32),
        pltpu.VMEM((CH, HID), jnp.float32),
        pltpu.VMEM_SHARED((ACC_ROWS, HID), jnp.float32),
        pltpu.SemaphoreType.DMA,
    ],
    compiler_params=_sc_params,
)
def _deg_kernel(srcdst_hbm, zeros_hbm, ones_hbm, out_hbm, dstv, onesv, deg,
                sems):
    c = lax.axis_index("c")
    s = lax.axis_index("s")
    wid = c * 16 + s
    pltpu.sync_copy(ones_hbm, onesv)
    pltpu.sync_copy(zeros_hbm, deg.at[pl.ds(s * ZROWS, ZROWS)])
    plsc.subcore_barrier()

    def outer(t, carry):
        pltpu.sync_copy(srcdst_hbm.at[1, wid, pl.ds(t * KC, KC)], dstv)

        def fire(j, cc):
            pltpu.async_copy(onesv, deg.at[dstv.at[j]], sems, add=True)
            return cc

        lax.fori_loop(0, KC, fire, carry)

        def drain(j, cc):
            pltpu.make_async_copy(onesv, deg.at[dstv.at[j]], sems).wait()
            return cc

        return lax.fori_loop(0, KC, drain, carry)

    lax.fori_loop(0, NST, outer, 0)
    plsc.subcore_barrier()
    pltpu.sync_copy(deg.at[pl.ds(s * ZROWS, ZROWS)],
                    out_hbm.at[c, pl.ds(s * ZROWS, ZROWS)])


@functools.partial(
    pl.kernel, mesh=_mesh,
    out_type=jax.ShapeDtypeStruct((2, ACC_ROWS, HID), jnp.float32),
    scratch_types=[
        pltpu.VMEM((KC, CH), jnp.int32),
        pltpu.VMEM((KC, CH), jnp.int32),
        pltpu.VMEM((CH, HID), jnp.float32),
        pltpu.VMEM((CH, HID), jnp.float32),
        pltpu.VMEM((CH, HID), jnp.float32),
        pltpu.VMEM((CH, HID), jnp.float32),
        pltpu.VMEM_SHARED((ACC_ROWS, HID), jnp.float32),
        pltpu.SemaphoreType.DMA,
        pltpu.SemaphoreType.DMA,
        pltpu.SemaphoreType.DMA,
        pltpu.SemaphoreType.DMA,
        pltpu.SemaphoreType.DMA,
        pltpu.SemaphoreType.DMA,
        pltpu.SemaphoreType.DMA,
        pltpu.SemaphoreType.DMA,
    ],
    compiler_params=_sc_params,
)
def _edge_kernel(g_hbm, srcdst_hbm, zeros_hbm, out_hbm,
                 srcv, dstv, r0, r1, r2, r3,
                 acc, sg0, sg1, sg2, sg3, ss0, ss1, ss2, ss3):
    c = lax.axis_index("c")
    s = lax.axis_index("s")
    wid = c * 16 + s
    pltpu.sync_copy(zeros_hbm, acc.at[pl.ds(s * ZROWS, ZROWS)])
    plsc.subcore_barrier()
    rows = [r0, r1, r2, r3]
    sg = [sg0, sg1, sg2, sg3]
    ss = [ss0, ss1, ss2, ss3]

    def outer(t, carry):
        pltpu.sync_copy(srcdst_hbm.at[0, wid, pl.ds(t * KC, KC)], srcv)
        pltpu.sync_copy(srcdst_hbm.at[1, wid, pl.ds(t * KC, KC)], dstv)
        pltpu.async_copy(g_hbm.at[srcv.at[0]], rows[0], sg[0])
        pltpu.async_copy(g_hbm.at[srcv.at[1]], rows[1], sg[1])

        def body(u, cc):
            for b in range(4):
                j = 4 * u + b
                bn = (b + 2) % 4

                @pl.when(j >= 2)
                def _(j=j, bn=bn):
                    pltpu.make_async_copy(rows[bn], acc.at[dstv.at[j - 2]],
                                          ss[bn]).wait()

                @pl.when(j + 2 < KC)
                def _(j=j, bn=bn):
                    pltpu.async_copy(g_hbm.at[srcv.at[j + 2]], rows[bn],
                                     sg[bn])

                pltpu.make_async_copy(g_hbm.at[srcv.at[j]], rows[b],
                                      sg[b]).wait()
                pltpu.async_copy(rows[b], acc.at[dstv.at[j]], ss[b], add=True)
            return cc

        lax.fori_loop(0, KC // 4, body, carry)
        pltpu.make_async_copy(rows[2], acc.at[dstv.at[KC - 2]], ss[2]).wait()
        pltpu.make_async_copy(rows[3], acc.at[dstv.at[KC - 1]], ss[3]).wait()
        return carry

    lax.fori_loop(0, NST, outer, 0)
    plsc.subcore_barrier()
    pltpu.sync_copy(acc.at[pl.ds(s * ZROWS, ZROWS)],
                    out_hbm.at[c, pl.ds(s * ZROWS, ZROWS)])



def _dinvp_from(degp):
    return lax.rsqrt(degp[0] + degp[1] + 1.0)


def _dot_t(xt, w):
    return lax.dot_general(xt, w, (((0,), (0,)), ((), ())),
                           preferred_element_type=jnp.float32)


def _tc1_body(cx, bx, px, sx, Wc, bc, Wb, bb, Wp, bp, Ws, bs, Wg1,
              h1_out):
    ch = jnp.maximum(_dot_t(cx[...], Wc[...]) + bc[...], 0.0)
    bh = jnp.maximum(jnp.dot(bx[...], Wb[...],
                             preferred_element_type=jnp.float32) + bb[...], 0.0)
    ph = jnp.maximum(_dot_t(px[...], Wp[...]) + bp[...], 0.0)
    sh = jnp.maximum(_dot_t(sx[...], Ws[...]) + bs[...], 0.0)
    x0 = jnp.concatenate([ch, bh, ph, sh], axis=1)
    h1 = jnp.dot(x0, Wg1[...], preferred_element_type=jnp.float32)
    h1_out[...] = jnp.concatenate([h1[k * BP:(k + 1) * BP] for k in range(PK)],
                                  axis=1)


def _scale_body(h, degp, g_out):
    g_out[...] = h[...] * _dinvp_from(degp[...])


def _tc2_body(accp, g, degp, b4, W4, g_out):
    dinvp = _dinvp_from(degp[...])
    acc = accp[0] + accp[1]
    x = jnp.maximum(dinvp * (acc + g[...]) + b4[...], 0.0)
    g_out[...] = jnp.dot(x, W4[...], preferred_element_type=jnp.float32) * dinvp


BP3 = NPROWS // 4


def _tc3_body(accp, g, degp, batchq, b4, Wl1, bl1, Wl2, bl2, out,
              sums, counts):
    i = pl.program_id(0)

    @pl.when(i == 0)
    def _():
        sums[...] = jnp.zeros_like(sums)
        counts[...] = jnp.zeros_like(counts)

    dinvp = _dinvp_from(degp[...])
    acc = accp[0] + accp[1]
    x2 = jnp.maximum(dinvp * (acc + g[...]) + b4[...], 0.0)
    rr = i * BP3 + lax.broadcasted_iota(jnp.int32, (BP3, PK * HID), 0)
    node = (1024 * (rr // 256) + rr % 256
            + 256 * (lax.broadcasted_iota(jnp.int32, (BP3, PK * HID), 1)
                     // HID))
    x2 = jnp.where(node < N, x2, 0.0)
    giota = lax.broadcasted_iota(jnp.int32, (NUM_GRAPHS, BP3), 0)
    for q in range(PK):
        onehot = (giota == batchq[0, q]).astype(jnp.float32)
        sums[...] += jnp.dot(onehot, x2[:, q * HID:(q + 1) * HID],
                             preferred_element_type=jnp.float32)
        counts[...] += jnp.sum(onehot, axis=1, keepdims=True)

    @pl.when(i == 3)
    def _():
        pooled = sums[...] / jnp.maximum(counts[:, 0:1], 1.0)
        h = jnp.maximum(jnp.dot(pooled, Wl1[...],
                                preferred_element_type=jnp.float32) + bl1[...],
                        0.0)
        logits = jnp.dot(h, Wl2[...],
                         preferred_element_type=jnp.float32) + bl2[...]
        m = jnp.max(logits, axis=-1, keepdims=True)
        sh = logits - m
        out[...] = sh - jnp.log(jnp.sum(jnp.exp(sh), axis=-1, keepdims=True))


def _row_spec(w):
    return pl.BlockSpec((BN, w), lambda i: (i, 0))


def _full_spec(shape):
    return pl.BlockSpec(shape, lambda i: tuple(0 for _ in shape))


_pk_spec = pl.BlockSpec((BP, PK * HID), lambda i: (i, 0))
_pk2_spec = pl.BlockSpec((2, BP, PK * HID), lambda i: (0, i, 0))


def _tc1_call(cx, bx, px, sx, Wc, bc, Wb, bb, Wp, bp, Ws, bs, Wg1):
    return pl.pallas_call(
        _tc1_body,
        grid=(GRID,),
        in_specs=[pl.BlockSpec((310, BN), lambda i: (0, i)),
                  _row_spec(768),
                  pl.BlockSpec((10, BN), lambda i: (0, i)),
                  pl.BlockSpec((300, BN), lambda i: (0, i)),
                  _full_spec((310, HID)), _full_spec((1, HID)),
                  _full_spec((768, HID)), _full_spec((1, HID)),
                  _full_spec((10, HID)), _full_spec((1, HID)),
                  _full_spec((300, HID)), _full_spec((1, HID)),
                  _full_spec((4 * HID, HID))],
        out_specs=_pk_spec,
        out_shape=jax.ShapeDtypeStruct((NPROWS, PK * HID), jnp.float32),
    )(cx, bx, px, sx, Wc, bc, Wb, bb, Wp, bp, Ws, bs, Wg1)


def _scale_call(h, degp):
    bp2 = NPROWS // 4
    return pl.pallas_call(
        _scale_body,
        grid=(4,),
        in_specs=[pl.BlockSpec((bp2, PK * HID), lambda i: (i, 0)),
                  pl.BlockSpec((2, bp2, PK * HID), lambda i: (0, i, 0))],
        out_specs=pl.BlockSpec((bp2, PK * HID), lambda i: (i, 0)),
        out_shape=jax.ShapeDtypeStruct((NPROWS, PK * HID), jnp.float32),
    )(h, degp)


def _tc2_call(accp, g, degp, b4, W4):
    bp2 = NPROWS // 4
    return pl.pallas_call(
        _tc2_body,
        grid=(4,),
        in_specs=[pl.BlockSpec((2, bp2, PK * HID), lambda i: (0, i, 0)),
                  pl.BlockSpec((bp2, PK * HID), lambda i: (i, 0)),
                  pl.BlockSpec((2, bp2, PK * HID), lambda i: (0, i, 0)),
                  _full_spec((1, PK * HID)),
                  _full_spec((PK * HID, PK * HID))],
        out_specs=pl.BlockSpec((bp2, PK * HID), lambda i: (i, 0)),
        out_shape=jax.ShapeDtypeStruct((NPROWS, PK * HID), jnp.float32),
    )(accp, g, degp, b4, W4)


def _tc3_call(accp, g, degp, batchq, b4, Wl1, bl1, Wl2, bl2):
    return pl.pallas_call(
        _tc3_body,
        grid=(4,),
        in_specs=[pl.BlockSpec((2, BP3, PK * HID), lambda i: (0, i, 0)),
                  pl.BlockSpec((BP3, PK * HID), lambda i: (i, 0)),
                  pl.BlockSpec((2, BP3, PK * HID), lambda i: (0, i, 0)),
                  pl.BlockSpec((1, PK, 1, BP3), lambda i: (i, 0, 0, 0)),
                  _full_spec((1, PK * HID)), _full_spec((HID, HID)),
                  _full_spec((1, HID)), _full_spec((HID, OUT)),
                  _full_spec((1, OUT))],
        out_specs=_full_spec((NUM_GRAPHS, OUT)),
        out_shape=jax.ShapeDtypeStruct((NUM_GRAPHS, OUT), jnp.float32),
        scratch_shapes=[pltpu.VMEM((NUM_GRAPHS, HID), jnp.float32),
                        pltpu.VMEM((NUM_GRAPHS, NUM_GRAPHS), jnp.float32)],
    )(accp, g, degp, batchq, b4, Wl1, bl1, Wl2, bl2)



def kernel(content_x, bert_x, profile_x, spacy_x, edge_index, batch,
           Wc, bc, Wb, bb, Wp, bp, Ws, bs,
           Wg1, bg1, Wg2, bg2, Wl1, bl1, Wl2, bl2):
    ei = (1024 * (edge_index // 1024) + 4 * (edge_index % 256)
          + (edge_index // 256) % 4)
    padcols = jnp.broadcast_to(jnp.array([[0], [NBPAD]], jnp.int32),
                               (2, EPAD - E))
    srcdst = jnp.concatenate([ei, padcols], axis=1
                             ).reshape(2, NTILES, NCH, CH)
    zeros32 = jnp.zeros((ZROWS, HID), jnp.float32)
    ones32 = jnp.ones((CH, HID), jnp.float32)
    b1 = bc.reshape(1, HID)
    b2 = bb.reshape(1, HID)
    b3 = bp.reshape(1, HID)
    b4 = bs.reshape(1, HID)
    bg1p = jnp.tile(bg1, PK).reshape(1, PK * HID)
    bg2p = jnp.tile(bg2, PK).reshape(1, PK * HID)
    W4g2 = jnp.kron(jnp.eye(PK, dtype=jnp.float32), Wg2)
    batchp = jnp.concatenate(
        [batch, jnp.full((51200 - N,), NUM_GRAPHS, jnp.int32)])
    rr = jnp.arange(NPROWS, dtype=jnp.int32)
    node_k = (1024 * (rr // 256) + rr % 256)[:, None] \
        + 256 * jnp.arange(PK, dtype=jnp.int32)[None, :]
    batchq = batchp[node_k].T.reshape(PK, 4, BP3
                                      ).transpose(1, 0, 2).reshape(4, PK, 1, BP3)

    degp = _deg_kernel(srcdst, zeros32, ones32
                       ).reshape(2, NPROWS, PK * HID)
    h1p = _tc1_call(content_x.T, bert_x, profile_x.T, spacy_x.T,
                    Wc, b1, Wb, b2, Wp, b3, Ws, b4, Wg1)
    g1p = _scale_call(h1p, degp)
    acc1 = _edge_kernel(g1p.reshape(ACC_ROWS, HID), srcdst, zeros32
                        ).reshape(2, NPROWS, PK * HID)
    g2p = _tc2_call(acc1, g1p, degp, bg1p, W4g2)
    acc2 = _edge_kernel(g2p.reshape(ACC_ROWS, HID), srcdst, zeros32
                        ).reshape(2, NPROWS, PK * HID)
    return _tc3_call(acc2, g2p, degp, batchq, bg2p,
                     Wl1, bl1.reshape(1, HID), Wl2, bl2.reshape(1, OUT))

# --- scband reference (transcript-rebuilt; emitter-appended) ---
"""Pipeline reference for scband-multi-feature-net-1219770712148 (READ-ONLY COPY).

The authoritative reference and input builder live on the scoring server;
editing this copy changes nothing except your own understanding.
"""

import jax, jax.numpy as jnp
import numpy as np

N = 50000
E = 800000
HID = 32
OUT = 4
NUM_GRAPHS = 128


def setup_inputs(seed: int = 0) -> dict:
    key = jax.random.key(seed)
    ks = jax.random.split(key, 26)
    inp = {}
    inp["content_x"] = jax.random.normal(ks[0], (N, 310), jnp.float32)
    inp["bert_x"] = jax.random.normal(ks[1], (N, 768), jnp.float32)
    inp["profile_x"] = jax.random.normal(ks[2], (N, 10), jnp.float32)
    inp["spacy_x"] = jax.random.normal(ks[3], (N, 300), jnp.float32)
    inp["edge_index"] = jax.random.randint(ks[4], (2, E), 0, N, dtype=jnp.int32)
    inp["batch"] = jnp.sort(jax.random.randint(ks[5], (N,), 0, NUM_GRAPHS, dtype=jnp.int32))
    def lin(k, i, o):
        k1, k2 = jax.random.split(k)
        return (jax.random.normal(k1, (i, o), jnp.float32) * (1.0 / np.sqrt(i)),
                jax.random.normal(k2, (o,), jnp.float32) * 0.01)
    inp["Wc"], inp["bc"] = lin(ks[6], 310, HID)
    inp["Wb"], inp["bb"] = lin(ks[7], 768, HID)
    inp["Wp"], inp["bp"] = lin(ks[8], 10, HID)
    inp["Ws"], inp["bs"] = lin(ks[9], 300, HID)
    inp["Wg1"], inp["bg1"] = lin(ks[10], HID * 4, HID)
    inp["Wg2"], inp["bg2"] = lin(ks[11], HID, HID)
    inp["Wl1"], inp["bl1"] = lin(ks[12], HID, HID)
    inp["Wl2"], inp["bl2"] = lin(ks[13], HID, OUT)
    return inp


def _gcn_conv(x, src, dst, W, b):
    n = x.shape[0]
    h = x @ W
    loop = jnp.arange(n, dtype=src.dtype)
    s = jnp.concatenate([src, loop])
    d = jnp.concatenate([dst, loop])
    deg = jax.ops.segment_sum(jnp.ones(s.shape[0], jnp.float32), d, num_segments=n)
    dinv = jnp.where(deg > 0, 1.0 / jnp.sqrt(deg), 0.0)
    norm = dinv[s] * dinv[d]
    msg = h[s] * norm[:, None]
    out = jax.ops.segment_sum(msg, d, num_segments=n)
    return out + b


def reference(content_x, bert_x, profile_x, spacy_x, edge_index, batch,
              Wc, bc, Wb, bb, Wp, bp, Ws, bs,
              Wg1, bg1, Wg2, bg2, Wl1, bl1, Wl2, bl2):
    src, dst = edge_index[0], edge_index[1]
    ch = jax.nn.relu(content_x @ Wc + bc)
    bh = jax.nn.relu(bert_x @ Wb + bb)
    ph = jax.nn.relu(profile_x @ Wp + bp)
    sh = jax.nn.relu(spacy_x @ Ws + bs)
    out = jnp.concatenate([ch, bh, ph, sh], axis=1)
    # dropout: eval mode (identity)
    out = jax.nn.relu(_gcn_conv(out, src, dst, Wg1, bg1))
    out = jax.nn.relu(_gcn_conv(out, src, dst, Wg2, bg2))
    sums = jax.ops.segment_sum(out, batch, num_segments=NUM_GRAPHS)
    counts = jax.ops.segment_sum(jnp.ones(out.shape[0], jnp.float32), batch, num_segments=NUM_GRAPHS)
    pooled = sums / jnp.maximum(counts, 1.0)[:, None]
    h = jax.nn.relu(pooled @ Wl1 + bl1)
    logits = h @ Wl2 + bl2
    return jax.nn.log_softmax(logits, axis=-1)

if __name__ == "__main__":
    import jax
    _d = setup_inputs()
    print(jax.jit(kernel)(*tuple(_d.values())))

</pallas_src>

<mosaic_0001>
#map = affine_map<(d0, d1) -> (0, 0)>
#map1 = affine_map<(d0, d1) -> (0, 0, 0, 0)>
#map2 = affine_map<(d0, d1) -> (0, 0, 0)>
module attributes {stable_mosaic.version = 14 : i64} {
  func.func @_edge_kernel(%arg0: i32, %arg1: i32, %arg2: memref<50304x32xf32, #tpu.memory_space<hbm>>, %arg3: memref<2x32x196x128xi32, #tpu.memory_space<hbm>>, %arg4: memref<3144x32xf32, #tpu.memory_space<hbm>>, %arg5: memref<2x50304x32xf32, #tpu.memory_space<hbm>>, %arg6: memref<28x128xi32, #tpu.memory_space<vmem>>, %arg7: memref<28x128xi32, #tpu.memory_space<vmem>>, %arg8: memref<128x32xf32, #tpu.memory_space<vmem>>, %arg9: memref<128x32xf32, #tpu.memory_space<vmem>>, %arg10: memref<128x32xf32, #tpu.memory_space<vmem>>, %arg11: memref<128x32xf32, #tpu.memory_space<vmem>>, %arg12: memref<50304x32xf32, #tpu.memory_space<vmem_shared>>, %arg13: memref<!tpu.dma_semaphore, #tpu.memory_space<semaphore_mem>>, %arg14: memref<!tpu.dma_semaphore, #tpu.memory_space<semaphore_mem>>, %arg15: memref<!tpu.dma_semaphore, #tpu.memory_space<semaphore_mem>>, %arg16: memref<!tpu.dma_semaphore, #tpu.memory_space<semaphore_mem>>, %arg17: memref<!tpu.dma_semaphore, #tpu.memory_space<semaphore_mem>>, %arg18: memref<!tpu.dma_semaphore, #tpu.memory_space<semaphore_mem>>, %arg19: memref<!tpu.dma_semaphore, #tpu.memory_space<semaphore_mem>>, %arg20: memref<!tpu.dma_semaphore, #tpu.memory_space<semaphore_mem>>) attributes {dimension_semantics = [#tpu.dimension_semantics<core_parallel>, #tpu.dimension_semantics<subcore_parallel>], iteration_bounds = array<i64: 2, 16>, scalar_prefetch = 0 : i64, scratch_operands = 15 : i64, tpu.core_type = #tpu.core_type<sc_vector_subcore>, window_params = [{transform_indices = #map}, {transform_indices = #map1}, {transform_indices = #map}, {transform_indices = #map2}]} {
    %mul3A = arith.constant 16 : i32
    %mul3A_0 = arith.muli %arg0, %mul3A : i32
    %add3A = arith.addi %mul3A_0, %arg1 : i32
    %mul3A_1 = arith.constant 3144 : i32
    %mul3A_2 = arith.muli %arg1, %mul3A_1 : i32
    "tpu.region"() ({
      %run_scoped3A = tpu.sem_alloc : memref<!tpu.dma_semaphore, #tpu.memory_space<semaphore_mem>>
      %dma_start3A = arith.constant 0 : i32
      %dma_start3A_13 = tpu.memref_slice %arg12[%mul3A_2, %dma_start3A] : memref<50304x32xf32, #tpu.memory_space<vmem_shared>> -> memref<3144x32xf32, #tpu.memory_space<vmem_shared>>
      tpu.enqueue_dma source(%arg4 : memref<3144x32xf32, #tpu.memory_space<hbm>>) target(%dma_start3A_13 : memref<3144x32xf32, #tpu.memory_space<vmem_shared>>) target_semaphore(%run_scoped3A : memref<!tpu.dma_semaphore, #tpu.memory_space<semaphore_mem>>)
      %dma_wait3A = arith.constant 0 : i32
      %dma_wait3A_14 = tpu.memref_slice %arg12[%mul3A_2, %dma_wait3A] : memref<50304x32xf32, #tpu.memory_space<vmem_shared>> -> memref<3144x32xf32, #tpu.memory_space<vmem_shared>>
      tpu.wait_dma2 semaphore(%run_scoped3A : memref<!tpu.dma_semaphore, #tpu.memory_space<semaphore_mem>>) src(%arg4 : memref<3144x32xf32, #tpu.memory_space<hbm>>) dst(%dma_wait3A_14 : memref<3144x32xf32, #tpu.memory_space<vmem_shared>>)
      tpu.yield
    }) : () -> ()
    %barrier3A = arith.constant 0 : index
    tpu.barrier barrier_id(%barrier3A)
    %scan3A = arith.constant 0 : i32
    %scan3A_3 = arith.constant 0 : i32
    %scan3A_4 = arith.constant 7 : i32
    %scan3A_5 = arith.addi %scan3A_3, %scan3A_4 : i32
    %scan3A_6 = arith.constant 1 : i32
    scf.for %scan3A_13 = %scan3A_3 to %scan3A_5 step %scan3A_6  : i32 {
      %mul3A_14 = arith.constant 28 : i32
      %mul3A_15 = arith.muli %scan3A_13, %mul3A_14 : i32
      %run_scoped3A = arith.constant 0 : i32
      "tpu.region"() ({
        %run_scoped3A_50 = tpu.sem_alloc : memref<!tpu.dma_semaphore, #tpu.memory_space<semaphore_mem>>
        %dma_start3A_51 = arith.constant 0 : i32
        %dma_start3A_52 = tpu.memref_slice %arg3[%run_scoped3A, %add3A, %mul3A_15, %dma_start3A_51] : memref<2x32x196x128xi32, #tpu.memory_space<hbm>> -> memref<1x1x28x128xi32, #tpu.memory_space<hbm>>
        %dma_start3A_53 = tpu.memref_squeeze %dma_start3A_52 : memref<1x1x28x128xi32, #tpu.memory_space<hbm>> -> memref<28x128xi32, #tpu.memory_space<hbm>>
        %dma_start3A_54 = arith.constant 0 : i32
        %dma_start3A_55 = tpu.memref_slice %arg3[%run_scoped3A, %add3A, %mul3A_15, %dma_start3A_54] : memref<2x32x196x128xi32, #tpu.memory_space<hbm>> -> memref<1x1x28x128xi32, #tpu.memory_space<hbm>>
        %dma_start3A_56 = tpu.memref_squeeze %dma_start3A_55 : memref<1x1x28x128xi32, #tpu.memory_space<hbm>> -> memref<28x128xi32, #tpu.memory_space<hbm>>
        tpu.enqueue_dma source(%dma_start3A_56 : memref<28x128xi32, #tpu.memory_space<hbm>>) target(%arg6 : memref<28x128xi32, #tpu.memory_space<vmem>>) target_semaphore(%run_scoped3A_50 : memref<!tpu.dma_semaphore, #tpu.memory_space<semaphore_mem>>)
        %dma_wait3A_57 = arith.constant 0 : i32
        %dma_wait3A_58 = tpu.memref_slice %arg3[%run_scoped3A, %add3A, %mul3A_15, %dma_wait3A_57] : memref<2x32x196x128xi32, #tpu.memory_space<hbm>> -> memref<1x1x28x128xi32, #tpu.memory_space<hbm>>
        %dma_wait3A_59 = tpu.memref_squeeze %dma_wait3A_58 : memref<1x1x28x128xi32, #tpu.memory_space<hbm>> -> memref<28x128xi32, #tpu.memory_space<hbm>>
        %dma_wait3A_60 = arith.constant 0 : i32
        %dma_wait3A_61 = tpu.memref_slice %arg3[%run_scoped3A, %add3A, %mul3A_15, %dma_wait3A_60] : memref<2x32x196x128xi32, #tpu.memory_space<hbm>> -> memref<1x1x28x128xi32, #tpu.memory_space<hbm>>
        %dma_wait3A_62 = tpu.memref_squeeze %dma_wait3A_61 : memref<1x1x28x128xi32, #tpu.memory_space<hbm>> -> memref<28x128xi32, #tpu.memory_space<hbm>>
        tpu.wait_dma2 semaphore(%run_scoped3A_50 : memref<!tpu.dma_semaphore, #tpu.memory_space<semaphore_mem>>) src(%dma_wait3A_62 : memref<28x128xi32, #tpu.memory_space<hbm>>) dst(%arg6 : memref<28x128xi32, #tpu.memory_space<vmem>>)
        tpu.yield
      }) : () -> ()
      %mul3A_16 = arith.constant 28 : i32
      %mul3A_17 = arith.muli %scan3A_13, %mul3A_16 : i32
      %run_scoped3A_18 = arith.constant 1 : i32
      "tpu.region"() ({
        %run_scoped3A_50 = tpu.sem_alloc : memref<!tpu.dma_semaphore, #tpu.memory_space<semaphore_mem>>
        %dma_start3A_51 = arith.constant 0 : i32
        %dma_start3A_52 = tpu.memref_slice %arg3[%run_scoped3A_18, %add3A, %mul3A_17, %dma_start3A_51] : memref<2x32x196x128xi32, #tpu.memory_space<hbm>> -> memref<1x1x28x128xi32, #tpu.memory_space<hbm>>
        %dma_start3A_53 = tpu.memref_squeeze %dma_start3A_52 : memref<1x1x28x128xi32, #tpu.memory_space<hbm>> -> memref<28x128xi32, #tpu.memory_space<hbm>>
        %dma_start3A_54 = arith.constant 0 : i32
        %dma_start3A_55 = tpu.memref_slice %arg3[%run_scoped3A_18, %add3A, %mul3A_17, %dma_start3A_54] : memref<2x32x196x128xi32, #tpu.memory_space<hbm>> -> memref<1x1x28x128xi32, #tpu.memory_space<hbm>>
        %dma_start3A_56 = tpu.memref_squeeze %dma_start3A_55 : memref<1x1x28x128xi32, #tpu.memory_space<hbm>> -> memref<28x128xi32, #tpu.memory_space<hbm>>
        tpu.enqueue_dma source(%dma_start3A_56 : memref<28x128xi32, #tpu.memory_space<hbm>>) target(%arg7 : memref<28x128xi32, #tpu.memory_space<vmem>>) target_semaphore(%run_scoped3A_50 : memref<!tpu.dma_semaphore, #tpu.memory_space<semaphore_mem>>)
        %dma_wait3A_57 = arith.constant 0 : i32
        %dma_wait3A_58 = tpu.memref_slice %arg3[%run_scoped3A_18, %add3A, %mul3A_17, %dma_wait3A_57] : memref<2x32x196x128xi32, #tpu.memory_space<hbm>> -> memref<1x1x28x128xi32, #tpu.memory_space<hbm>>
        %dma_wait3A_59 = tpu.memref_squeeze %dma_wait3A_58 : memref<1x1x28x128xi32, #tpu.memory_space<hbm>> -> memref<28x128xi32, #tpu.memory_space<hbm>>
        %dma_wait3A_60 = arith.constant 0 : i32
        %dma_wait3A_61 = tpu.memref_slice %arg3[%run_scoped3A_18, %add3A, %mul3A_17, %dma_wait3A_60] : memref<2x32x196x128xi32, #tpu.memory_space<hbm>> -> memref<1x1x28x128xi32, #tpu.memory_space<hbm>>
        %dma_wait3A_62 = tpu.memref_squeeze %dma_wait3A_61 : memref<1x1x28x128xi32, #tpu.memory_space<hbm>> -> memref<28x128xi32, #tpu.memory_space<hbm>>
        tpu.wait_dma2 semaphore(%run_scoped3A_50 : memref<!tpu.dma_semaphore, #tpu.memory_space<semaphore_mem>>) src(%dma_wait3A_62 : memref<28x128xi32, #tpu.memory_space<hbm>>) dst(%arg7 : memref<28x128xi32, #tpu.memory_space<vmem>>)
        tpu.yield
      }) : () -> ()
      %dma_start3A = arith.constant 0 : i32
      %dma_start3A_19 = arith.constant 0 : i32
      %dma_start3A_20 = tpu.memref_slice %arg6[%dma_start3A, %dma_start3A_19] : memref<28x128xi32, #tpu.memory_space<vmem>> -> memref<1x128xi32, #tpu.memory_space<vmem>>
      %dma_start3A_21 = tpu.memref_squeeze %dma_start3A_20 : memref<1x128xi32, #tpu.memory_space<vmem>> -> memref<128xi32, #tpu.memory_space<vmem>>
      %dma_start3A_22 = arith.constant 0 : i32
      %dma_start3A_23 = arith.constant 0 : i32
      %dma_start3A_24 = tpu.memref_slice %arg2[%dma_start3A_22, %dma_start3A_23] : memref<50304x32xf32, #tpu.memory_space<hbm>> -> memref<50304x32xf32, #tpu.memory_space<hbm>>
      tpu.enqueue_indirect_dma source(%dma_start3A_24 : memref<50304x32xf32, #tpu.memory_space<hbm>>) target(%arg8 : memref<128x32xf32, #tpu.memory_space<vmem>>) offsets(%dma_start3A_21 : memref<128xi32, #tpu.memory_space<vmem>>) semaphore(%arg13 : memref<!tpu.dma_semaphore, #tpu.memory_space<semaphore_mem>>)
      %dma_start3A_25 = arith.constant 1 : i32
      %dma_start3A_26 = arith.constant 0 : i32
      %dma_start3A_27 = tpu.memref_slice %arg6[%dma_start3A_25, %dma_start3A_26] : memref<28x128xi32, #tpu.memory_space<vmem>> -> memref<1x128xi32, #tpu.memory_space<vmem>>
      %dma_start3A_28 = tpu.memref_squeeze %dma_start3A_27 : memref<1x128xi32, #tpu.memory_space<vmem>> -> memref<128xi32, #tpu.memory_space<vmem>>
      %dma_start3A_29 = arith.constant 0 : i32
      %dma_start3A_30 = arith.constant 0 : i32
      %dma_start3A_31 = tpu.memref_slice %arg2[%dma_start3A_29, %dma_start3A_30] : memref<50304x32xf32, #tpu.memory_space<hbm>> -> memref<50304x32xf32, #tpu.memory_space<hbm>>
      tpu.enqueue_indirect_dma source(%dma_start3A_31 : memref<50304x32xf32, #tpu.memory_space<hbm>>) target(%arg9 : memref<128x32xf32, #tpu.memory_space<vmem>>) offsets(%dma_start3A_28 : memref<128xi32, #tpu.memory_space<vmem>>) semaphore(%arg14 : memref<!tpu.dma_semaphore, #tpu.memory_space<semaphore_mem>>)
      %scan3A_32 = arith.constant 0 : i32
      %scan3A_33 = arith.constant 7 : i32
      %scan3A_34 = arith.addi %scan3A_32, %scan3A_33 : i32
      %scan3A_35 = arith.constant 1 : i32
      scf.for %scan3A_50 = %scan3A_32 to %scan3A_34 step %scan3A_35  : i32 {
        %mul3A_51 = arith.constant 4 : i32
        %mul3A_52 = arith.muli %mul3A_51, %scan3A_50 : i32
        %add3A_53 = arith.constant 0 : i32
        %add3A_54 = arith.addi %mul3A_52, %add3A_53 : i32
        %ge3A = arith.constant 2 : i32
        %ge3A_55 = arith.cmpi sge, %add3A_54, %ge3A : i32
        %convert_element_type3A = arith.extui %ge3A_55 : i1 to i32
        %cond3A = arith.constant 0 : i32
        %cond3A_56 = arith.cmpi ne, %convert_element_type3A, %cond3A : i32
        scf.if %cond3A_56 {
          %sub3A = arith.constant 2 : i32
          %sub3A_159 = arith.subi %add3A_54, %sub3A : i32
          %dma_wait3A_160 = arith.constant 0 : i32
          %dma_wait3A_161 = tpu.memref_slice %arg7[%sub3A_159, %dma_wait3A_160] : memref<28x128xi32, #tpu.memory_space<vmem>> -> memref<1x128xi32, #tpu.memory_space<vmem>>
          %dma_wait3A_162 = tpu.memref_squeeze %dma_wait3A_161 : memref<1x128xi32, #tpu.memory_space<vmem>> -> memref<128xi32, #tpu.memory_space<vmem>>
          %dma_wait3A_163 = arith.constant 0 : i32
          %dma_wait3A_164 = arith.constant 0 : i32
          %dma_wait3A_165 = tpu.memref_slice %arg12[%dma_wait3A_163, %dma_wait3A_164] : memref<50304x32xf32, #tpu.memory_space<vmem_shared>> -> memref<50304x32xf32, #tpu.memory_space<vmem_shared>>
          tpu.wait_indirect_dma semaphore(%arg19 : memref<!tpu.dma_semaphore, #tpu.memory_space<semaphore_mem>>) src(%arg10 : memref<128x32xf32, #tpu.memory_space<vmem>>) dst(%dma_wait3A_165 : memref<50304x32xf32, #tpu.memory_space<vmem_shared>>)
        } else {
        }
        %add3A_57 = arith.constant 2 : i32
        %add3A_58 = arith.addi %add3A_54, %add3A_57 : i32
        %lt3A = arith.constant 28 : i32
        %lt3A_59 = arith.cmpi slt, %add3A_58, %lt3A : i32
        %convert_element_type3A_60 = arith.extui %lt3A_59 : i1 to i32
        %cond3A_61 = arith.constant 0 : i32
        %cond3A_62 = arith.cmpi ne, %convert_element_type3A_60, %cond3A_61 : i32
        scf.if %cond3A_62 {
          %add3A_159 = arith.constant 2 : i32
          %add3A_160 = arith.addi %add3A_54, %add3A_159 : i32
          %dma_start3A_161 = arith.constant 0 : i32
          %dma_start3A_162 = tpu.memref_slice %arg6[%add3A_160, %dma_start3A_161] : memref<28x128xi32, #tpu.memory_space<vmem>> -> memref<1x128xi32, #tpu.memory_space<vmem>>
          %dma_start3A_163 = tpu.memref_squeeze %dma_start3A_162 : memref<1x128xi32, #tpu.memory_space<vmem>> -> memref<128xi32, #tpu.memory_space<vmem>>
          %dma_start3A_164 = arith.constant 0 : i32
          %dma_start3A_165 = arith.constant 0 : i32
          %dma_start3A_166 = tpu.memref_slice %arg2[%dma_start3A_164, %dma_start3A_165] : memref<50304x32xf32, #tpu.memory_space<hbm>> -> memref<50304x32xf32, #tpu.memory_space<hbm>>
          tpu.enqueue_indirect_dma source(%dma_start3A_166 : memref<50304x32xf32, #tpu.memory_space<hbm>>) target(%arg10 : memref<128x32xf32, #tpu.memory_space<vmem>>) offsets(%dma_start3A_163 : memref<128xi32, #tpu.memory_space<vmem>>) semaphore(%arg15 : memref<!tpu.dma_semaphore, #tpu.memory_space<semaphore_mem>>)
        } else {
        }
        %dma_wait3A_63 = arith.constant 0 : i32
        %dma_wait3A_64 = tpu.memref_slice %arg6[%add3A_54, %dma_wait3A_63] : memref<28x128xi32, #tpu.memory_space<vmem>> -> memref<1x128xi32, #tpu.memory_space<vmem>>
        %dma_wait3A_65 = tpu.memref_squeeze %dma_wait3A_64 : memref<1x128xi32, #tpu.memory_space<vmem>> -> memref<128xi32, #tpu.memory_space<vmem>>
        %dma_wait3A_66 = arith.constant 0 : i32
        %dma_wait3A_67 = arith.constant 0 : i32
        %dma_wait3A_68 = tpu.memref_slice %arg2[%dma_wait3A_66, %dma_wait3A_67] : memref<50304x32xf32, #tpu.memory_space<hbm>> -> memref<50304x32xf32, #tpu.memory_space<hbm>>
        tpu.wait_indirect_dma semaphore(%arg13 : memref<!tpu.dma_semaphore, #tpu.memory_space<semaphore_mem>>) src(%dma_wait3A_68 : memref<50304x32xf32, #tpu.memory_space<hbm>>) dst(%arg8 : memref<128x32xf32, #tpu.memory_space<vmem>>)
        %dma_start3A_69 = arith.constant 0 : i32
        %dma_start3A_70 = tpu.memref_slice %arg7[%add3A_54, %dma_start3A_69] : memref<28x128xi32, #tpu.memory_space<vmem>> -> memref<1x128xi32, #tpu.memory_space<vmem>>
        %dma_start3A_71 = tpu.memref_squeeze %dma_start3A_70 : memref<1x128xi32, #tpu.memory_space<vmem>> -> memref<128xi32, #tpu.memory_space<vmem>>
        %dma_start3A_72 = arith.constant 0 : i32
        %dma_start3A_73 = arith.constant 0 : i32
        %dma_start3A_74 = tpu.memref_slice %arg12[%dma_start3A_72, %dma_start3A_73] : memref<50304x32xf32, #tpu.memory_space<vmem_shared>> -> memref<50304x32xf32, #tpu.memory_space<vmem_shared>>
        tpu.enqueue_indirect_dma source(%arg8 : memref<128x32xf32, #tpu.memory_space<vmem>>) target(%dma_start3A_74 : memref<50304x32xf32, #tpu.memory_space<vmem_shared>>) offsets(%dma_start3A_71 : memref<128xi32, #tpu.memory_space<vmem>>) semaphore(%arg17 : memref<!tpu.dma_semaphore, #tpu.memory_space<semaphore_mem>>) {add = true}
        %mul3A_75 = arith.constant 4 : i32
        %mul3A_76 = arith.muli %mul3A_75, %scan3A_50 : i32
        %add3A_77 = arith.constant 1 : i32
        %add3A_78 = arith.addi %mul3A_76, %add3A_77 : i32
        %ge3A_79 = arith.constant 2 : i32
        %ge3A_80 = arith.cmpi sge, %add3A_78, %ge3A_79 : i32
        %convert_element_type3A_81 = arith.extui %ge3A_80 : i1 to i32
        %cond3A_82 = arith.constant 0 : i32
        %cond3A_83 = arith.cmpi ne, %convert_element_type3A_81, %cond3A_82 : i32
        scf.if %cond3A_83 {
          %sub3A = arith.constant 2 : i32
          %sub3A_159 = arith.subi %add3A_78, %sub3A : i32
          %dma_wait3A_160 = arith.constant 0 : i32
          %dma_wait3A_161 = tpu.memref_slice %arg7[%sub3A_159, %dma_wait3A_160] : memref<28x128xi32, #tpu.memory_space<vmem>> -> memref<1x128xi32, #tpu.memory_space<vmem>>
          %dma_wait3A_162 = tpu.memref_squeeze %dma_wait3A_161 : memref<1x128xi32, #tpu.memory_space<vmem>> -> memref<128xi32, #tpu.memory_space<vmem>>
          %dma_wait3A_163 = arith.constant 0 : i32
          %dma_wait3A_164 = arith.constant 0 : i32
          %dma_wait3A_165 = tpu.memref_slice %arg12[%dma_wait3A_163, %dma_wait3A_164] : memref<50304x32xf32, #tpu.memory_space<vmem_shared>> -> memref<50304x32xf32, #tpu.memory_space<vmem_shared>>
          tpu.wait_indirect_dma semaphore(%arg20 : memref<!tpu.dma_semaphore, #tpu.memory_space<semaphore_mem>>) src(%arg11 : memref<128x32xf32, #tpu.memory_space<vmem>>) dst(%dma_wait3A_165 : memref<50304x32xf32, #tpu.memory_space<vmem_shared>>)
        } else {
        }
        %add3A_84 = arith.constant 2 : i32
        %add3A_85 = arith.addi %add3A_78, %add3A_84 : i32
        %lt3A_86 = arith.constant 28 : i32
        %lt3A_87 = arith.cmpi slt, %add3A_85, %lt3A_86 : i32
        %convert_element_type3A_88 = arith.extui %lt3A_87 : i1 to i32
        %cond3A_89 = arith.constant 0 : i32
        %cond3A_90 = arith.cmpi ne, %convert_element_type3A_88, %cond3A_89 : i32
        scf.if %cond3A_90 {
          %add3A_159 = arith.constant 2 : i32
          %add3A_160 = arith.addi %add3A_78, %add3A_159 : i32
          %dma_start3A_161 = arith.constant 0 : i32
          %dma_start3A_162 = tpu.memref_slice %arg6[%add3A_160, %dma_start3A_161] : memref<28x128xi32, #tpu.memory_space<vmem>> -> memref<1x128xi32, #tpu.memory_space<vmem>>
          %dma_start3A_163 = tpu.memref_squeeze %dma_start3A_162 : memref<1x128xi32, #tpu.memory_space<vmem>> -> memref<128xi32, #tpu.memory_space<vmem>>
          %dma_start3A_164 = arith.constant 0 : i32
          %dma_start3A_165 = arith.constant 0 : i32
          %dma_start3A_166 = tpu.memref_slice %arg2[%dma_start3A_164, %dma_start3A_165] : memref<50304x32xf32, #tpu.memory_space<hbm>> -> memref<50304x32xf32, #tpu.memory_space<hbm>>
          tpu.enqueue_indirect_dma source(%dma_start3A_166 : memref<50304x32xf32, #tpu.memory_space<hbm>>) target(%arg11 : memref<128x32xf32, #tpu.memory_space<vmem>>) offsets(%dma_start3A_163 : memref<128xi32, #tpu.memory_space<vmem>>) semaphore(%arg16 : memref<!tpu.dma_semaphore, #tpu.memory_space<semaphore_mem>>)
        } else {
        }
        %dma_wait3A_91 = arith.constant 0 : i32
        %dma_wait3A_92 = tpu.memref_slice %arg6[%add3A_78, %dma_wait3A_91] : memref<28x128xi32, #tpu.memory_space<vmem>> -> memref<1x128xi32, #tpu.memory_space<vmem>>
        %dma_wait3A_93 = tpu.memref_squeeze %dma_wait3A_92 : memref<1x128xi32, #tpu.memory_space<vmem>> -> memref<128xi32, #tpu.memory_space<vmem>>
        %dma_wait3A_94 = arith.constant 0 : i32
        %dma_wait3A_95 = arith.constant 0 : i32
        %dma_wait3A_96 = tpu.memref_slice %arg2[%dma_wait3A_94, %dma_wait3A_95] : memref<50304x32xf32, #tpu.memory_space<hbm>> -> memref<50304x32xf32, #tpu.memory_space<hbm>>
        tpu.wait_indirect_dma semaphore(%arg14 : memref<!tpu.dma_semaphore, #tpu.memory_space<semaphore_mem>>) src(%dma_wait3A_96 : memref<50304x32xf32, #tpu.memory_space<hbm>>) dst(%arg9 : memref<128x32xf32, #tpu.memory_space<vmem>>)
        %dma_start3A_97 = arith.constant 0 : i32
        %dma_start3A_98 = tpu.memref_slice %arg7[%add3A_78, %dma_start3A_97] : memref<28x128xi32, #tpu.memory_space<vmem>> -> memref<1x128xi32, #tpu.memory_space<vmem>>
        %dma_start3A_99 = tpu.memref_squeeze %dma_start3A_98 : memref<1x128xi32, #tpu.memory_space<vmem>> -> memref<128xi32, #tpu.memory_space<vmem>>
        %dma_start3A_100 = arith.constant 0 : i32
        %dma_start3A_101 = arith.constant 0 : i32
        %dma_start3A_102 = tpu.memref_slice %arg12[%dma_start3A_100, %dma_start3A_101] : memref<50304x32xf32, #tpu.memory_space<vmem_shared>> -> memref<50304x32xf32, #tpu.memory_space<vmem_shared>>
        tpu.enqueue_indirect_dma source(%arg9 : memref<128x32xf32, #tpu.memory_space<vmem>>) target(%dma_start3A_102 : memref<50304x32xf32, #tpu.memory_space<vmem_shared>>) offsets(%dma_start3A_99 : memref<128xi32, #tpu.memory_space<vmem>>) semaphore(%arg18 : memref<!tpu.dma_semaphore, #tpu.memory_space<semaphore_mem>>) {add = true}
        %mul3A_103 = arith.constant 4 : i32
        %mul3A_104 = arith.muli %mul3A_103, %scan3A_50 : i32
        %add3A_105 = arith.constant 2 : i32
        %add3A_106 = arith.addi %mul3A_104, %add3A_105 : i32
        %ge3A_107 = arith.constant 2 : i32
        %ge3A_108 = arith.cmpi sge, %add3A_106, %ge3A_107 : i32
        %convert_element_type3A_109 = arith.extui %ge3A_108 : i1 to i32
        %cond3A_110 = arith.constant 0 : i32
        %cond3A_111 = arith.cmpi ne, %convert_element_type3A_109, %cond3A_110 : i32
        scf.if %cond3A_111 {
          %sub3A = arith.constant 2 : i32
          %sub3A_159 = arith.subi %add3A_106, %sub3A : i32
          %dma_wait3A_160 = arith.constant 0 : i32
          %dma_wait3A_161 = tpu.memref_slice %arg7[%sub3A_159, %dma_wait3A_160] : memref<28x128xi32, #tpu.memory_space<vmem>> -> memref<1x128xi32, #tpu.memory_space<vmem>>
          %dma_wait3A_162 = tpu.memref_squeeze %dma_wait3A_161 : memref<1x128xi32, #tpu.memory_space<vmem>> -> memref<128xi32, #tpu.memory_space<vmem>>
          %dma_wait3A_163 = arith.constant 0 : i32
          %dma_wait3A_164 = arith.constant 0 : i32
          %dma_wait3A_165 = tpu.memref_slice %arg12[%dma_wait3A_163, %dma_wait3A_164] : memref<50304x32xf32, #tpu.memory_space<vmem_shared>> -> memref<50304x32xf32, #tpu.memory_space<vmem_shared>>
          tpu.wait_indirect_dma semaphore(%arg17 : memref<!tpu.dma_semaphore, #tpu.memory_space<semaphore_mem>>) src(%arg8 : memref<128x32xf32, #tpu.memory_space<vmem>>) dst(%dma_wait3A_165 : memref<50304x32xf32, #tpu.memory_space<vmem_shared>>)
        } else {
        }
        %add3A_112 = arith.constant 2 : i32
        %add3A_113 = arith.addi %add3A_106, %add3A_112 : i32
        %lt3A_114 = arith.constant 28 : i32
        %lt3A_115 = arith.cmpi slt, %add3A_113, %lt3A_114 : i32
        %convert_element_type3A_116 = arith.extui %lt3A_115 : i1 to i32
        %cond3A_117 = arith.constant 0 : i32
        %cond3A_118 = arith.cmpi ne, %convert_element_type3A_116, %cond3A_117 : i32
        scf.if %cond3A_118 {
          %add3A_159 = arith.constant 2 : i32
          %add3A_160 = arith.addi %add3A_106, %add3A_159 : i32
          %dma_start3A_161 = arith.constant 0 : i32
          %dma_start3A_162 = tpu.memref_slice %arg6[%add3A_160, %dma_start3A_161] : memref<28x128xi32, #tpu.memory_space<vmem>> -> memref<1x128xi32, #tpu.memory_space<vmem>>
          %dma_start3A_163 = tpu.memref_squeeze %dma_start3A_162 : memref<1x128xi32, #tpu.memory_space<vmem>> -> memref<128xi32, #tpu.memory_space<vmem>>
          %dma_start3A_164 = arith.constant 0 : i32
          %dma_start3A_165 = arith.constant 0 : i32
          %dma_start3A_166 = tpu.memref_slice %arg2[%dma_start3A_164, %dma_start3A_165] : memref<50304x32xf32, #tpu.memory_space<hbm>> -> memref<50304x32xf32, #tpu.memory_space<hbm>>
          tpu.enqueue_indirect_dma source(%dma_start3A_166 : memref<50304x32xf32, #tpu.memory_space<hbm>>) target(%arg8 : memref<128x32xf32, #tpu.memory_space<vmem>>) offsets(%dma_start3A_163 : memref<128xi32, #tpu.memory_space<vmem>>) semaphore(%arg13 : memref<!tpu.dma_semaphore, #tpu.memory_space<semaphore_mem>>)
        } else {
        }
        %dma_wait3A_119 = arith.constant 0 : i32
        %dma_wait3A_120 = tpu.memref_slice %arg6[%add3A_106, %dma_wait3A_119] : memref<28x128xi32, #tpu.memory_space<vmem>> -> memref<1x128xi32, #tpu.memory_space<vmem>>
        %dma_wait3A_121 = tpu.memref_squeeze %dma_wait3A_120 : memref<1x128xi32, #tpu.memory_space<vmem>> -> memref<128xi32, #tpu.memory_space<vmem>>
        %dma_wait3A_122 = arith.constant 0 : i32
        %dma_wait3A_123 = arith.constant 0 : i32
        %dma_wait3A_124 = tpu.memref_slice %arg2[%dma_wait3A_122, %dma_wait3A_123] : memref<50304x32xf32, #tpu.memory_space<hbm>> -> memref<50304x32xf32, #tpu.memory_space<hbm>>
        tpu.wait_indirect_dma semaphore(%arg15 : memref<!tpu.dma_semaphore, #tpu.memory_space<semaphore_mem>>) src(%dma_wait3A_124 : memref<50304x32xf32, #tpu.memory_space<hbm>>) dst(%arg10 : memref<128x32xf32, #tpu.memory_space<vmem>>)
        %dma_start3A_125 = arith.constant 0 : i32
        %dma_start3A_126 = tpu.memref_slice %arg7[%add3A_106, %dma_start3A_125] : memref<28x128xi32, #tpu.memory_space<vmem>> -> memref<1x128xi32, #tpu.memory_space<vmem>>
        %dma_start3A_127 = tpu.memref_squeeze %dma_start3A_126 : memref<1x128xi32, #tpu.memory_space<vmem>> -> memref<128xi32, #tpu.memory_space<vmem>>
        %dma_start3A_128 = arith.constant 0 : i32
        %dma_start3A_129 = arith.constant 0 : i32
        %dma_start3A_130 = tpu.memref_slice %arg12[%dma_start3A_128, %dma_start3A_129] : memref<50304x32xf32, #tpu.memory_space<vmem_shared>> -> memref<50304x32xf32, #tpu.memory_space<vmem_shared>>
        tpu.enqueue_indirect_dma source(%arg10 : memref<128x32xf32, #tpu.memory_space<vmem>>) target(%dma_start3A_130 : memref<50304x32xf32, #tpu.memory_space<vmem_shared>>) offsets(%dma_start3A_127 : memref<128xi32, #tpu.memory_space<vmem>>) semaphore(%arg19 : memref<!tpu.dma_semaphore, #tpu.memory_space<semaphore_mem>>) {add = true}
        %mul3A_131 = arith.constant 4 : i32
        %mul3A_132 = arith.muli %mul3A_131, %scan3A_50 : i32
        %add3A_133 = arith.constant 3 : i32
        %add3A_134 = arith.addi %mul3A_132, %add3A_133 : i32
        %ge3A_135 = arith.constant 2 : i32
        %ge3A_136 = arith.cmpi sge, %add3A_134, %ge3A_135 : i32
        %convert_element_type3A_137 = arith.extui %ge3A_136 : i1 to i32
        %cond3A_138 = arith.constant 0 : i32
        %cond3A_139 = arith.cmpi ne, %convert_element_type3A_137, %cond3A_138 : i32
        scf.if %cond3A_139 {
          %sub3A = arith.constant 2 : i32
          %sub3A_159 = arith.subi %add3A_134, %sub3A : i32
          %dma_wait3A_160 = arith.constant 0 : i32
          %dma_wait3A_161 = tpu.memref_slice %arg7[%sub3A_159, %dma_wait3A_160] : memref<28x128xi32, #tpu.memory_space<vmem>> -> memref<1x128xi32, #tpu.memory_space<vmem>>
          %dma_wait3A_162 = tpu.memref_squeeze %dma_wait3A_161 : memref<1x128xi32, #tpu.memory_space<vmem>> -> memref<128xi32, #tpu.memory_space<vmem>>
          %dma_wait3A_163 = arith.constant 0 : i32
          %dma_wait3A_164 = arith.constant 0 : i32
          %dma_wait3A_165 = tpu.memref_slice %arg12[%dma_wait3A_163, %dma_wait3A_164] : memref<50304x32xf32, #tpu.memory_space<vmem_shared>> -> memref<50304x32xf32, #tpu.memory_space<vmem_shared>>
          tpu.wait_indirect_dma semaphore(%arg18 : memref<!tpu.dma_semaphore, #tpu.memory_space<semaphore_mem>>) src(%arg9 : memref<128x32xf32, #tpu.memory_space<vmem>>) dst(%dma_wait3A_165 : memref<50304x32xf32, #tpu.memory_space<vmem_shared>>)
        } else {
        }
        %add3A_140 = arith.constant 2 : i32
        %add3A_141 = arith.addi %add3A_134, %add3A_140 : i32
        %lt3A_142 = arith.constant 28 : i32
        %lt3A_143 = arith.cmpi slt, %add3A_141, %lt3A_142 : i32
        %convert_element_type3A_144 = arith.extui %lt3A_143 : i1 to i32
        %cond3A_145 = arith.constant 0 : i32
        %cond3A_146 = arith.cmpi ne, %convert_element_type3A_144, %cond3A_145 : i32
        scf.if %cond3A_146 {
          %add3A_159 = arith.constant 2 : i32
          %add3A_160 = arith.addi %add3A_134, %add3A_159 : i32
          %dma_start3A_161 = arith.constant 0 : i32
          %dma_start3A_162 = tpu.memref_slice %arg6[%add3A_160, %dma_start3A_161] : memref<28x128xi32, #tpu.memory_space<vmem>> -> memref<1x128xi32, #tpu.memory_space<vmem>>
          %dma_start3A_163 = tpu.memref_squeeze %dma_start3A_162 : memref<1x128xi32, #tpu.memory_space<vmem>> -> memref<128xi32, #tpu.memory_space<vmem>>
          %dma_start3A_164 = arith.constant 0 : i32
          %dma_start3A_165 = arith.constant 0 : i32
          %dma_start3A_166 = tpu.memref_slice %arg2[%dma_start3A_164, %dma_start3A_165] : memref<50304x32xf32, #tpu.memory_space<hbm>> -> memref<50304x32xf32, #tpu.memory_space<hbm>>
          tpu.enqueue_indirect_dma source(%dma_start3A_166 : memref<50304x32xf32, #tpu.memory_space<hbm>>) target(%arg9 : memref<128x32xf32, #tpu.memory_space<vmem>>) offsets(%dma_start3A_163 : memref<128xi32, #tpu.memory_space<vmem>>) semaphore(%arg14 : memref<!tpu.dma_semaphore, #tpu.memory_space<semaphore_mem>>)
        } else {
        }
        %dma_wait3A_147 = arith.constant 0 : i32
        %dma_wait3A_148 = tpu.memref_slice %arg6[%add3A_134, %dma_wait3A_147] : memref<28x128xi32, #tpu.memory_space<vmem>> -> memref<1x128xi32, #tpu.memory_space<vmem>>
        %dma_wait3A_149 = tpu.memref_squeeze %dma_wait3A_148 : memref<1x128xi32, #tpu.memory_space<vmem>> -> memref<128xi32, #tpu.memory_space<vmem>>
        %dma_wait3A_150 = arith.constant 0 : i32
        %dma_wait3A_151 = arith.constant 0 : i32
        %dma_wait3A_152 = tpu.memref_slice %arg2[%dma_wait3A_150, %dma_wait3A_151] : memref<50304x32xf32, #tpu.memory_space<hbm>> -> memref<50304x32xf32, #tpu.memory_space<hbm>>
        tpu.wait_indirect_dma semaphore(%arg16 : memref<!tpu.dma_semaphore, #tpu.memory_space<semaphore_mem>>) src(%dma_wait3A_152 : memref<50304x32xf32, #tpu.memory_space<hbm>>) dst(%arg11 : memref<128x32xf32, #tpu.memory_space<vmem>>)
        %dma_start3A_153 = arith.constant 0 : i32
        %dma_start3A_154 = tpu.memref_slice %arg7[%add3A_134, %dma_start3A_153] : memref<28x128xi32, #tpu.memory_space<vmem>> -> memref<1x128xi32, #tpu.memory_space<vmem>>
        %dma_start3A_155 = tpu.memref_squeeze %dma_start3A_154 : memref<1x128xi32, #tpu.memory_space<vmem>> -> memref<128xi32, #tpu.memory_space<vmem>>
        %dma_start3A_156 = arith.constant 0 : i32
        %dma_start3A_157 = arith.constant 0 : i32
        %dma_start3A_158 = tpu.memref_slice %arg12[%dma_start3A_156, %dma_start3A_157] : memref<50304x32xf32, #tpu.memory_space<vmem_shared>> -> memref<50304x32xf32, #tpu.memory_space<vmem_shared>>
        tpu.enqueue_indirect_dma source(%arg11 : memref<128x32xf32, #tpu.memory_space<vmem>>) target(%dma_start3A_158 : memref<50304x32xf32, #tpu.memory_space<vmem_shared>>) offsets(%dma_start3A_155 : memref<128xi32, #tpu.memory_space<vmem>>) semaphore(%arg20 : memref<!tpu.dma_semaphore, #tpu.memory_space<semaphore_mem>>) {add = true}
      }
      %scan3A_36 = arith.constant 7 : i32
      %dma_wait3A = arith.constant 26 : i32
      %dma_wait3A_37 = arith.constant 0 : i32
      %dma_wait3A_38 = tpu.memref_slice %arg7[%dma_wait3A, %dma_wait3A_37] : memref<28x128xi32, #tpu.memory_space<vmem>> -> memref<1x128xi32, #tpu.memory_space<vmem>>
      %dma_wait3A_39 = tpu.memref_squeeze %dma_wait3A_38 : memref<1x128xi32, #tpu.memory_space<vmem>> -> memref<128xi32, #tpu.memory_space<vmem>>
      %dma_wait3A_40 = arith.constant 0 : i32
      %dma_wait3A_41 = arith.constant 0 : i32
      %dma_wait3A_42 = tpu.memref_slice %arg12[%dma_wait3A_40, %dma_wait3A_41] : memref<50304x32xf32, #tpu.memory_space<vmem_shared>> -> memref<50304x32xf32, #tpu.memory_space<vmem_shared>>
      tpu.wait_indirect_dma semaphore(%arg19 : memref<!tpu.dma_semaphore, #tpu.memory_space<semaphore_mem>>) src(%arg10 : memref<128x32xf32, #tpu.memory_space<vmem>>) dst(%dma_wait3A_42 : memref<50304x32xf32, #tpu.memory_space<vmem_shared>>)
      %dma_wait3A_43 = arith.constant 27 : i32
      %dma_wait3A_44 = arith.constant 0 : i32
      %dma_wait3A_45 = tpu.memref_slice %arg7[%dma_wait3A_43, %dma_wait3A_44] : memref<28x128xi32, #tpu.memory_space<vmem>> -> memref<1x128xi32, #tpu.memory_space<vmem>>
      %dma_wait3A_46 = tpu.memref_squeeze %dma_wait3A_45 : memref<1x128xi32, #tpu.memory_space<vmem>> -> memref<128xi32, #tpu.memory_space<vmem>>
      %dma_wait3A_47 = arith.constant 0 : i32
      %dma_wait3A_48 = arith.constant 0 : i32
      %dma_wait3A_49 = tpu.memref_slice %arg12[%dma_wait3A_47, %dma_wait3A_48] : memref<50304x32xf32, #tpu.memory_space<vmem_shared>> -> memref<50304x32xf32, #tpu.memory_space<vmem_shared>>
      tpu.wait_indirect_dma semaphore(%arg20 : memref<!tpu.dma_semaphore, #tpu.memory_space<semaphore_mem>>) src(%arg11 : memref<128x32xf32, #tpu.memory_space<vmem>>) dst(%dma_wait3A_49 : memref<50304x32xf32, #tpu.memory_space<vmem_shared>>)
    }
    %scan3A_7 = arith.constant 7 : i32
    %barrier3A_8 = arith.constant 0 : index
    tpu.barrier barrier_id(%barrier3A_8)
    %mul3A_9 = arith.constant 3144 : i32
    %mul3A_10 = arith.muli %arg1, %mul3A_9 : i32
    %mul3A_11 = arith.constant 3144 : i32
    %mul3A_12 = arith.muli %arg1, %mul3A_11 : i32
    "tpu.region"() ({
      %run_scoped3A = tpu.sem_alloc : memref<!tpu.dma_semaphore, #tpu.memory_space<semaphore_mem>>
      %dma_start3A = arith.constant 0 : i32
      %dma_start3A_13 = tpu.memref_slice %arg5[%arg0, %mul3A_12, %dma_start3A] : memref<2x50304x32xf32, #tpu.memory_space<hbm>> -> memref<1x3144x32xf32, #tpu.memory_space<hbm>>
      %dma_start3A_14 = tpu.memref_squeeze %dma_start3A_13 : memref<1x3144x32xf32, #tpu.memory_space<hbm>> -> memref<3144x32xf32, #tpu.memory_space<hbm>>
      %dma_start3A_15 = arith.constant 0 : i32
      %dma_start3A_16 = tpu.memref_slice %arg12[%mul3A_10, %dma_start3A_15] : memref<50304x32xf32, #tpu.memory_space<vmem_shared>> -> memref<3144x32xf32, #tpu.memory_space<vmem_shared>>
      tpu.enqueue_dma source(%dma_start3A_16 : memref<3144x32xf32, #tpu.memory_space<vmem_shared>>) target(%dma_start3A_14 : memref<3144x32xf32, #tpu.memory_space<hbm>>) target_semaphore(%run_scoped3A : memref<!tpu.dma_semaphore, #tpu.memory_space<semaphore_mem>>)
      %dma_wait3A = arith.constant 0 : i32
      %dma_wait3A_17 = tpu.memref_slice %arg5[%arg0, %mul3A_12, %dma_wait3A] : memref<2x50304x32xf32, #tpu.memory_space<hbm>> -> memref<1x3144x32xf32, #tpu.memory_space<hbm>>
      %dma_wait3A_18 = tpu.memref_squeeze %dma_wait3A_17 : memref<1x3144x32xf32, #tpu.memory_space<hbm>> -> memref<3144x32xf32, #tpu.memory_space<hbm>>
      %dma_wait3A_19 = arith.constant 0 : i32
      %dma_wait3A_20 = tpu.memref_slice %arg12[%mul3A_10, %dma_wait3A_19] : memref<50304x32xf32, #tpu.memory_space<vmem_shared>> -> memref<3144x32xf32, #tpu.memory_space<vmem_shared>>
      tpu.wait_dma2 semaphore(%run_scoped3A : memref<!tpu.dma_semaphore, #tpu.memory_space<semaphore_mem>>) src(%dma_wait3A_20 : memref<3144x32xf32, #tpu.memory_space<vmem_shared>>) dst(%dma_wait3A_18 : memref<3144x32xf32, #tpu.memory_space<hbm>>)
      tpu.yield
    }) : () -> ()
    return
  }
}

#map = affine_map<(d0, d1) -> (0, 0)>
#map1 = affine_map<(d0, d1) -> (0, 0, 0, 0)>
#map2 = affine_map<(d0, d1) -> (0, 0, 0)>
module attributes {stable_mosaic.version = 14 : i64} {
  func.func @_edge_kernel(%arg0: i32, %arg1: i32, %arg2: memref<50304x32xf32, #tpu.memory_space<hbm>>, %arg3: memref<2x32x196x128xi32, #tpu.memory_space<hbm>>, %arg4: memref<3144x32xf32, #tpu.memory_space<hbm>>, %arg5: memref<2x50304x32xf32, #tpu.memory_space<hbm>>, %arg6: memref<28x128xi32, #tpu.memory_space<vmem>>, %arg7: memref<28x128xi32, #tpu.memory_space<vmem>>, %arg8: memref<128x32xf32, #tpu.memory_space<vmem>>, %arg9: memref<128x32xf32, #tpu.memory_space<vmem>>, %arg10: memref<128x32xf32, #tpu.memory_space<vmem>>, %arg11: memref<128x32xf32, #tpu.memory_space<vmem>>, %arg12: memref<50304x32xf32, #tpu.memory_space<vmem_shared>>, %arg13: memref<!tpu.dma_semaphore, #tpu.memory_space<semaphore_mem>>, %arg14: memref<!tpu.dma_semaphore, #tpu.memory_space<semaphore_mem>>, %arg15: memref<!tpu.dma_semaphore, #tpu.memory_space<semaphore_mem>>, %arg16: memref<!tpu.dma_semaphore, #tpu.memory_space<semaphore_mem>>, %arg17: memref<!tpu.dma_semaphore, #tpu.memory_space<semaphore_mem>>, %arg18: memref<!tpu.dma_semaphore, #tpu.memory_space<semaphore_mem>>, %arg19: memref<!tpu.dma_semaphore, #tpu.memory_space<semaphore_mem>>, %arg20: memref<!tpu.dma_semaphore, #tpu.memory_space<semaphore_mem>>) attributes {dimension_semantics = [#tpu.dimension_semantics<core_parallel>, #tpu.dimension_semantics<subcore_parallel>], iteration_bounds = array<i64: 2, 16>, scalar_prefetch = 0 : i64, scratch_operands = 15 : i64, tpu.core_type = #tpu.core_type<sc_vector_subcore>, window_params = [{transform_indices = #map}, {transform_indices = #map1}, {transform_indices = #map}, {transform_indices = #map2}]} {
    %mul3A = arith.constant 16 : i32
    %mul3A_0 = arith.muli %arg0, %mul3A : i32
    %add3A = arith.addi %mul3A_0, %arg1 : i32
    %mul3A_1 = arith.constant 3144 : i32
    %mul3A_2 = arith.muli %arg1, %mul3A_1 : i32
    "tpu.region"() ({
      %run_scoped3A = tpu.sem_alloc : memref<!tpu.dma_semaphore, #tpu.memory_space<semaphore_mem>>
      %dma_start3A = arith.constant 0 : i32
      %dma_start3A_13 = tpu.memref_slice %arg12[%mul3A_2, %dma_start3A] : memref<50304x32xf32, #tpu.memory_space<vmem_shared>> -> memref<3144x32xf32, #tpu.memory_space<vmem_shared>>
      tpu.enqueue_dma source(%arg4 : memref<3144x32xf32, #tpu.memory_space<hbm>>) target(%dma_start3A_13 : memref<3144x32xf32, #tpu.memory_space<vmem_shared>>) target_semaphore(%run_scoped3A : memref<!tpu.dma_semaphore, #tpu.memory_space<semaphore_mem>>)
      %dma_wait3A = arith.constant 0 : i32
      %dma_wait3A_14 = tpu.memref_slice %arg12[%mul3A_2, %dma_wait3A] : memref<50304x32xf32, #tpu.memory_space<vmem_shared>> -> memref<3144x32xf32, #tpu.memory_space<vmem_shared>>
      tpu.wait_dma2 semaphore(%run_scoped3A : memref<!tpu.dma_semaphore, #tpu.memory_space<semaphore_mem>>) src(%arg4 : memref<3144x32xf32, #tpu.memory_space<hbm>>) dst(%dma_wait3A_14 : memref<3144x32xf32, #tpu.memory_space<vmem_shared>>)
      tpu.yield
    }) : () -> ()
    %barrier3A = arith.constant 0 : index
    tpu.barrier barrier_id(%barrier3A)
    %scan3A = arith.constant 0 : i32
    %scan3A_3 = arith.constant 0 : i32
    %scan3A_4 = arith.constant 7 : i32
    %scan3A_5 = arith.addi %scan3A_3, %scan3A_4 : i32
    %scan3A_6 = arith.constant 1 : i32
    scf.for %scan3A_13 = %scan3A_3 to %scan3A_5 step %scan3A_6  : i32 {
      %mul3A_14 = arith.constant 28 : i32
      %mul3A_15 = arith.muli %scan3A_13, %mul3A_14 : i32
      %run_scoped3A = arith.constant 0 : i32
      "tpu.region"() ({
        %run_scoped3A_50 = tpu.sem_alloc : memref<!tpu.dma_semaphore, #tpu.memory_space<semaphore_mem>>
        %dma_start3A_51 = arith.constant 0 : i32
        %dma_start3A_52 = tpu.memref_slice %arg3[%run_scoped3A, %add3A, %mul3A_15, %dma_start3A_51] : memref<2x32x196x128xi32, #tpu.memory_space<hbm>> -> memref<1x1x28x128xi32, #tpu.memory_space<hbm>>
        %dma_start3A_53 = tpu.memref_squeeze %dma_start3A_52 : memref<1x1x28x128xi32, #tpu.memory_space<hbm>> -> memref<28x128xi32, #tpu.memory_space<hbm>>
        %dma_start3A_54 = arith.constant 0 : i32
        %dma_start3A_55 = tpu.memref_slice %arg3[%run_scoped3A, %add3A, %mul3A_15, %dma_start3A_54] : memref<2x32x196x128xi32, #tpu.memory_space<hbm>> -> memref<1x1x28x128xi32, #tpu.memory_space<hbm>>
        %dma_start3A_56 = tpu.memref_squeeze %dma_start3A_55 : memref<1x1x28x128xi32, #tpu.memory_space<hbm>> -> memref<28x128xi32, #tpu.memory_space<hbm>>
        tpu.enqueue_dma source(%dma_start3A_56 : memref<28x128xi32, #tpu.memory_space<hbm>>) target(%arg6 : memref<28x128xi32, #tpu.memory_space<vmem>>) target_semaphore(%run_scoped3A_50 : memref<!tpu.dma_semaphore, #tpu.memory_space<semaphore_mem>>)
        %dma_wait3A_57 = arith.constant 0 : i32
        %dma_wait3A_58 = tpu.memref_slice %arg3[%run_scoped3A, %add3A, %mul3A_15, %dma_wait3A_57] : memref<2x32x196x128xi32, #tpu.memory_space<hbm>> -> memref<1x1x28x128xi32, #tpu.memory_space<hbm>>
        %dma_wait3A_59 = tpu.memref_squeeze %dma_wait3A_58 : memref<1x1x28x128xi32, #tpu.memory_space<hbm>> -> memref<28x128xi32, #tpu.memory_space<hbm>>
        %dma_wait3A_60 = arith.constant 0 : i32
        %dma_wait3A_61 = tpu.memref_slice %arg3[%run_scoped3A, %add3A, %mul3A_15, %dma_wait3A_60] : memref<2x32x196x128xi32, #tpu.memory_space<hbm>> -> memref<1x1x28x128xi32, #tpu.memory_space<hbm>>
        %dma_wait3A_62 = tpu.memref_squeeze %dma_wait3A_61 : memref<1x1x28x128xi32, #tpu.memory_space<hbm>> -> memref<28x128xi32, #tpu.memory_space<hbm>>
        tpu.wait_dma2 semaphore(%run_scoped3A_50 : memref<!tpu.dma_semaphore, #tpu.memory_space<semaphore_mem>>) src(%dma_wait3A_62 : memref<28x128xi32, #tpu.memory_space<hbm>>) dst(%arg6 : memref<28x128xi32, #tpu.memory_space<vmem>>)
        tpu.yield
      }) : () -> ()
      %mul3A_16 = arith.constant 28 : i32
      %mul3A_17 = arith.muli %scan3A_13, %mul3A_16 : i32
      %run_scoped3A_18 = arith.constant 1 : i32
      "tpu.region"() ({
        %run_scoped3A_50 = tpu.sem_alloc : memref<!tpu.dma_semaphore, #tpu.memory_space<semaphore_mem>>
        %dma_start3A_51 = arith.constant 0 : i32
        %dma_start3A_52 = tpu.memref_slice %arg3[%run_scoped3A_18, %add3A, %mul3A_17, %dma_start3A_51] : memref<2x32x196x128xi32, #tpu.memory_space<hbm>> -> memref<1x1x28x128xi32, #tpu.memory_space<hbm>>
        %dma_start3A_53 = tpu.memref_squeeze %dma_start3A_52 : memref<1x1x28x128xi32, #tpu.memory_space<hbm>> -> memref<28x128xi32, #tpu.memory_space<hbm>>
        %dma_start3A_54 = arith.constant 0 : i32
        %dma_start3A_55 = tpu.memref_slice %arg3[%run_scoped3A_18, %add3A, %mul3A_17, %dma_start3A_54] : memref<2x32x196x128xi32, #tpu.memory_space<hbm>> -> memref<1x1x28x128xi32, #tpu.memory_space<hbm>>
        %dma_start3A_56 = tpu.memref_squeeze %dma_start3A_55 : memref<1x1x28x128xi32, #tpu.memory_space<hbm>> -> memref<28x128xi32, #tpu.memory_space<hbm>>
        tpu.enqueue_dma source(%dma_start3A_56 : memref<28x128xi32, #tpu.memory_space<hbm>>) target(%arg7 : memref<28x128xi32, #tpu.memory_space<vmem>>) target_semaphore(%run_scoped3A_50 : memref<!tpu.dma_semaphore, #tpu.memory_space<semaphore_mem>>)
        %dma_wait3A_57 = arith.constant 0 : i32
        %dma_wait3A_58 = tpu.memref_slice %arg3[%run_scoped3A_18, %add3A, %mul3A_17, %dma_wait3A_57] : memref<2x32x196x128xi32, #tpu.memory_space<hbm>> -> memref<1x1x28x128xi32, #tpu.memory_space<hbm>>
        %dma_wait3A_59 = tpu.memref_squeeze %dma_wait3A_58 : memref<1x1x28x128xi32, #tpu.memory_space<hbm>> -> memref<28x128xi32, #tpu.memory_space<hbm>>
        %dma_wait3A_60 = arith.constant 0 : i32
        %dma_wait3A_61 = tpu.memref_slice %arg3[%run_scoped3A_18, %add3A, %mul3A_17, %dma_wait3A_60] : memref<2x32x196x128xi32, #tpu.memory_space<hbm>> -> memref<1x1x28x128xi32, #tpu.memory_space<hbm>>
        %dma_wait3A_62 = tpu.memref_squeeze %dma_wait3A_61 : memref<1x1x28x128xi32, #tpu.memory_space<hbm>> -> memref<28x128xi32, #tpu.memory_space<hbm>>
        tpu.wait_dma2 semaphore(%run_scoped3A_50 : memref<!tpu.dma_semaphore, #tpu.memory_space<semaphore_mem>>) src(%dma_wait3A_62 : memref<28x128xi32, #tpu.memory_space<hbm>>) dst(%arg7 : memref<28x128xi32, #tpu.memory_space<vmem>>)
        tpu.yield
      }) : () -> ()
      %dma_start3A = arith.constant 0 : i32
      %dma_start3A_19 = arith.constant 0 : i32
      %dma_start3A_20 = tpu.memref_slice %arg6[%dma_start3A, %dma_start3A_19] : memref<28x128xi32, #tpu.memory_space<vmem>> -> memref<1x128xi32, #tpu.memory_space<vmem>>
      %dma_start3A_21 = tpu.memref_squeeze %dma_start3A_20 : memref<1x128xi32, #tpu.memory_space<vmem>> -> memref<128xi32, #tpu.memory_space<vmem>>
      %dma_start3A_22 = arith.constant 0 : i32
      %dma_start3A_23 = arith.constant 0 : i32
      %dma_start3A_24 = tpu.memref_slice %arg2[%dma_start3A_22, %dma_start3A_23] : memref<50304x32xf32, #tpu.memory_space<hbm>> -> memref<50304x32xf32, #tpu.memory_space<hbm>>
      tpu.enqueue_indirect_dma source(%dma_start3A_24 : memref<50304x32xf32, #tpu.memory_space<hbm>>) target(%arg8 : memref<128x32xf32, #tpu.memory_space<vmem>>) offsets(%dma_start3A_21 : memref<128xi32, #tpu.memory_space<vmem>>) semaphore(%arg13 : memref<!tpu.dma_semaphore, #tpu.memory_space<semaphore_mem>>)
      %dma_start3A_25 = arith.constant 1 : i32
      %dma_start3A_26 = arith.constant 0 : i32
      %dma_start3A_27 = tpu.memref_slice %arg6[%dma_start3A_25, %dma_start3A_26] : memref<28x128xi32, #tpu.memory_space<vmem>> -> memref<1x128xi32, #tpu.memory_space<vmem>>
      %dma_start3A_28 = tpu.memref_squeeze %dma_start3A_27 : memref<1x128xi32, #tpu.memory_space<vmem>> -> memref<128xi32, #tpu.memory_space<vmem>>
      %dma_start3A_29 = arith.constant 0 : i32
      %dma_start3A_30 = arith.constant 0 : i32
      %dma_start3A_31 = tpu.memref_slice %arg2[%dma_start3A_29, %dma_start3A_30] : memref<50304x32xf32, #tpu.memory_space<hbm>> -> memref<50304x32xf32, #tpu.memory_space<hbm>>
      tpu.enqueue_indirect_dma source(%dma_start3A_31 : memref<50304x32xf32, #tpu.memory_space<hbm>>) target(%arg9 : memref<128x32xf32, #tpu.memory_space<vmem>>) offsets(%dma_start3A_28 : memref<128xi32, #tpu.memory_space<vmem>>) semaphore(%arg14 : memref<!tpu.dma_semaphore, #tpu.memory_space<semaphore_mem>>)
      %scan3A_32 = arith.constant 0 : i32
      %scan3A_33 = arith.constant 7 : i32
      %scan3A_34 = arith.addi %scan3A_32, %scan3A_33 : i32
      %scan3A_35 = arith.constant 1 : i32
      scf.for %scan3A_50 = %scan3A_32 to %scan3A_34 step %scan3A_35  : i32 {
        %mul3A_51 = arith.constant 4 : i32
        %mul3A_52 = arith.muli %mul3A_51, %scan3A_50 : i32
        %add3A_53 = arith.constant 0 : i32
        %add3A_54 = arith.addi %mul3A_52, %add3A_53 : i32
        %ge3A = arith.constant 2 : i32
        %ge3A_55 = arith.cmpi sge, %add3A_54, %ge3A : i32
        %convert_element_type3A = arith.extui %ge3A_55 : i1 to i32
        %cond3A = arith.constant 0 : i32
        %cond3A_56 = arith.cmpi ne, %convert_element_type3A, %cond3A : i32
        scf.if %cond3A_56 {
          %sub3A = arith.constant 2 : i32
          %sub3A_159 = arith.subi %add3A_54, %sub3A : i32
          %dma_wait3A_160 = arith.constant 0 : i32
          %dma_wait3A_161 = tpu.memref_slice %arg7[%sub3A_159, %dma_wait3A_160] : memref<28x128xi32, #tpu.memory_space<vmem>> -> memref<1x128xi32, #tpu.memory_space<vmem>>
          %dma_wait3A_162 = tpu.memref_squeeze %dma_wait3A_161 : memref<1x128xi32, #tpu.memory_space<vmem>> -> memref<128xi32, #tpu.memory_space<vmem>>
          %dma_wait3A_163 = arith.constant 0 : i32
          %dma_wait3A_164 = arith.constant 0 : i32
          %dma_wait3A_165 = tpu.memref_slice %arg12[%dma_wait3A_163, %dma_wait3A_164] : memref<50304x32xf32, #tpu.memory_space<vmem_shared>> -> memref<50304x32xf32, #tpu.memory_space<vmem_shared>>
          tpu.wait_indirect_dma semaphore(%arg19 : memref<!tpu.dma_semaphore, #tpu.memory_space<semaphore_mem>>) src(%arg10 : memref<128x32xf32, #tpu.memory_space<vmem>>) dst(%dma_wait3A_165 : memref<50304x32xf32, #tpu.memory_space<vmem_shared>>)
        } else {
        }
        %add3A_57 = arith.constant 2 : i32
        %add3A_58 = arith.addi %add3A_54, %add3A_57 : i32
        %lt3A = arith.constant 28 : i32
        %lt3A_59 = arith.cmpi slt, %add3A_58, %lt3A : i32
        %convert_element_type3A_60 = arith.extui %lt3A_59 : i1 to i32
        %cond3A_61 = arith.constant 0 : i32
        %cond3A_62 = arith.cmpi ne, %convert_element_type3A_60, %cond3A_61 : i32
        scf.if %cond3A_62 {
          %add3A_159 = arith.constant 2 : i32
          %add3A_160 = arith.addi %add3A_54, %add3A_159 : i32
          %dma_start3A_161 = arith.constant 0 : i32
          %dma_start3A_162 = tpu.memref_slice %arg6[%add3A_160, %dma_start3A_161] : memref<28x128xi32, #tpu.memory_space<vmem>> -> memref<1x128xi32, #tpu.memory_space<vmem>>
          %dma_start3A_163 = tpu.memref_squeeze %dma_start3A_162 : memref<1x128xi32, #tpu.memory_space<vmem>> -> memref<128xi32, #tpu.memory_space<vmem>>
          %dma_start3A_164 = arith.constant 0 : i32
          %dma_start3A_165 = arith.constant 0 : i32
          %dma_start3A_166 = tpu.memref_slice %arg2[%dma_start3A_164, %dma_start3A_165] : memref<50304x32xf32, #tpu.memory_space<hbm>> -> memref<50304x32xf32, #tpu.memory_space<hbm>>
          tpu.enqueue_indirect_dma source(%dma_start3A_166 : memref<50304x32xf32, #tpu.memory_space<hbm>>) target(%arg10 : memref<128x32xf32, #tpu.memory_space<vmem>>) offsets(%dma_start3A_163 : memref<128xi32, #tpu.memory_space<vmem>>) semaphore(%arg15 : memref<!tpu.dma_semaphore, #tpu.memory_space<semaphore_mem>>)
        } else {
        }
        %dma_wait3A_63 = arith.constant 0 : i32
        %dma_wait3A_64 = tpu.memref_slice %arg6[%add3A_54, %dma_wait3A_63] : memref<28x128xi32, #tpu.memory_space<vmem>> -> memref<1x128xi32, #tpu.memory_space<vmem>>
        %dma_wait3A_65 = tpu.memref_squeeze %dma_wait3A_64 : memref<1x128xi32, #tpu.memory_space<vmem>> -> memref<128xi32, #tpu.memory_space<vmem>>
        %dma_wait3A_66 = arith.constant 0 : i32
        %dma_wait3A_67 = arith.constant 0 : i32
        %dma_wait3A_68 = tpu.memref_slice %arg2[%dma_wait3A_66, %dma_wait3A_67] : memref<50304x32xf32, #tpu.memory_space<hbm>> -> memref<50304x32xf32, #tpu.memory_space<hbm>>
        tpu.wait_indirect_dma semaphore(%arg13 : memref<!tpu.dma_semaphore, #tpu.memory_space<semaphore_mem>>) src(%dma_wait3A_68 : memref<50304x32xf32, #tpu.memory_space<hbm>>) dst(%arg8 : memref<128x32xf32, #tpu.memory_space<vmem>>)
        %dma_start3A_69 = arith.constant 0 : i32
        %dma_start3A_70 = tpu.memref_slice %arg7[%add3A_54, %dma_start3A_69] : memref<28x128xi32, #tpu.memory_space<vmem>> -> memref<1x128xi32, #tpu.memory_space<vmem>>
        %dma_start3A_71 = tpu.memref_squeeze %dma_start3A_70 : memref<1x128xi32, #tpu.memory_space<vmem>> -> memref<128xi32, #tpu.memory_space<vmem>>
        %dma_start3A_72 = arith.constant 0 : i32
        %dma_start3A_73 = arith.constant 0 : i32
        %dma_start3A_74 = tpu.memref_slice %arg12[%dma_start3A_72, %dma_start3A_73] : memref<50304x32xf32, #tpu.memory_space<vmem_shared>> -> memref<50304x32xf32, #tpu.memory_space<vmem_shared>>
        tpu.enqueue_indirect_dma source(%arg8 : memref<128x32xf32, #tpu.memory_space<vmem>>) target(%dma_start3A_74 : memref<50304x32xf32, #tpu.memory_space<vmem_shared>>) offsets(%dma_start3A_71 : memref<128xi32, #tpu.memory_space<vmem>>) semaphore(%arg17 : memref<!tpu.dma_semaphore, #tpu.memory_space<semaphore_mem>>) {add = true}
        %mul3A_75 = arith.constant 4 : i32
        %mul3A_76 = arith.muli %mul3A_75, %scan3A_50 : i32
        %add3A_77 = arith.constant 1 : i32
        %add3A_78 = arith.addi %mul3A_76, %add3A_77 : i32
        %ge3A_79 = arith.constant 2 : i32
        %ge3A_80 = arith.cmpi sge, %add3A_78, %ge3A_79 : i32
        %convert_element_type3A_81 = arith.extui %ge3A_80 : i1 to i32
        %cond3A_82 = arith.constant 0 : i32
        %cond3A_83 = arith.cmpi ne, %convert_element_type3A_81, %cond3A_82 : i32
        scf.if %cond3A_83 {
          %sub3A = arith.constant 2 : i32
          %sub3A_159 = arith.subi %add3A_78, %sub3A : i32
          %dma_wait3A_160 = arith.constant 0 : i32
          %dma_wait3A_161 = tpu.memref_slice %arg7[%sub3A_159, %dma_wait3A_160] : memref<28x128xi32, #tpu.memory_space<vmem>> -> memref<1x128xi32, #tpu.memory_space<vmem>>
          %dma_wait3A_162 = tpu.memref_squeeze %dma_wait3A_161 : memref<1x128xi32, #tpu.memory_space<vmem>> -> memref<128xi32, #tpu.memory_space<vmem>>
          %dma_wait3A_163 = arith.constant 0 : i32
          %dma_wait3A_164 = arith.constant 0 : i32
          %dma_wait3A_165 = tpu.memref_slice %arg12[%dma_wait3A_163, %dma_wait3A_164] : memref<50304x32xf32, #tpu.memory_space<vmem_shared>> -> memref<50304x32xf32, #tpu.memory_space<vmem_shared>>
          tpu.wait_indirect_dma semaphore(%arg20 : memref<!tpu.dma_semaphore, #tpu.memory_space<semaphore_mem>>) src(%arg11 : memref<128x32xf32, #tpu.memory_space<vmem>>) dst(%dma_wait3A_165 : memref<50304x32xf32, #tpu.memory_space<vmem_shared>>)
        } else {
        }
        %add3A_84 = arith.constant 2 : i32
        %add3A_85 = arith.addi %add3A_78, %add3A_84 : i32
        %lt3A_86 = arith.constant 28 : i32
        %lt3A_87 = arith.cmpi slt, %add3A_85, %lt3A_86 : i32
        %convert_element_type3A_88 = arith.extui %lt3A_87 : i1 to i32
        %cond3A_89 = arith.constant 0 : i32
        %cond3A_90 = arith.cmpi ne, %convert_element_type3A_88, %cond3A_89 : i32
        scf.if %cond3A_90 {
          %add3A_159 = arith.constant 2 : i32
          %add3A_160 = arith.addi %add3A_78, %add3A_159 : i32
          %dma_start3A_161 = arith.constant 0 : i32
          %dma_start3A_162 = tpu.memref_slice %arg6[%add3A_160, %dma_start3A_161] : memref<28x128xi32, #tpu.memory_space<vmem>> -> memref<1x128xi32, #tpu.memory_space<vmem>>
          %dma_start3A_163 = tpu.memref_squeeze %dma_start3A_162 : memref<1x128xi32, #tpu.memory_space<vmem>> -> memref<128xi32, #tpu.memory_space<vmem>>
          %dma_start3A_164 = arith.constant 0 : i32
          %dma_start3A_165 = arith.constant 0 : i32
          %dma_start3A_166 = tpu.memref_slice %arg2[%dma_start3A_164, %dma_start3A_165] : memref<50304x32xf32, #tpu.memory_space<hbm>> -> memref<50304x32xf32, #tpu.memory_space<hbm>>
          tpu.enqueue_indirect_dma source(%dma_start3A_166 : memref<50304x32xf32, #tpu.memory_space<hbm>>) target(%arg11 : memref<128x32xf32, #tpu.memory_space<vmem>>) offsets(%dma_start3A_163 : memref<128xi32, #tpu.memory_space<vmem>>) semaphore(%arg16 : memref<!tpu.dma_semaphore, #tpu.memory_space<semaphore_mem>>)
        } else {
        }
        %dma_wait3A_91 = arith.constant 0 : i32
        %dma_wait3A_92 = tpu.memref_slice %arg6[%add3A_78, %dma_wait3A_91] : memref<28x128xi32, #tpu.memory_space<vmem>> -> memref<1x128xi32, #tpu.memory_space<vmem>>
        %dma_wait3A_93 = tpu.memref_squeeze %dma_wait3A_92 : memref<1x128xi32, #tpu.memory_space<vmem>> -> memref<128xi32, #tpu.memory_space<vmem>>
        %dma_wait3A_94 = arith.constant 0 : i32
        %dma_wait3A_95 = arith.constant 0 : i32
        %dma_wait3A_96 = tpu.memref_slice %arg2[%dma_wait3A_94, %dma_wait3A_95] : memref<50304x32xf32, #tpu.memory_space<hbm>> -> memref<50304x32xf32, #tpu.memory_space<hbm>>
        tpu.wait_indirect_dma semaphore(%arg14 : memref<!tpu.dma_semaphore, #tpu.memory_space<semaphore_mem>>) src(%dma_wait3A_96 : memref<50304x32xf32, #tpu.memory_space<hbm>>) dst(%arg9 : memref<128x32xf32, #tpu.memory_space<vmem>>)
        %dma_start3A_97 = arith.constant 0 : i32
        %dma_start3A_98 = tpu.memref_slice %arg7[%add3A_78, %dma_start3A_97] : memref<28x128xi32, #tpu.memory_space<vmem>> -> memref<1x128xi32, #tpu.memory_space<vmem>>
        %dma_start3A_99 = tpu.memref_squeeze %dma_start3A_98 : memref<1x128xi32, #tpu.memory_space<vmem>> -> memref<128xi32, #tpu.memory_space<vmem>>
        %dma_start3A_100 = arith.constant 0 : i32
        %dma_start3A_101 = arith.constant 0 : i32
        %dma_start3A_102 = tpu.memref_slice %arg12[%dma_start3A_100, %dma_start3A_101] : memref<50304x32xf32, #tpu.memory_space<vmem_shared>> -> memref<50304x32xf32, #tpu.memory_space<vmem_shared>>
        tpu.enqueue_indirect_dma source(%arg9 : memref<128x32xf32, #tpu.memory_space<vmem>>) target(%dma_start3A_102 : memref<50304x32xf32, #tpu.memory_space<vmem_shared>>) offsets(%dma_start3A_99 : memref<128xi32, #tpu.memory_space<vmem>>) semaphore(%arg18 : memref<!tpu.dma_semaphore, #tpu.memory_space<semaphore_mem>>) {add = true}
        %mul3A_103 = arith.constant 4 : i32
        %mul3A_104 = arith.muli %mul3A_103, %scan3A_50 : i32
        %add3A_105 = arith.constant 2 : i32
        %add3A_106 = arith.addi %mul3A_104, %add3A_105 : i32
        %ge3A_107 = arith.constant 2 : i32
        %ge3A_108 = arith.cmpi sge, %add3A_106, %ge3A_107 : i32
        %convert_element_type3A_109 = arith.extui %ge3A_108 : i1 to i32
        %cond3A_110 = arith.constant 0 : i32
        %cond3A_111 = arith.cmpi ne, %convert_element_type3A_109, %cond3A_110 : i32
        scf.if %cond3A_111 {
          %sub3A = arith.constant 2 : i32
          %sub3A_159 = arith.subi %add3A_106, %sub3A : i32
          %dma_wait3A_160 = arith.constant 0 : i32
          %dma_wait3A_161 = tpu.memref_slice %arg7[%sub3A_159, %dma_wait3A_160] : memref<28x128xi32, #tpu.memory_space<vmem>> -> memref<1x128xi32, #tpu.memory_space<vmem>>
          %dma_wait3A_162 = tpu.memref_squeeze %dma_wait3A_161 : memref<1x128xi32, #tpu.memory_space<vmem>> -> memref<128xi32, #tpu.memory_space<vmem>>
          %dma_wait3A_163 = arith.constant 0 : i32
          %dma_wait3A_164 = arith.constant 0 : i32
          %dma_wait3A_165 = tpu.memref_slice %arg12[%dma_wait3A_163, %dma_wait3A_164] : memref<50304x32xf32, #tpu.memory_space<vmem_shared>> -> memref<50304x32xf32, #tpu.memory_space<vmem_shared>>
          tpu.wait_indirect_dma semaphore(%arg17 : memref<!tpu.dma_semaphore, #tpu.memory_space<semaphore_mem>>) src(%arg8 : memref<128x32xf32, #tpu.memory_space<vmem>>) dst(%dma_wait3A_165 : memref<50304x32xf32, #tpu.memory_space<vmem_shared>>)
        } else {
        }
        %add3A_112 = arith.constant 2 : i32
        %add3A_113 = arith.addi %add3A_106, %add3A_112 : i32
        %lt3A_114 = arith.constant 28 : i32
        %lt3A_115 = arith.cmpi slt, %add3A_113, %lt3A_114 : i32
        %convert_element_type3A_116 = arith.extui %lt3A_115 : i1 to i32
        %cond3A_117 = arith.constant 0 : i32
        %cond3A_118 = arith.cmpi ne, %convert_element_type3A_116, %cond3A_117 : i32
        scf.if %cond3A_118 {
          %add3A_159 = arith.constant 2 : i32
          %add3A_160 = arith.addi %add3A_106, %add3A_159 : i32
          %dma_start3A_161 = arith.constant 0 : i32
          %dma_start3A_162 = tpu.memref_slice %arg6[%add3A_160, %dma_start3A_161] : memref<28x128xi32, #tpu.memory_space<vmem>> -> memref<1x128xi32, #tpu.memory_space<vmem>>
          %dma_start3A_163 = tpu.memref_squeeze %dma_start3A_162 : memref<1x128xi32, #tpu.memory_space<vmem>> -> memref<128xi32, #tpu.memory_space<vmem>>
          %dma_start3A_164 = arith.constant 0 : i32
          %dma_start3A_165 = arith.constant 0 : i32
          %dma_start3A_166 = tpu.memref_slice %arg2[%dma_start3A_164, %dma_start3A_165] : memref<50304x32xf32, #tpu.memory_space<hbm>> -> memref<50304x32xf32, #tpu.memory_space<hbm>>
          tpu.enqueue_indirect_dma source(%dma_start3A_166 : memref<50304x32xf32, #tpu.memory_space<hbm>>) target(%arg8 : memref<128x32xf32, #tpu.memory_space<vmem>>) offsets(%dma_start3A_163 : memref<128xi32, #tpu.memory_space<vmem>>) semaphore(%arg13 : memref<!tpu.dma_semaphore, #tpu.memory_space<semaphore_mem>>)
        } else {
        }
        %dma_wait3A_119 = arith.constant 0 : i32
        %dma_wait3A_120 = tpu.memref_slice %arg6[%add3A_106, %dma_wait3A_119] : memref<28x128xi32, #tpu.memory_space<vmem>> -> memref<1x128xi32, #tpu.memory_space<vmem>>
        %dma_wait3A_121 = tpu.memref_squeeze %dma_wait3A_120 : memref<1x128xi32, #tpu.memory_space<vmem>> -> memref<128xi32, #tpu.memory_space<vmem>>
        %dma_wait3A_122 = arith.constant 0 : i32
        %dma_wait3A_123 = arith.constant 0 : i32
        %dma_wait3A_124 = tpu.memref_slice %arg2[%dma_wait3A_122, %dma_wait3A_123] : memref<50304x32xf32, #tpu.memory_space<hbm>> -> memref<50304x32xf32, #tpu.memory_space<hbm>>
        tpu.wait_indirect_dma semaphore(%arg15 : memref<!tpu.dma_semaphore, #tpu.memory_space<semaphore_mem>>) src(%dma_wait3A_124 : memref<50304x32xf32, #tpu.memory_space<hbm>>) dst(%arg10 : memref<128x32xf32, #tpu.memory_space<vmem>>)
        %dma_start3A_125 = arith.constant 0 : i32
        %dma_start3A_126 = tpu.memref_slice %arg7[%add3A_106, %dma_start3A_125] : memref<28x128xi32, #tpu.memory_space<vmem>> -> memref<1x128xi32, #tpu.memory_space<vmem>>
        %dma_start3A_127 = tpu.memref_squeeze %dma_start3A_126 : memref<1x128xi32, #tpu.memory_space<vmem>> -> memref<128xi32, #tpu.memory_space<vmem>>
        %dma_start3A_128 = arith.constant 0 : i32
        %dma_start3A_129 = arith.constant 0 : i32
        %dma_start3A_130 = tpu.memref_slice %arg12[%dma_start3A_128, %dma_start3A_129] : memref<50304x32xf32, #tpu.memory_space<vmem_shared>> -> memref<50304x32xf32, #tpu.memory_space<vmem_shared>>
        tpu.enqueue_indirect_dma source(%arg10 : memref<128x32xf32, #tpu.memory_space<vmem>>) target(%dma_start3A_130 : memref<50304x32xf32, #tpu.memory_space<vmem_shared>>) offsets(%dma_start3A_127 : memref<128xi32, #tpu.memory_space<vmem>>) semaphore(%arg19 : memref<!tpu.dma_semaphore, #tpu.memory_space<semaphore_mem>>) {add = true}
        %mul3A_131 = arith.constant 4 : i32
        %mul3A_132 = arith.muli %mul3A_131, %scan3A_50 : i32
        %add3A_133 = arith.constant 3 : i32
        %add3A_134 = arith.addi %mul3A_132, %add3A_133 : i32
        %ge3A_135 = arith.constant 2 : i32
        %ge3A_136 = arith.cmpi sge, %add3A_134, %ge3A_135 : i32
        %convert_element_type3A_137 = arith.extui %ge3A_136 : i1 to i32
        %cond3A_138 = arith.constant 0 : i32
        %cond3A_139 = arith.cmpi ne, %convert_element_type3A_137, %cond3A_138 : i32
        scf.if %cond3A_139 {
          %sub3A = arith.constant 2 : i32
          %sub3A_159 = arith.subi %add3A_134, %sub3A : i32
          %dma_wait3A_160 = arith.constant 0 : i32
          %dma_wait3A_161 = tpu.memref_slice %arg7[%sub3A_159, %dma_wait3A_160] : memref<28x128xi32, #tpu.memory_space<vmem>> -> memref<1x128xi32, #tpu.memory_space<vmem>>
          %dma_wait3A_162 = tpu.memref_squeeze %dma_wait3A_161 : memref<1x128xi32, #tpu.memory_space<vmem>> -> memref<128xi32, #tpu.memory_space<vmem>>
          %dma_wait3A_163 = arith.constant 0 : i32
          %dma_wait3A_164 = arith.constant 0 : i32
          %dma_wait3A_165 = tpu.memref_slice %arg12[%dma_wait3A_163, %dma_wait3A_164] : memref<50304x32xf32, #tpu.memory_space<vmem_shared>> -> memref<50304x32xf32, #tpu.memory_space<vmem_shared>>
          tpu.wait_indirect_dma semaphore(%arg18 : memref<!tpu.dma_semaphore, #tpu.memory_space<semaphore_mem>>) src(%arg9 : memref<128x32xf32, #tpu.memory_space<vmem>>) dst(%dma_wait3A_165 : memref<50304x32xf32, #tpu.memory_space<vmem_shared>>)
        } else {
        }
        %add3A_140 = arith.constant 2 : i32
        %add3A_141 = arith.addi %add3A_134, %add3A_140 : i32
        %lt3A_142 = arith.constant 28 : i32
        %lt3A_143 = arith.cmpi slt, %add3A_141, %lt3A_142 : i32
        %convert_element_type3A_144 = arith.extui %lt3A_143 : i1 to i32
        %cond3A_145 = arith.constant 0 : i32
        %cond3A_146 = arith.cmpi ne, %convert_element_type3A_144, %cond3A_145 : i32
        scf.if %cond3A_146 {
          %add3A_159 = arith.constant 2 : i32
          %add3A_160 = arith.addi %add3A_134, %add3A_159 : i32
          %dma_start3A_161 = arith.constant 0 : i32
          %dma_start3A_162 = tpu.memref_slice %arg6[%add3A_160, %dma_start3A_161] : memref<28x128xi32, #tpu.memory_space<vmem>> -> memref<1x128xi32, #tpu.memory_space<vmem>>
          %dma_start3A_163 = tpu.memref_squeeze %dma_start3A_162 : memref<1x128xi32, #tpu.memory_space<vmem>> -> memref<128xi32, #tpu.memory_space<vmem>>
          %dma_start3A_164 = arith.constant 0 : i32
          %dma_start3A_165 = arith.constant 0 : i32
          %dma_start3A_166 = tpu.memref_slice %arg2[%dma_start3A_164, %dma_start3A_165] : memref<50304x32xf32, #tpu.memory_space<hbm>> -> memref<50304x32xf32, #tpu.memory_space<hbm>>
          tpu.enqueue_indirect_dma source(%dma_start3A_166 : memref<50304x32xf32, #tpu.memory_space<hbm>>) target(%arg9 : memref<128x32xf32, #tpu.memory_space<vmem>>) offsets(%dma_start3A_163 : memref<128xi32, #tpu.memory_space<vmem>>) semaphore(%arg14 : memref<!tpu.dma_semaphore, #tpu.memory_space<semaphore_mem>>)
        } else {
        }
        %dma_wait3A_147 = arith.constant 0 : i32
        %dma_wait3A_148 = tpu.memref_slice %arg6[%add3A_134, %dma_wait3A_147] : memref<28x128xi32, #tpu.memory_space<vmem>> -> memref<1x128xi32, #tpu.memory_space<vmem>>
        %dma_wait3A_149 = tpu.memref_squeeze %dma_wait3A_148 : memref<1x128xi32, #tpu.memory_space<vmem>> -> memref<128xi32, #tpu.memory_space<vmem>>
        %dma_wait3A_150 = arith.constant 0 : i32
        %dma_wait3A_151 = arith.constant 0 : i32
        %dma_wait3A_152 = tpu.memref_slice %arg2[%dma_wait3A_150, %dma_wait3A_151] : memref<50304x32xf32, #tpu.memory_space<hbm>> -> memref<50304x32xf32, #tpu.memory_space<hbm>>
        tpu.wait_indirect_dma semaphore(%arg16 : memref<!tpu.dma_semaphore, #tpu.memory_space<semaphore_mem>>) src(%dma_wait3A_152 : memref<50304x32xf32, #tpu.memory_space<hbm>>) dst(%arg11 : memref<128x32xf32, #tpu.memory_space<vmem>>)
        %dma_start3A_153 = arith.constant 0 : i32
        %dma_start3A_154 = tpu.memref_slice %arg7[%add3A_134, %dma_start3A_153] : memref<28x128xi32, #tpu.memory_space<vmem>> -> memref<1x128xi32, #tpu.memory_space<vmem>>
        %dma_start3A_155 = tpu.memref_squeeze %dma_start3A_154 : memref<1x128xi32, #tpu.memory_space<vmem>> -> memref<128xi32, #tpu.memory_space<vmem>>
        %dma_start3A_156 = arith.constant 0 : i32
        %dma_start3A_157 = arith.constant 0 : i32
        %dma_start3A_158 = tpu.memref_slice %arg12[%dma_start3A_156, %dma_start3A_157] : memref<50304x32xf32, #tpu.memory_space<vmem_shared>> -> memref<50304x32xf32, #tpu.memory_space<vmem_shared>>
        tpu.enqueue_indirect_dma source(%arg11 : memref<128x32xf32, #tpu.memory_space<vmem>>) target(%dma_start3A_158 : memref<50304x32xf32, #tpu.memory_space<vmem_shared>>) offsets(%dma_start3A_155 : memref<128xi32, #tpu.memory_space<vmem>>) semaphore(%arg20 : memref<!tpu.dma_semaphore, #tpu.memory_space<semaphore_mem>>) {add = true}
      }
      %scan3A_36 = arith.constant 7 : i32
      %dma_wait3A = arith.constant 26 : i32
      %dma_wait3A_37 = arith.constant 0 : i32
      %dma_wait3A_38 = tpu.memref_slice %arg7[%dma_wait3A, %dma_wait3A_37] : memref<28x128xi32, #tpu.memory_space<vmem>> -> memref<1x128xi32, #tpu.memory_space<vmem>>
      %dma_wait3A_39 = tpu.memref_squeeze %dma_wait3A_38 : memref<1x128xi32, #tpu.memory_space<vmem>> -> memref<128xi32, #tpu.memory_space<vmem>>
      %dma_wait3A_40 = arith.constant 0 : i32
      %dma_wait3A_41 = arith.constant 0 : i32
      %dma_wait3A_42 = tpu.memref_slice %arg12[%dma_wait3A_40, %dma_wait3A_41] : memref<50304x32xf32, #tpu.memory_space<vmem_shared>> -> memref<50304x32xf32, #tpu.memory_space<vmem_shared>>
      tpu.wait_indirect_dma semaphore(%arg19 : memref<!tpu.dma_semaphore, #tpu.memory_space<semaphore_mem>>) src(%arg10 : memref<128x32xf32, #tpu.memory_space<vmem>>) dst(%dma_wait3A_42 : memref<50304x32xf32, #tpu.memory_space<vmem_shared>>)
      %dma_wait3A_43 = arith.constant 27 : i32
      %dma_wait3A_44 = arith.constant 0 : i32
      %dma_wait3A_45 = tpu.memref_slice %arg7[%dma_wait3A_43, %dma_wait3A_44] : memref<28x128xi32, #tpu.memory_space<vmem>> -> memref<1x128xi32, #tpu.memory_space<vmem>>
      %dma_wait3A_46 = tpu.memref_squeeze %dma_wait3A_45 : memref<1x128xi32, #tpu.memory_space<vmem>> -> memref<128xi32, #tpu.memory_space<vmem>>
      %dma_wait3A_47 = arith.constant 0 : i32
      %dma_wait3A_48 = arith.constant 0 : i32
      %dma_wait3A_49 = tpu.memref_slice %arg12[%dma_wait3A_47, %dma_wait3A_48] : memref<50304x32xf32, #tpu.memory_space<vmem_shared>> -> memref<50304x32xf32, #tpu.memory_space<vmem_shared>>
      tpu.wait_indirect_dma semaphore(%arg20 : memref<!tpu.dma_semaphore, #tpu.memory_space<semaphore_mem>>) src(%arg11 : memref<128x32xf32, #tpu.memory_space<vmem>>) dst(%dma_wait3A_49 : memref<50304x32xf32, #tpu.memory_space<vmem_shared>>)
    }
    %scan3A_7 = arith.constant 7 : i32
    %barrier3A_8 = arith.constant 0 : index
    tpu.barrier barrier_id(%barrier3A_8)
    %mul3A_9 = arith.constant 3144 : i32
    %mul3A_10 = arith.muli %arg1, %mul3A_9 : i32
    %mul3A_11 = arith.constant 3144 : i32
    %mul3A_12 = arith.muli %arg1, %mul3A_11 : i32
    "tpu.region"() ({
      %run_scoped3A = tpu.sem_alloc : memref<!tpu.dma_semaphore, #tpu.memory_space<semaphore_mem>>
      %dma_start3A = arith.constant 0 : i32
      %dma_start3A_13 = tpu.memref_slice %arg5[%arg0, %mul3A_12, %dma_start3A] : memref<2x50304x32xf32, #tpu.memory_space<hbm>> -> memref<1x3144x32xf32, #tpu.memory_space<hbm>>
      %dma_start3A_14 = tpu.memref_squeeze %dma_start3A_13 : memref<1x3144x32xf32, #tpu.memory_space<hbm>> -> memref<3144x32xf32, #tpu.memory_space<hbm>>
      %dma_start3A_15 = arith.constant 0 : i32
      %dma_start3A_16 = tpu.memref_slice %arg12[%mul3A_10, %dma_start3A_15] : memref<50304x32xf32, #tpu.memory_space<vmem_shared>> -> memref<3144x32xf32, #tpu.memory_space<vmem_shared>>
      tpu.enqueue_dma source(%dma_start3A_16 : memref<3144x32xf32, #tpu.memory_space<vmem_shared>>) target(%dma_start3A_14 : memref<3144x32xf32, #tpu.memory_space<hbm>>) target_semaphore(%run_scoped3A : memref<!tpu.dma_semaphore, #tpu.memory_space<semaphore_mem>>)
      %dma_wait3A = arith.constant 0 : i32
      %dma_wait3A_17 = tpu.memref_slice %arg5[%arg0, %mul3A_12, %dma_wait3A] : memref<2x50304x32xf32, #tpu.memory_space<hbm>> -> memref<1x3144x32xf32, #tpu.memory_space<hbm>>
      %dma_wait3A_18 = tpu.memref_squeeze %dma_wait3A_17 : memref<1x3144x32xf32, #tpu.memory_space<hbm>> -> memref<3144x32xf32, #tpu.memory_space<hbm>>
      %dma_wait3A_19 = arith.constant 0 : i32
      %dma_wait3A_20 = tpu.memref_slice %arg12[%mul3A_10, %dma_wait3A_19] : memref<50304x32xf32, #tpu.memory_space<vmem_shared>> -> memref<3144x32xf32, #tpu.memory_space<vmem_shared>>
      tpu.wait_dma2 semaphore(%run_scoped3A : memref<!tpu.dma_semaphore, #tpu.memory_space<semaphore_mem>>) src(%dma_wait3A_20 : memref<3144x32xf32, #tpu.memory_space<vmem_shared>>) dst(%dma_wait3A_18 : memref<3144x32xf32, #tpu.memory_space<hbm>>)
      tpu.yield
    }) : () -> ()
    return
  }
}

#map = affine_map<(d0, d1) -> (0, 0, 0, 0)>
#map1 = affine_map<(d0, d1) -> (0, 0)>
#map2 = affine_map<(d0, d1) -> (0, 0, 0)>
module attributes {stable_mosaic.version = 14 : i64} {
  func.func @_deg_kernel(%arg0: i32, %arg1: i32, %arg2: memref<2x32x196x128xi32, #tpu.memory_space<hbm>>, %arg3: memref<3144x32xf32, #tpu.memory_space<hbm>>, %arg4: memref<128x32xf32, #tpu.memory_space<hbm>>, %arg5: memref<2x50304x32xf32, #tpu.memory_space<hbm>>, %arg6: memref<28x128xi32, #tpu.memory_space<vmem>>, %arg7: memref<128x32xf32, #tpu.memory_space<vmem>>, %arg8: memref<50304x32xf32, #tpu.memory_space<vmem_shared>>, %arg9: memref<!tpu.dma_semaphore, #tpu.memory_space<semaphore_mem>>) attributes {dimension_semantics = [#tpu.dimension_semantics<core_parallel>, #tpu.dimension_semantics<subcore_parallel>], iteration_bounds = array<i64: 2, 16>, scalar_prefetch = 0 : i64, scratch_operands = 4 : i64, tpu.core_type = #tpu.core_type<sc_vector_subcore>, window_params = [{transform_indices = #map}, {transform_indices = #map1}, {transform_indices = #map1}, {transform_indices = #map2}]} {
    %mul3A = arith.constant 16 : i32
    %mul3A_0 = arith.muli %arg0, %mul3A : i32
    %add3A = arith.addi %mul3A_0, %arg1 : i32
    "tpu.region"() ({
      %run_scoped3A = tpu.sem_alloc : memref<!tpu.dma_semaphore, #tpu.memory_space<semaphore_mem>>
      tpu.enqueue_dma source(%arg4 : memref<128x32xf32, #tpu.memory_space<hbm>>) target(%arg7 : memref<128x32xf32, #tpu.memory_space<vmem>>) target_semaphore(%run_scoped3A : memref<!tpu.dma_semaphore, #tpu.memory_space<semaphore_mem>>)
      tpu.wait_dma2 semaphore(%run_scoped3A : memref<!tpu.dma_semaphore, #tpu.memory_space<semaphore_mem>>) src(%arg4 : memref<128x32xf32, #tpu.memory_space<hbm>>) dst(%arg7 : memref<128x32xf32, #tpu.memory_space<vmem>>)
      tpu.yield
    }) : () -> ()
    %mul3A_1 = arith.constant 3144 : i32
    %mul3A_2 = arith.muli %arg1, %mul3A_1 : i32
    "tpu.region"() ({
      %run_scoped3A = tpu.sem_alloc : memref<!tpu.dma_semaphore, #tpu.memory_space<semaphore_mem>>
      %dma_start3A = arith.constant 0 : i32
      %dma_start3A_13 = tpu.memref_slice %arg8[%mul3A_2, %dma_start3A] : memref<50304x32xf32, #tpu.memory_space<vmem_shared>> -> memref<3144x32xf32, #tpu.memory_space<vmem_shared>>
      tpu.enqueue_dma source(%arg3 : memref<3144x32xf32, #tpu.memory_space<hbm>>) target(%dma_start3A_13 : memref<3144x32xf32, #tpu.memory_space<vmem_shared>>) target_semaphore(%run_scoped3A : memref<!tpu.dma_semaphore, #tpu.memory_space<semaphore_mem>>)
      %dma_wait3A = arith.constant 0 : i32
      %dma_wait3A_14 = tpu.memref_slice %arg8[%mul3A_2, %dma_wait3A] : memref<50304x32xf32, #tpu.memory_space<vmem_shared>> -> memref<3144x32xf32, #tpu.memory_space<vmem_shared>>
      tpu.wait_dma2 semaphore(%run_scoped3A : memref<!tpu.dma_semaphore, #tpu.memory_space<semaphore_mem>>) src(%arg3 : memref<3144x32xf32, #tpu.memory_space<hbm>>) dst(%dma_wait3A_14 : memref<3144x32xf32, #tpu.memory_space<vmem_shared>>)
      tpu.yield
    }) : () -> ()
    %barrier3A = arith.constant 0 : index
    tpu.barrier barrier_id(%barrier3A)
    %scan3A = arith.constant 0 : i32
    %scan3A_3 = arith.constant 0 : i32
    %scan3A_4 = arith.constant 7 : i32
    %scan3A_5 = arith.addi %scan3A_3, %scan3A_4 : i32
    %scan3A_6 = arith.constant 1 : i32
    scf.for %scan3A_13 = %scan3A_3 to %scan3A_5 step %scan3A_6  : i32 {
      %mul3A_14 = arith.constant 28 : i32
      %mul3A_15 = arith.muli %scan3A_13, %mul3A_14 : i32
      %run_scoped3A = arith.constant 1 : i32
      "tpu.region"() ({
        %run_scoped3A_26 = tpu.sem_alloc : memref<!tpu.dma_semaphore, #tpu.memory_space<semaphore_mem>>
        %dma_start3A = arith.constant 0 : i32
        %dma_start3A_27 = tpu.memref_slice %arg2[%run_scoped3A, %add3A, %mul3A_15, %dma_start3A] : memref<2x32x196x128xi32, #tpu.memory_space<hbm>> -> memref<1x1x28x128xi32, #tpu.memory_space<hbm>>
        %dma_start3A_28 = tpu.memref_squeeze %dma_start3A_27 : memref<1x1x28x128xi32, #tpu.memory_space<hbm>> -> memref<28x128xi32, #tpu.memory_space<hbm>>
        %dma_start3A_29 = arith.constant 0 : i32
        %dma_start3A_30 = tpu.memref_slice %arg2[%run_scoped3A, %add3A, %mul3A_15, %dma_start3A_29] : memref<2x32x196x128xi32, #tpu.memory_space<hbm>> -> memref<1x1x28x128xi32, #tpu.memory_space<hbm>>
        %dma_start3A_31 = tpu.memref_squeeze %dma_start3A_30 : memref<1x1x28x128xi32, #tpu.memory_space<hbm>> -> memref<28x128xi32, #tpu.memory_space<hbm>>
        tpu.enqueue_dma source(%dma_start3A_31 : memref<28x128xi32, #tpu.memory_space<hbm>>) target(%arg6 : memref<28x128xi32, #tpu.memory_space<vmem>>) target_semaphore(%run_scoped3A_26 : memref<!tpu.dma_semaphore, #tpu.memory_space<semaphore_mem>>)
        %dma_wait3A = arith.constant 0 : i32
        %dma_wait3A_32 = tpu.memref_slice %arg2[%run_scoped3A, %add3A, %mul3A_15, %dma_wait3A] : memref<2x32x196x128xi32, #tpu.memory_space<hbm>> -> memref<1x1x28x128xi32, #tpu.memory_space<hbm>>
        %dma_wait3A_33 = tpu.memref_squeeze %dma_wait3A_32 : memref<1x1x28x128xi32, #tpu.memory_space<hbm>> -> memref<28x128xi32, #tpu.memory_space<hbm>>
        %dma_wait3A_34 = arith.constant 0 : i32
        %dma_wait3A_35 = tpu.memref_slice %arg2[%run_scoped3A, %add3A, %mul3A_15, %dma_wait3A_34] : memref<2x32x196x128xi32, #tpu.memory_space<hbm>> -> memref<1x1x28x128xi32, #tpu.memory_space<hbm>>
        %dma_wait3A_36 = tpu.memref_squeeze %dma_wait3A_35 : memref<1x1x28x128xi32, #tpu.memory_space<hbm>> -> memref<28x128xi32, #tpu.memory_space<hbm>>
        tpu.wait_dma2 semaphore(%run_scoped3A_26 : memref<!tpu.dma_semaphore, #tpu.memory_space<semaphore_mem>>) src(%dma_wait3A_36 : memref<28x128xi32, #tpu.memory_space<hbm>>) dst(%arg6 : memref<28x128xi32, #tpu.memory_space<vmem>>)
        tpu.yield
      }) : () -> ()
      %scan3A_16 = arith.constant 0 : i32
      %scan3A_17 = arith.constant 28 : i32
      %scan3A_18 = arith.addi %scan3A_16, %scan3A_17 : i32
      %scan3A_19 = arith.constant 1 : i32
      scf.for %scan3A_26 = %scan3A_16 to %scan3A_18 step %scan3A_19  : i32 {
        %dma_start3A = arith.constant 0 : i32
        %dma_start3A_27 = tpu.memref_slice %arg6[%scan3A_26, %dma_start3A] : memref<28x128xi32, #tpu.memory_space<vmem>> -> memref<1x128xi32, #tpu.memory_space<vmem>>
        %dma_start3A_28 = tpu.memref_squeeze %dma_start3A_27 : memref<1x128xi32, #tpu.memory_space<vmem>> -> memref<128xi32, #tpu.memory_space<vmem>>
        %dma_start3A_29 = arith.constant 0 : i32
        %dma_start3A_30 = arith.constant 0 : i32
        %dma_start3A_31 = tpu.memref_slice %arg8[%dma_start3A_29, %dma_start3A_30] : memref<50304x32xf32, #tpu.memory_space<vmem_shared>> -> memref<50304x32xf32, #tpu.memory_space<vmem_shared>>
        tpu.enqueue_indirect_dma source(%arg7 : memref<128x32xf32, #tpu.memory_space<vmem>>) target(%dma_start3A_31 : memref<50304x32xf32, #tpu.memory_space<vmem_shared>>) offsets(%dma_start3A_28 : memref<128xi32, #tpu.memory_space<vmem>>) semaphore(%arg9 : memref<!tpu.dma_semaphore, #tpu.memory_space<semaphore_mem>>) {add = true}
      }
      %scan3A_20 = arith.constant 28 : i32
      %scan3A_21 = arith.constant 0 : i32
      %scan3A_22 = arith.constant 28 : i32
      %scan3A_23 = arith.addi %scan3A_21, %scan3A_22 : i32
      %scan3A_24 = arith.constant 1 : i32
      scf.for %scan3A_26 = %scan3A_21 to %scan3A_23 step %scan3A_24  : i32 {
        %dma_wait3A = arith.constant 0 : i32
        %dma_wait3A_27 = tpu.memref_slice %arg6[%scan3A_26, %dma_wait3A] : memref<28x128xi32, #tpu.memory_space<vmem>> -> memref<1x128xi32, #tpu.memory_space<vmem>>
        %dma_wait3A_28 = tpu.memref_squeeze %dma_wait3A_27 : memref<1x128xi32, #tpu.memory_space<vmem>> -> memref<128xi32, #tpu.memory_space<vmem>>
        %dma_wait3A_29 = arith.constant 0 : i32
        %dma_wait3A_30 = arith.constant 0 : i32
        %dma_wait3A_31 = tpu.memref_slice %arg8[%dma_wait3A_29, %dma_wait3A_30] : memref<50304x32xf32, #tpu.memory_space<vmem_shared>> -> memref<50304x32xf32, #tpu.memory_space<vmem_shared>>
        tpu.wait_indirect_dma semaphore(%arg9 : memref<!tpu.dma_semaphore, #tpu.memory_space<semaphore_mem>>) src(%arg7 : memref<128x32xf32, #tpu.memory_space<vmem>>) dst(%dma_wait3A_31 : memref<50304x32xf32, #tpu.memory_space<vmem_shared>>)
      }
      %scan3A_25 = arith.constant 28 : i32
    }
    %scan3A_7 = arith.constant 7 : i32
    %barrier3A_8 = arith.constant 0 : index
    tpu.barrier barrier_id(%barrier3A_8)
    %mul3A_9 = arith.constant 3144 : i32
    %mul3A_10 = arith.muli %arg1, %mul3A_9 : i32
    %mul3A_11 = arith.constant 3144 : i32
    %mul3A_12 = arith.muli %arg1, %mul3A_11 : i32
    "tpu.region"() ({
      %run_scoped3A = tpu.sem_alloc : memref<!tpu.dma_semaphore, #tpu.memory_space<semaphore_mem>>
      %dma_start3A = arith.constant 0 : i32
      %dma_start3A_13 = tpu.memref_slice %arg5[%arg0, %mul3A_12, %dma_start3A] : memref<2x50304x32xf32, #tpu.memory_space<hbm>> -> memref<1x3144x32xf32, #tpu.memory_space<hbm>>
      %dma_start3A_14 = tpu.memref_squeeze %dma_start3A_13 : memref<1x3144x32xf32, #tpu.memory_space<hbm>> -> memref<3144x32xf32, #tpu.memory_space<hbm>>
      %dma_start3A_15 = arith.constant 0 : i32
      %dma_start3A_16 = tpu.memref_slice %arg8[%mul3A_10, %dma_start3A_15] : memref<50304x32xf32, #tpu.memory_space<vmem_shared>> -> memref<3144x32xf32, #tpu.memory_space<vmem_shared>>
      tpu.enqueue_dma source(%dma_start3A_16 : memref<3144x32xf32, #tpu.memory_space<vmem_shared>>) target(%dma_start3A_14 : memref<3144x32xf32, #tpu.memory_space<hbm>>) target_semaphore(%run_scoped3A : memref<!tpu.dma_semaphore, #tpu.memory_space<semaphore_mem>>)
      %dma_wait3A = arith.constant 0 : i32
      %dma_wait3A_17 = tpu.memref_slice %arg5[%arg0, %mul3A_12, %dma_wait3A] : memref<2x50304x32xf32, #tpu.memory_space<hbm>> -> memref<1x3144x32xf32, #tpu.memory_space<hbm>>
      %dma_wait3A_18 = tpu.memref_squeeze %dma_wait3A_17 : memref<1x3144x32xf32, #tpu.memory_space<hbm>> -> memref<3144x32xf32, #tpu.memory_space<hbm>>
      %dma_wait3A_19 = arith.constant 0 : i32
      %dma_wait3A_20 = tpu.memref_slice %arg8[%mul3A_10, %dma_wait3A_19] : memref<50304x32xf32, #tpu.memory_space<vmem_shared>> -> memref<3144x32xf32, #tpu.memory_space<vmem_shared>>
      tpu.wait_dma2 semaphore(%run_scoped3A : memref<!tpu.dma_semaphore, #tpu.memory_space<semaphore_mem>>) src(%dma_wait3A_20 : memref<3144x32xf32, #tpu.memory_space<vmem_shared>>) dst(%dma_wait3A_18 : memref<3144x32xf32, #tpu.memory_space<hbm>>)
      tpu.yield
    }) : () -> ()
    return
  }
}

module attributes {stable_mosaic.version = 14 : i64} {
  func.func @_tc1_body(%arg0: i32, %arg1: memref<310x1024xf32, #tpu.memory_space<vmem>>, %arg2: memref<1024x768xf32, #tpu.memory_space<vmem>>, %arg3: memref<10x1024xf32, #tpu.memory_space<vmem>>, %arg4: memref<300x1024xf32, #tpu.memory_space<vmem>>, %arg5: memref<310x32xf32, #tpu.memory_space<vmem>>, %arg6: memref<1x32xf32, #tpu.memory_space<vmem>>, %arg7: memref<768x32xf32, #tpu.memory_space<vmem>>, %arg8: memref<1x32xf32, #tpu.memory_space<vmem>>, %arg9: memref<10x32xf32, #tpu.memory_space<vmem>>, %arg10: memref<1x32xf32, #tpu.memory_space<vmem>>, %arg11: memref<300x32xf32, #tpu.memory_space<vmem>>, %arg12: memref<1x32xf32, #tpu.memory_space<vmem>>, %arg13: memref<128x32xf32, #tpu.memory_space<vmem>>, %arg14: memref<256x128xf32, #tpu.memory_space<vmem>>) attributes {dimension_semantics = [#tpu.dimension_semantics<arbitrary>], iteration_bounds = array<i64: 49>, scalar_prefetch = 0 : i64, scratch_operands = 0 : i64, tpu.core_type = #tpu.core_type<tc>, window_params = [{transform_indices = @transform_0, window_bounds = array<i64: 310, 1024>}, {transform_indices = @transform_1, window_bounds = array<i64: 1024, 768>}, {transform_indices = @transform_2, window_bounds = array<i64: 10, 1024>}, {transform_indices = @transform_3, window_bounds = array<i64: 300, 1024>}, {pipeline_mode = #tpu.pipeline_mode<synchronous>, transform_indices = @transform_4, window_bounds = array<i64: 310, 32>}, {pipeline_mode = #tpu.pipeline_mode<synchronous>, transform_indices = @transform_5, window_bounds = array<i64: 1, 32>}, {pipeline_mode = #tpu.pipeline_mode<synchronous>, transform_indices = @transform_6, window_bounds = array<i64: 768, 32>}, {pipeline_mode = #tpu.pipeline_mode<synchronous>, transform_indices = @transform_7, window_bounds = array<i64: 1, 32>}, {pipeline_mode = #tpu.pipeline_mode<synchronous>, transform_indices = @transform_8, window_bounds = array<i64: 10, 32>}, {pipeline_mode = #tpu.pipeline_mode<synchronous>, transform_indices = @transform_9, window_bounds = array<i64: 1, 32>}, {pipeline_mode = #tpu.pipeline_mode<synchronous>, transform_indices = @transform_10, window_bounds = array<i64: 300, 32>}, {pipeline_mode = #tpu.pipeline_mode<synchronous>, transform_indices = @transform_11, window_bounds = array<i64: 1, 32>}, {pipeline_mode = #tpu.pipeline_mode<synchronous>, transform_indices = @transform_12, window_bounds = array<i64: 128, 32>}, {transform_indices = @transform_13, window_bounds = array<i64: 256, 128>}]} {
    %get3A = arith.constant 0 : index
    %get3A_0 = arith.constant 0 : index
    %get3A_1 = vector.load %arg1[%get3A, %get3A_0] : memref<310x1024xf32, #tpu.memory_space<vmem>>, vector<310x1024xf32>
    %get3A_2 = arith.constant 0 : index
    %get3A_3 = arith.constant 0 : index
    %get3A_4 = vector.load %arg5[%get3A_2, %get3A_3] : memref<310x32xf32, #tpu.memory_space<vmem>>, vector<310x32xf32>
    %dot_general3A = arith.constant dense<0.000000e+00> : vector<1024x32xf32>
    %dot_general3A_5 = tpu.matmul %get3A_1, %get3A_4, %dot_general3A {dimension_numbers = #tpu.dot_dimension_numbers<[0], [0], [1], [1], [0, 1, 1, 1], [], []>, transpose_lhs_hint = false} : vector<310x1024xf32>, vector<310x32xf32>, vector<1024x32xf32> -> vector<1024x32xf32>
    %get3A_6 = arith.constant 0 : index
    %get3A_7 = arith.constant 0 : index
    %get3A_8 = vector.load %arg6[%get3A_6, %get3A_7] : memref<1x32xf32, #tpu.memory_space<vmem>>, vector<1x32xf32>
    %add3A = vector.broadcast %get3A_8 : vector<1x32xf32> to vector<1024x32xf32>
    %add3A_9 = arith.addf %dot_general3A_5, %add3A : vector<1024x32xf32>
    %max3A = arith.constant 0.000000e+00 : f32
    %max3A_10 = vector.broadcast %max3A : f32 to vector<1024x32xf32>
    %max3A_11 = arith.maximumf %add3A_9, %max3A_10 : vector<1024x32xf32>
    %get3A_12 = arith.constant 0 : index
    %get3A_13 = arith.constant 0 : index
    %get3A_14 = vector.load %arg2[%get3A_12, %get3A_13] : memref<1024x768xf32, #tpu.memory_space<vmem>>, vector<1024x768xf32>
    %get3A_15 = arith.constant 0 : index
    %get3A_16 = arith.constant 0 : index
    %get3A_17 = vector.load %arg7[%get3A_15, %get3A_16] : memref<768x32xf32, #tpu.memory_space<vmem>>, vector<768x32xf32>
    %dot_general3A_18 = arith.constant dense<0.000000e+00> : vector<1024x32xf32>
    %dot_general3A_19 = tpu.matmul %get3A_14, %get3A_17, %dot_general3A_18 {dimension_numbers = #tpu.dot_dimension_numbers<[1], [0], [0], [1], [0, 0, 1, 1], [], []>, transpose_lhs_hint = false} : vector<1024x768xf32>, vector<768x32xf32>, vector<1024x32xf32> -> vector<1024x32xf32>
    %get3A_20 = arith.constant 0 : index
    %get3A_21 = arith.constant 0 : index
    %get3A_22 = vector.load %arg8[%get3A_20, %get3A_21] : memref<1x32xf32, #tpu.memory_space<vmem>>, vector<1x32xf32>
    %add3A_23 = vector.broadcast %get3A_22 : vector<1x32xf32> to vector<1024x32xf32>
    %add3A_24 = arith.addf %dot_general3A_19, %add3A_23 : vector<1024x32xf32>
    %max3A_25 = arith.constant 0.000000e+00 : f32
    %max3A_26 = vector.broadcast %max3A_25 : f32 to vector<1024x32xf32>
    %max3A_27 = arith.maximumf %add3A_24, %max3A_26 : vector<1024x32xf32>
    %get3A_28 = arith.constant 0 : index
    %get3A_29 = arith.constant 0 : index
    %get3A_30 = vector.load %arg3[%get3A_28, %get3A_29] : memref<10x1024xf32, #tpu.memory_space<vmem>>, vector<10x1024xf32>
    %get3A_31 = arith.constant 0 : index
    %get3A_32 = arith.constant 0 : index
    %get3A_33 = vector.load %arg9[%get3A_31, %get3A_32] : memref<10x32xf32, #tpu.memory_space<vmem>>, vector<10x32xf32>
    %dot_general3A_34 = arith.constant dense<0.000000e+00> : vector<1024x32xf32>
    %dot_general3A_35 = tpu.matmul %get3A_30, %get3A_33, %dot_general3A_34 {dimension_numbers = #tpu.dot_dimension_numbers<[0], [0], [1], [1], [0, 1, 1, 1], [], []>, transpose_lhs_hint = false} : vector<10x1024xf32>, vector<10x32xf32>, vector<1024x32xf32> -> vector<1024x32xf32>
    %get3A_36 = arith.constant 0 : index
    %get3A_37 = arith.constant 0 : index
    %get3A_38 = vector.load %arg10[%get3A_36, %get3A_37] : memref<1x32xf32, #tpu.memory_space<vmem>>, vector<1x32xf32>
    %add3A_39 = vector.broadcast %get3A_38 : vector<1x32xf32> to vector<1024x32xf32>
    %add3A_40 = arith.addf %dot_general3A_35, %add3A_39 : vector<1024x32xf32>
    %max3A_41 = arith.constant 0.000000e+00 : f32
    %max3A_42 = vector.broadcast %max3A_41 : f32 to vector<1024x32xf32>
    %max3A_43 = arith.maximumf %add3A_40, %max3A_42 : vector<1024x32xf32>
    %get3A_44 = arith.constant 0 : index
    %get3A_45 = arith.constant 0 : index
    %get3A_46 = vector.load %arg4[%get3A_44, %get3A_45] : memref<300x1024xf32, #tpu.memory_space<vmem>>, vector<300x1024xf32>
    %get3A_47 = arith.constant 0 : index
    %get3A_48 = arith.constant 0 : index
    %get3A_49 = vector.load %arg11[%get3A_47, %get3A_48] : memref<300x32xf32, #tpu.memory_space<vmem>>, vector<300x32xf32>
    %dot_general3A_50 = arith.constant dense<0.000000e+00> : vector<1024x32xf32>
    %dot_general3A_51 = tpu.matmul %get3A_46, %get3A_49, %dot_general3A_50 {dimension_numbers = #tpu.dot_dimension_numbers<[0], [0], [1], [1], [0, 1, 1, 1], [], []>, transpose_lhs_hint = false} : vector<300x1024xf32>, vector<300x32xf32>, vector<1024x32xf32> -> vector<1024x32xf32>
    %get3A_52 = arith.constant 0 : index
    %get3A_53 = arith.constant 0 : index
    %get3A_54 = vector.load %arg12[%get3A_52, %get3A_53] : memref<1x32xf32, #tpu.memory_space<vmem>>, vector<1x32xf32>
    %add3A_55 = vector.broadcast %get3A_54 : vector<1x32xf32> to vector<1024x32xf32>
    %add3A_56 = arith.addf %dot_general3A_51, %add3A_55 : vector<1024x32xf32>
    %max3A_57 = arith.constant 0.000000e+00 : f32
    %max3A_58 = vector.broadcast %max3A_57 : f32 to vector<1024x32xf32>
    %max3A_59 = arith.maximumf %add3A_56, %max3A_58 : vector<1024x32xf32>
    %concatenate3A = tpu.concatenate %max3A_11, %max3A_27, %max3A_43, %max3A_59 in 1 : vector<1024x32xf32>, vector<1024x32xf32>, vector<1024x32xf32>, vector<1024x32xf32> -> vector<1024x128xf32>
    %get3A_60 = arith.constant 0 : index
    %get3A_61 = arith.constant 0 : index
    %get3A_62 = vector.load %arg13[%get3A_60, %get3A_61] : memref<128x32xf32, #tpu.memory_space<vmem>>, vector<128x32xf32>
    %dot_general3A_63 = arith.constant dense<0.000000e+00> : vector<1024x32xf32>
    %dot_general3A_64 = tpu.matmul %concatenate3A, %get3A_62, %dot_general3A_63 {dimension_numbers = #tpu.dot_dimension_numbers<[1], [0], [0], [1], [0, 0, 1, 1], [], []>, transpose_lhs_hint = false} : vector<1024x128xf32>, vector<128x32xf32>, vector<1024x32xf32> -> vector<1024x32xf32>
    %slice3A = vector.extract_strided_slice %dot_general3A_64 {offsets = [0, 0], sizes = [256, 32], strides = [1, 1]} : vector<1024x32xf32> to vector<256x32xf32>
    %slice3A_65 = vector.extract_strided_slice %dot_general3A_64 {offsets = [256, 0], sizes = [256, 32], strides = [1, 1]} : vector<1024x32xf32> to vector<256x32xf32>
    %slice3A_66 = vector.extract_strided_slice %dot_general3A_64 {offsets = [512, 0], sizes = [256, 32], strides = [1, 1]} : vector<1024x32xf32> to vector<256x32xf32>
    %slice3A_67 = vector.extract_strided_slice %dot_general3A_64 {offsets = [768, 0], sizes = [256, 32], strides = [1, 1]} : vector<1024x32xf32> to vector<256x32xf32>
    %concatenate3A_68 = tpu.concatenate %slice3A, %slice3A_65, %slice3A_66, %slice3A_67 in 1 : vector<256x32xf32>, vector<256x32xf32>, vector<256x32xf32>, vector<256x32xf32> -> vector<256x128xf32>
    %swap3A = arith.constant 0 : index
    %swap3A_69 = arith.constant 0 : index
    %swap3A_70 = vector.load %arg14[%swap3A, %swap3A_69] : memref<256x128xf32, #tpu.memory_space<vmem>>, vector<256x128xf32>
    tpu.vector_store %arg14[%swap3A, %swap3A_69], %concatenate3A_68 {strides = array<i32>} : memref<256x128xf32, #tpu.memory_space<vmem>>, vector<256x128xf32>,
    return
  }
  func.func @transform_0(%arg0: i32) -> (i32, i32) {
    %c0_i32 = arith.constant 0 : i32
    %c0_i32_0 = arith.constant 0 : i32
    return %c0_i32, %arg0 : i32, i32
  }
  func.func @transform_1(%arg0: i32) -> (i32, i32) {
    %c0_i32 = arith.constant 0 : i32
    %c0_i32_0 = arith.constant 0 : i32
    return %arg0, %c0_i32 : i32, i32
  }
  func.func @transform_2(%arg0: i32) -> (i32, i32) {
    %c0_i32 = arith.constant 0 : i32
    %c0_i32_0 = arith.constant 0 : i32
    return %c0_i32, %arg0 : i32, i32
  }
  func.func @transform_3(%arg0: i32) -> (i32, i32) {
    %c0_i32 = arith.constant 0 : i32
    %c0_i32_0 = arith.constant 0 : i32
    return %c0_i32, %arg0 : i32, i32
  }
  func.func @transform_4(%arg0: i32) -> (i32, i32) {
    %c0_i32 = arith.constant 0 : i32
    %c0_i32_0 = arith.constant 0 : i32
    %c0_i32_1 = arith.constant 0 : i32
    return %c0_i32, %c0_i32_0 : i32, i32
  }
  func.func @transform_5(%arg0: i32) -> (i32, i32) {
    %c0_i32 = arith.constant 0 : i32
    %c0_i32_0 = arith.constant 0 : i32
    %c0_i32_1 = arith.constant 0 : i32
    return %c0_i32, %c0_i32_0 : i32, i32
  }
  func.func @transform_6(%arg0: i32) -> (i32, i32) {
    %c0_i32 = arith.constant 0 : i32
    %c0_i32_0 = arith.constant 0 : i32
    %c0_i32_1 = arith.constant 0 : i32
    return %c0_i32, %c0_i32_0 : i32, i32
  }
  func.func @transform_7(%arg0: i32) -> (i32, i32) {
    %c0_i32 = arith.constant 0 : i32
    %c0_i32_0 = arith.constant 0 : i32
    %c0_i32_1 = arith.constant 0 : i32
    return %c0_i32, %c0_i32_0 : i32, i32
  }
  func.func @transform_8(%arg0: i32) -> (i32, i32) {
    %c0_i32 = arith.constant 0 : i32
    %c0_i32_0 = arith.constant 0 : i32
    %c0_i32_1 = arith.constant 0 : i32
    return %c0_i32, %c0_i32_0 : i32, i32
  }
  func.func @transform_9(%arg0: i32) -> (i32, i32) {
    %c0_i32 = arith.constant 0 : i32
    %c0_i32_0 = arith.constant 0 : i32
    %c0_i32_1 = arith.constant 0 : i32
    return %c0_i32, %c0_i32_0 : i32, i32
  }
  func.func @transform_10(%arg0: i32) -> (i32, i32) {
    %c0_i32 = arith.constant 0 : i32
    %c0_i32_0 = arith.constant 0 : i32
    %c0_i32_1 = arith.constant 0 : i32
    return %c0_i32, %c0_i32_0 : i32, i32
  }
  func.func @transform_11(%arg0: i32) -> (i32, i32) {
    %c0_i32 = arith.constant 0 : i32
    %c0_i32_0 = arith.constant 0 : i32
    %c0_i32_1 = arith.constant 0 : i32
    return %c0_i32, %c0_i32_0 : i32, i32
  }
  func.func @transform_12(%arg0: i32) -> (i32, i32) {
    %c0_i32 = arith.constant 0 : i32
    %c0_i32_0 = arith.constant 0 : i32
    %c0_i32_1 = arith.constant 0 : i32
    return %c0_i32, %c0_i32_0 : i32, i32
  }
  func.func @transform_13(%arg0: i32) -> (i32, i32) {
    %c0_i32 = arith.constant 0 : i32
    %c0_i32_0 = arith.constant 0 : i32
    return %arg0, %c0_i32 : i32, i32
  }
}

module attributes {stable_mosaic.version = 14 : i64} {
  func.func @_scale_body(%arg0: i32, %arg1: memref<3144x128xf32, #tpu.memory_space<vmem>>, %arg2: memref<2x3144x128xf32, #tpu.memory_space<vmem>>, %arg3: memref<3144x128xf32, #tpu.memory_space<vmem>>) attributes {dimension_semantics = [#tpu.dimension_semantics<arbitrary>], iteration_bounds = array<i64: 4>, scalar_prefetch = 0 : i64, scratch_operands = 0 : i64, tpu.core_type = #tpu.core_type<tc>, window_params = [{transform_indices = @transform_0, window_bounds = array<i64: 3144, 128>}, {transform_indices = @transform_1, window_bounds = array<i64: 2, 3144, 128>}, {transform_indices = @transform_2, window_bounds = array<i64: 3144, 128>}]} {
    %get3A = arith.constant 0 : index
    %get3A_0 = arith.constant 0 : index
    %get3A_1 = vector.load %arg1[%get3A, %get3A_0] : memref<3144x128xf32, #tpu.memory_space<vmem>>, vector<3144x128xf32>
    %get3A_2 = arith.constant 0 : index
    %get3A_3 = arith.constant 0 : index
    %get3A_4 = arith.constant 0 : index
    %get3A_5 = vector.load %arg2[%get3A_2, %get3A_3, %get3A_4] : memref<2x3144x128xf32, #tpu.memory_space<vmem>>, vector<2x3144x128xf32>
    %slice3A = vector.extract_strided_slice %get3A_5 {offsets = [0, 0, 0], sizes = [1, 3144, 128], strides = [1, 1, 1]} : vector<2x3144x128xf32> to vector<1x3144x128xf32>
    %squeeze3A = vector.shape_cast %slice3A : vector<1x3144x128xf32> to vector<3144x128xf32>
    %slice3A_6 = vector.extract_strided_slice %get3A_5 {offsets = [1, 0, 0], sizes = [1, 3144, 128], strides = [1, 1, 1]} : vector<2x3144x128xf32> to vector<1x3144x128xf32>
    %squeeze3A_7 = vector.shape_cast %slice3A_6 : vector<1x3144x128xf32> to vector<3144x128xf32>
    %add3A = arith.addf %squeeze3A, %squeeze3A_7 : vector<3144x128xf32>
    %add3A_8 = arith.constant 1.000000e+00 : f32
    %add3A_9 = vector.broadcast %add3A_8 : f32 to vector<3144x128xf32>
    %add3A_10 = arith.addf %add3A, %add3A_9 : vector<3144x128xf32>
    %rsqrt3A = math.rsqrt %add3A_10 : vector<3144x128xf32>
    %mul3A = arith.mulf %get3A_1, %rsqrt3A : vector<3144x128xf32>
    %swap3A = arith.constant 0 : index
    %swap3A_11 = arith.constant 0 : index
    %swap3A_12 = vector.load %arg3[%swap3A, %swap3A_11] : memref<3144x128xf32, #tpu.memory_space<vmem>>, vector<3144x128xf32>
    tpu.vector_store %arg3[%swap3A, %swap3A_11], %mul3A {strides = array<i32>} : memref<3144x128xf32, #tpu.memory_space<vmem>>, vector<3144x128xf32>,
    return
  }
  func.func @transform_0(%arg0: i32) -> (i32, i32) {
    %c0_i32 = arith.constant 0 : i32
    %c0_i32_0 = arith.constant 0 : i32
    return %arg0, %c0_i32 : i32, i32
  }
  func.func @transform_1(%arg0: i32) -> (i32, i32, i32) {
    %c0_i32 = arith.constant 0 : i32
    %c0_i32_0 = arith.constant 0 : i32
    %c0_i32_1 = arith.constant 0 : i32
    return %c0_i32, %arg0, %c0_i32_0 : i32, i32, i32
  }
  func.func @transform_2(%arg0: i32) -> (i32, i32) {
    %c0_i32 = arith.constant 0 : i32
    %c0_i32_0 = arith.constant 0 : i32
    return %arg0, %c0_i32 : i32, i32
  }
}

module attributes {stable_mosaic.version = 14 : i64} {
  func.func @_tc2_body(%arg0: i32, %arg1: memref<2x3144x128xf32, #tpu.memory_space<vmem>>, %arg2: memref<3144x128xf32, #tpu.memory_space<vmem>>, %arg3: memref<2x3144x128xf32, #tpu.memory_space<vmem>>, %arg4: memref<1x128xf32, #tpu.memory_space<vmem>>, %arg5: memref<128x128xf32, #tpu.memory_space<vmem>>, %arg6: memref<3144x128xf32, #tpu.memory_space<vmem>>) attributes {dimension_semantics = [#tpu.dimension_semantics<arbitrary>], iteration_bounds = array<i64: 4>, scalar_prefetch = 0 : i64, scratch_operands = 0 : i64, tpu.core_type = #tpu.core_type<tc>, window_params = [{transform_indices = @transform_0, window_bounds = array<i64: 2, 3144, 128>}, {transform_indices = @transform_1, window_bounds = array<i64: 3144, 128>}, {transform_indices = @transform_2, window_bounds = array<i64: 2, 3144, 128>}, {pipeline_mode = #tpu.pipeline_mode<synchronous>, transform_indices = @transform_3, window_bounds = array<i64: 1, 128>}, {pipeline_mode = #tpu.pipeline_mode<synchronous>, transform_indices = @transform_4, window_bounds = array<i64: 128, 128>}, {transform_indices = @transform_5, window_bounds = array<i64: 3144, 128>}]} {
    %get3A = arith.constant 0 : index
    %get3A_0 = arith.constant 0 : index
    %get3A_1 = arith.constant 0 : index
    %get3A_2 = vector.load %arg3[%get3A, %get3A_0, %get3A_1] : memref<2x3144x128xf32, #tpu.memory_space<vmem>>, vector<2x3144x128xf32>
    %slice3A = vector.extract_strided_slice %get3A_2 {offsets = [0, 0, 0], sizes = [1, 3144, 128], strides = [1, 1, 1]} : vector<2x3144x128xf32> to vector<1x3144x128xf32>
    %squeeze3A = vector.shape_cast %slice3A : vector<1x3144x128xf32> to vector<3144x128xf32>
    %slice3A_3 = vector.extract_strided_slice %get3A_2 {offsets = [1, 0, 0], sizes = [1, 3144, 128], strides = [1, 1, 1]} : vector<2x3144x128xf32> to vector<1x3144x128xf32>
    %squeeze3A_4 = vector.shape_cast %slice3A_3 : vector<1x3144x128xf32> to vector<3144x128xf32>
    %add3A = arith.addf %squeeze3A, %squeeze3A_4 : vector<3144x128xf32>
    %add3A_5 = arith.constant 1.000000e+00 : f32
    %add3A_6 = vector.broadcast %add3A_5 : f32 to vector<3144x128xf32>
    %add3A_7 = arith.addf %add3A, %add3A_6 : vector<3144x128xf32>
    %rsqrt3A = math.rsqrt %add3A_7 : vector<3144x128xf32>
    %get3A_8 = arith.constant 0 : index
    %get3A_9 = arith.constant 0 : index
    %get3A_10 = arith.constant 0 : index
    %get3A_11 = vector.load %arg1[%get3A_8, %get3A_9, %get3A_10] : memref<2x3144x128xf32, #tpu.memory_space<vmem>>, vector<1x3144x128xf32>
    %get3A_12 = vector.shape_cast %get3A_11 : vector<1x3144x128xf32> to vector<3144x128xf32>
    %get3A_13 = arith.constant 1 : index
    %get3A_14 = arith.constant 0 : index
    %get3A_15 = arith.constant 0 : index
    %get3A_16 = vector.load %arg1[%get3A_13, %get3A_14, %get3A_15] : memref<2x3144x128xf32, #tpu.memory_space<vmem>>, vector<1x3144x128xf32>
    %get3A_17 = vector.shape_cast %get3A_16 : vector<1x3144x128xf32> to vector<3144x128xf32>
    %add3A_18 = arith.addf %get3A_12, %get3A_17 : vector<3144x128xf32>
    %get3A_19 = arith.constant 0 : index
    %get3A_20 = arith.constant 0 : index
    %get3A_21 = vector.load %arg2[%get3A_19, %get3A_20] : memref<3144x128xf32, #tpu.memory_space<vmem>>, vector<3144x128xf32>
    %add3A_22 = arith.addf %add3A_18, %get3A_21 : vector<3144x128xf32>
    %mul3A = arith.mulf %rsqrt3A, %add3A_22 : vector<3144x128xf32>
    %get3A_23 = arith.constant 0 : index
    %get3A_24 = arith.constant 0 : index
    %get3A_25 = vector.load %arg4[%get3A_23, %get3A_24] : memref<1x128xf32, #tpu.memory_space<vmem>>, vector<1x128xf32>
    %add3A_26 = vector.broadcast %get3A_25 : vector<1x128xf32> to vector<3144x128xf32>
    %add3A_27 = arith.addf %mul3A, %add3A_26 : vector<3144x128xf32>
    %max3A = arith.constant 0.000000e+00 : f32
    %max3A_28 = vector.broadcast %max3A : f32 to vector<3144x128xf32>
    %max3A_29 = arith.maximumf %add3A_27, %max3A_28 : vector<3144x128xf32>
    %get3A_30 = arith.constant 0 : index
    %get3A_31 = arith.constant 0 : index
    %get3A_32 = vector.load %arg5[%get3A_30, %get3A_31] : memref<128x128xf32, #tpu.memory_space<vmem>>, vector<128x128xf32>
    %dot_general3A = arith.constant dense<0.000000e+00> : vector<3144x128xf32>
    %dot_general3A_33 = tpu.matmul %max3A_29, %get3A_32, %dot_general3A {dimension_numbers = #tpu.dot_dimension_numbers<[1], [0], [0], [1], [0, 0, 1, 1], [], []>, transpose_lhs_hint = false} : vector<3144x128xf32>, vector<128x128xf32>, vector<3144x128xf32> -> vector<3144x128xf32>
    %mul3A_34 = arith.mulf %dot_general3A_33, %rsqrt3A : vector<3144x128xf32>
    %swap3A = arith.constant 0 : index
    %swap3A_35 = arith.constant 0 : index
    %swap3A_36 = vector.load %arg6[%swap3A, %swap3A_35] : memref<3144x128xf32, #tpu.memory_space<vmem>>, vector<3144x128xf32>
    tpu.vector_store %arg6[%swap3A, %swap3A_35], %mul3A_34 {strides = array<i32>} : memref<3144x128xf32, #tpu.memory_space<vmem>>, vector<3144x128xf32>,
    return
  }
  func.func @transform_0(%arg0: i32) -> (i32, i32, i32) {
    %c0_i32 = arith.constant 0 : i32
    %c0_i32_0 = arith.constant 0 : i32
    %c0_i32_1 = arith.constant 0 : i32
    return %c0_i32, %arg0, %c0_i32_0 : i32, i32, i32
  }
  func.func @transform_1(%arg0: i32) -> (i32, i32) {
    %c0_i32 = arith.constant 0 : i32
    %c0_i32_0 = arith.constant 0 : i32
    return %arg0, %c0_i32 : i32, i32
  }
  func.func @transform_2(%arg0: i32) -> (i32, i32, i32) {
    %c0_i32 = arith.constant 0 : i32
    %c0_i32_0 = arith.constant 0 : i32
    %c0_i32_1 = arith.constant 0 : i32
    return %c0_i32, %arg0, %c0_i32_0 : i32, i32, i32
  }
  func.func @transform_3(%arg0: i32) -> (i32, i32) {
    %c0_i32 = arith.constant 0 : i32
    %c0_i32_0 = arith.constant 0 : i32
    %c0_i32_1 = arith.constant 0 : i32
    return %c0_i32, %c0_i32_0 : i32, i32
  }
  func.func @transform_4(%arg0: i32) -> (i32, i32) {
    %c0_i32 = arith.constant 0 : i32
    %c0_i32_0 = arith.constant 0 : i32
    %c0_i32_1 = arith.constant 0 : i32
    return %c0_i32, %c0_i32_0 : i32, i32
  }
  func.func @transform_5(%arg0: i32) -> (i32, i32) {
    %c0_i32 = arith.constant 0 : i32
    %c0_i32_0 = arith.constant 0 : i32
    return %arg0, %c0_i32 : i32, i32
  }
}

module attributes {stable_mosaic.version = 14 : i64} {
  func.func @_tc3_body(%arg0: i32, %arg1: memref<2x3144x128xf32, #tpu.memory_space<vmem>>, %arg2: memref<3144x128xf32, #tpu.memory_space<vmem>>, %arg3: memref<2x3144x128xf32, #tpu.memory_space<vmem>>, %arg4: memref<1x4x1x3144xi32, #tpu.memory_space<vmem>>, %arg5: memref<1x128xf32, #tpu.memory_space<vmem>>, %arg6: memref<32x32xf32, #tpu.memory_space<vmem>>, %arg7: memref<1x32xf32, #tpu.memory_space<vmem>>, %arg8: memref<32x4xf32, #tpu.memory_space<vmem>>, %arg9: memref<1x4xf32, #tpu.memory_space<vmem>>, %arg10: memref<128x4xf32, #tpu.memory_space<vmem>>, %arg11: memref<128x32xf32, #tpu.memory_space<vmem>>, %arg12: memref<128x128xf32, #tpu.memory_space<vmem>>) attributes {dimension_semantics = [#tpu.dimension_semantics<arbitrary>], iteration_bounds = array<i64: 4>, scalar_prefetch = 0 : i64, scratch_operands = 2 : i64, tpu.core_type = #tpu.core_type<tc>, window_params = [{transform_indices = @transform_0, window_bounds = array<i64: 2, 3144, 128>}, {transform_indices = @transform_1, window_bounds = array<i64: 3144, 128>}, {transform_indices = @transform_2, window_bounds = array<i64: 2, 3144, 128>}, {transform_indices = @transform_3, window_bounds = array<i64: 1, 4, 1, 3144>}, {pipeline_mode = #tpu.pipeline_mode<synchronous>, transform_indices = @transform_4, window_bounds = array<i64: 1, 128>}, {pipeline_mode = #tpu.pipeline_mode<synchronous>, transform_indices = @transform_5, window_bounds = array<i64: 32, 32>}, {pipeline_mode = #tpu.pipeline_mode<synchronous>, transform_indices = @transform_6, window_bounds = array<i64: 1, 32>}, {pipeline_mode = #tpu.pipeline_mode<synchronous>, transform_indices = @transform_7, window_bounds = array<i64: 32, 4>}, {pipeline_mode = #tpu.pipeline_mode<synchronous>, transform_indices = @transform_8, window_bounds = array<i64: 1, 4>}, {pipeline_mode = #tpu.pipeline_mode<synchronous>, transform_indices = @transform_9, window_bounds = array<i64: 128, 4>}]} {
    %eq3A = arith.constant 0 : i32
    %eq3A_0 = arith.cmpi eq, %arg0, %eq3A : i32
    %convert_element_type3A = arith.extui %eq3A_0 : i1 to i32
    %cond3A = arith.constant 0 : i32
    %cond3A_1 = arith.cmpi ne, %convert_element_type3A, %cond3A : i32
    scf.if %cond3A_1 {
      %broadcast_in_dim3A_252 = arith.constant 0.000000e+00 : f32
      %broadcast_in_dim3A_253 = vector.broadcast %broadcast_in_dim3A_252 : f32 to vector<128x32xf32>
      %swap3A_254 = arith.constant 0 : index
      %swap3A_255 = arith.constant 0 : index
      %swap3A_256 = vector.load %arg11[%swap3A_254, %swap3A_255] : memref<128x32xf32, #tpu.memory_space<vmem>>, vector<128x32xf32>
      tpu.vector_store %arg11[%swap3A_254, %swap3A_255], %broadcast_in_dim3A_253 {strides = array<i32>} : memref<128x32xf32, #tpu.memory_space<vmem>>, vector<128x32xf32>,
      %broadcast_in_dim3A_257 = arith.constant 0.000000e+00 : f32
      %broadcast_in_dim3A_258 = vector.broadcast %broadcast_in_dim3A_257 : f32 to vector<128x128xf32>
      %swap3A_259 = arith.constant 0 : index
      %swap3A_260 = arith.constant 0 : index
      %swap3A_261 = vector.load %arg12[%swap3A_259, %swap3A_260] : memref<128x128xf32, #tpu.memory_space<vmem>>, vector<128x128xf32>
      tpu.vector_store %arg12[%swap3A_259, %swap3A_260], %broadcast_in_dim3A_258 {strides = array<i32>} : memref<128x128xf32, #tpu.memory_space<vmem>>, vector<128x128xf32>,
    } else {
    }
    %get3A = arith.constant 0 : index
    %get3A_2 = arith.constant 0 : index
    %get3A_3 = arith.constant 0 : index
    %get3A_4 = vector.load %arg3[%get3A, %get3A_2, %get3A_3] : memref<2x3144x128xf32, #tpu.memory_space<vmem>>, vector<2x3144x128xf32>
    %slice3A = vector.extract_strided_slice %get3A_4 {offsets = [0, 0, 0], sizes = [1, 3144, 128], strides = [1, 1, 1]} : vector<2x3144x128xf32> to vector<1x3144x128xf32>
    %squeeze3A = vector.shape_cast %slice3A : vector<1x3144x128xf32> to vector<3144x128xf32>
    %slice3A_5 = vector.extract_strided_slice %get3A_4 {offsets = [1, 0, 0], sizes = [1, 3144, 128], strides = [1, 1, 1]} : vector<2x3144x128xf32> to vector<1x3144x128xf32>
    %squeeze3A_6 = vector.shape_cast %slice3A_5 : vector<1x3144x128xf32> to vector<3144x128xf32>
    %add3A = arith.addf %squeeze3A, %squeeze3A_6 : vector<3144x128xf32>
    %add3A_7 = arith.constant 1.000000e+00 : f32
    %add3A_8 = vector.broadcast %add3A_7 : f32 to vector<3144x128xf32>
    %add3A_9 = arith.addf %add3A, %add3A_8 : vector<3144x128xf32>
    %rsqrt3A = math.rsqrt %add3A_9 : vector<3144x128xf32>
    %get3A_10 = arith.constant 0 : index
    %get3A_11 = arith.constant 0 : index
    %get3A_12 = arith.constant 0 : index
    %get3A_13 = vector.load %arg1[%get3A_10, %get3A_11, %get3A_12] : memref<2x3144x128xf32, #tpu.memory_space<vmem>>, vector<1x3144x128xf32>
    %get3A_14 = vector.shape_cast %get3A_13 : vector<1x3144x128xf32> to vector<3144x128xf32>
    %get3A_15 = arith.constant 1 : index
    %get3A_16 = arith.constant 0 : index
    %get3A_17 = arith.constant 0 : index
    %get3A_18 = vector.load %arg1[%get3A_15, %get3A_16, %get3A_17] : memref<2x3144x128xf32, #tpu.memory_space<vmem>>, vector<1x3144x128xf32>
    %get3A_19 = vector.shape_cast %get3A_18 : vector<1x3144x128xf32> to vector<3144x128xf32>
    %add3A_20 = arith.addf %get3A_14, %get3A_19 : vector<3144x128xf32>
    %get3A_21 = arith.constant 0 : index
    %get3A_22 = arith.constant 0 : index
    %get3A_23 = vector.load %arg2[%get3A_21, %get3A_22] : memref<3144x128xf32, #tpu.memory_space<vmem>>, vector<3144x128xf32>
    %add3A_24 = arith.addf %add3A_20, %get3A_23 : vector<3144x128xf32>
    %mul3A = arith.mulf %rsqrt3A, %add3A_24 : vector<3144x128xf32>
    %get3A_25 = arith.constant 0 : index
    %get3A_26 = arith.constant 0 : index
    %get3A_27 = vector.load %arg5[%get3A_25, %get3A_26] : memref<1x128xf32, #tpu.memory_space<vmem>>, vector<1x128xf32>
    %add3A_28 = vector.broadcast %get3A_27 : vector<1x128xf32> to vector<3144x128xf32>
    %add3A_29 = arith.addf %mul3A, %add3A_28 : vector<3144x128xf32>
    %max3A = arith.constant 0.000000e+00 : f32
    %max3A_30 = vector.broadcast %max3A : f32 to vector<3144x128xf32>
    %max3A_31 = arith.maximumf %add3A_29, %max3A_30 : vector<3144x128xf32>
    %mul3A_32 = arith.constant 3144 : i32
    %mul3A_33 = arith.muli %arg0, %mul3A_32 : i32
    %iota3A = tpu.iota {dimensions = array<i32: 0>} : vector<3144x128xi32>
    %add3A_34 = vector.broadcast %mul3A_33 : i32 to vector<3144x128xi32>
    %add3A_35 = arith.addi %add3A_34, %iota3A : vector<3144x128xi32>
    %jit3A = arith.constant 256 : i32
    %div3A = vector.broadcast %jit3A : i32 to vector<3144x128xi32>
    %div3A_36 = arith.divsi %add3A_35, %div3A : vector<3144x128xi32>
    %sign3A = arith.constant 0 : i32
    %sign3A_37 = vector.broadcast %sign3A : i32 to vector<3144x128xi32>
    %sign3A_38 = arith.cmpi sgt, %add3A_35, %sign3A_37 : vector<3144x128xi32>
    %sign3A_39 = arith.extui %sign3A_38 : vector<3144x128xi1> to vector<3144x128xi32>
    %sign3A_40 = arith.constant 0 : i32
    %sign3A_41 = vector.broadcast %sign3A_40 : i32 to vector<3144x128xi32>
    %sign3A_42 = arith.cmpi slt, %add3A_35, %sign3A_41 : vector<3144x128xi32>
    %sign3A_43 = arith.extui %sign3A_42 : vector<3144x128xi1> to vector<3144x128xi32>
    %sign3A_44 = arith.subi %sign3A_39, %sign3A_43 : vector<3144x128xi32>
    %sign3A_45 = arith.constant 0 : i32
    %sign3A_46 = arith.cmpi sgt, %jit3A, %sign3A_45 : i32
    %sign3A_47 = arith.extui %sign3A_46 : i1 to i32
    %sign3A_48 = arith.constant 0 : i32
    %sign3A_49 = arith.cmpi slt, %jit3A, %sign3A_48 : i32
    %sign3A_50 = arith.extui %sign3A_49 : i1 to i32
    %sign3A_51 = arith.subi %sign3A_47, %sign3A_50 : i32
    %ne3A = vector.broadcast %sign3A_51 : i32 to vector<3144x128xi32>
    %ne3A_52 = arith.cmpi ne, %sign3A_44, %ne3A : vector<3144x128xi32>
    %rem3A = vector.broadcast %jit3A : i32 to vector<3144x128xi32>
    %rem3A_53 = arith.remsi %add3A_35, %rem3A : vector<3144x128xi32>
    %ne3A_54 = arith.constant 0 : i32
    %ne3A_55 = vector.broadcast %ne3A_54 : i32 to vector<3144x128xi32>
    %ne3A_56 = arith.cmpi ne, %rem3A_53, %ne3A_55 : vector<3144x128xi32>
    %and3A = arith.andi %ne3A_52, %ne3A_56 : vector<3144x128xi1>
    %sub3A = arith.constant 1 : i32
    %sub3A_57 = vector.broadcast %sub3A : i32 to vector<3144x128xi32>
    %sub3A_58 = arith.subi %div3A_36, %sub3A_57 : vector<3144x128xi32>
    %select_n3A = arith.select %and3A, %sub3A_58, %div3A_36 : vector<3144x128xi1>, vector<3144x128xi32>
    %mul3A_59 = arith.constant 1024 : i32
    %mul3A_60 = vector.broadcast %mul3A_59 : i32 to vector<3144x128xi32>
    %mul3A_61 = arith.muli %mul3A_60, %select_n3A : vector<3144x128xi32>
    %jit3A_62 = arith.constant 256 : i32
    %eq3A_63 = arith.constant 0 : i32
    %eq3A_64 = arith.cmpi eq, %jit3A_62, %eq3A_63 : i32
    %jit3A_65 = arith.constant 1 : i32
    %select_n3A_66 = arith.select %eq3A_64, %jit3A_65, %jit3A_62 : i32
    %rem3A_67 = vector.broadcast %select_n3A_66 : i32 to vector<3144x128xi32>
    %rem3A_68 = arith.remsi %add3A_35, %rem3A_67 : vector<3144x128xi32>
    %ne3A_69 = arith.constant 0 : i32
    %ne3A_70 = vector.broadcast %ne3A_69 : i32 to vector<3144x128xi32>
    %ne3A_71 = arith.cmpi ne, %rem3A_68, %ne3A_70 : vector<3144x128xi32>
    %lt3A = arith.constant 0 : i32
    %lt3A_72 = vector.broadcast %lt3A : i32 to vector<3144x128xi32>
    %lt3A_73 = arith.cmpi slt, %rem3A_68, %lt3A_72 : vector<3144x128xi32>
    %lt3A_74 = arith.constant 0 : i32
    %lt3A_75 = arith.cmpi slt, %select_n3A_66, %lt3A_74 : i32
    %ne3A_76 = vector.broadcast %lt3A_75 : i1 to vector<3144x128xi1>
    %ne3A_77 = vector.broadcast %ne3A_76 : vector<3144x128xi1> to vector<3144x128xi1>
    %ne3A_78 = arith.xori %lt3A_73, %ne3A_77 : vector<3144x128xi1>
    %and3A_79 = arith.andi %ne3A_78, %ne3A_71 : vector<3144x128xi1>
    %add3A_80 = vector.broadcast %select_n3A_66 : i32 to vector<3144x128xi32>
    %add3A_81 = arith.addi %rem3A_68, %add3A_80 : vector<3144x128xi32>
    %select_n3A_82 = arith.select %and3A_79, %add3A_81, %rem3A_68 : vector<3144x128xi1>, vector<3144x128xi32>
    %add3A_83 = arith.addi %mul3A_61, %select_n3A_82 : vector<3144x128xi32>
    %iota3A_84 = tpu.iota {dimensions = array<i32: 1>} : vector<3144x128xi32>
    %jit3A_85 = arith.constant 32 : i32
    %div3A_86 = vector.broadcast %jit3A_85 : i32 to vector<3144x128xi32>
    %div3A_87 = arith.divsi %iota3A_84, %div3A_86 : vector<3144x128xi32>
    %sign3A_88 = arith.constant 0 : i32
    %sign3A_89 = vector.broadcast %sign3A_88 : i32 to vector<3144x128xi32>
    %sign3A_90 = arith.cmpi sgt, %iota3A_84, %sign3A_89 : vector<3144x128xi32>
    %sign3A_91 = arith.extui %sign3A_90 : vector<3144x128xi1> to vector<3144x128xi32>
    %sign3A_92 = arith.constant 0 : i32
    %sign3A_93 = vector.broadcast %sign3A_92 : i32 to vector<3144x128xi32>
    %sign3A_94 = arith.cmpi slt, %iota3A_84, %sign3A_93 : vector<3144x128xi32>
    %sign3A_95 = arith.extui %sign3A_94 : vector<3144x128xi1> to vector<3144x128xi32>
    %sign3A_96 = arith.subi %sign3A_91, %sign3A_95 : vector<3144x128xi32>
    %sign3A_97 = arith.constant 0 : i32
    %sign3A_98 = arith.cmpi sgt, %jit3A_85, %sign3A_97 : i32
    %sign3A_99 = arith.extui %sign3A_98 : i1 to i32
    %sign3A_100 = arith.constant 0 : i32
    %sign3A_101 = arith.cmpi slt, %jit3A_85, %sign3A_100 : i32
    %sign3A_102 = arith.extui %sign3A_101 : i1 to i32
    %sign3A_103 = arith.subi %sign3A_99, %sign3A_102 : i32
    %ne3A_104 = vector.broadcast %sign3A_103 : i32 to vector<3144x128xi32>
    %ne3A_105 = arith.cmpi ne, %sign3A_96, %ne3A_104 : vector<3144x128xi32>
    %rem3A_106 = vector.broadcast %jit3A_85 : i32 to vector<3144x128xi32>
    %rem3A_107 = arith.remsi %iota3A_84, %rem3A_106 : vector<3144x128xi32>
    %ne3A_108 = arith.constant 0 : i32
    %ne3A_109 = vector.broadcast %ne3A_108 : i32 to vector<3144x128xi32>
    %ne3A_110 = arith.cmpi ne, %rem3A_107, %ne3A_109 : vector<3144x128xi32>
    %and3A_111 = arith.andi %ne3A_105, %ne3A_110 : vector<3144x128xi1>
    %sub3A_112 = arith.constant 1 : i32
    %sub3A_113 = vector.broadcast %sub3A_112 : i32 to vector<3144x128xi32>
    %sub3A_114 = arith.subi %div3A_87, %sub3A_113 : vector<3144x128xi32>
    %select_n3A_115 = arith.select %and3A_111, %sub3A_114, %div3A_87 : vector<3144x128xi1>, vector<3144x128xi32>
    %mul3A_116 = arith.constant 256 : i32
    %mul3A_117 = vector.broadcast %mul3A_116 : i32 to vector<3144x128xi32>
    %mul3A_118 = arith.muli %mul3A_117, %select_n3A_115 : vector<3144x128xi32>
    %add3A_119 = arith.addi %add3A_83, %mul3A_118 : vector<3144x128xi32>
    %lt3A_120 = arith.constant 50000 : i32
    %lt3A_121 = vector.broadcast %lt3A_120 : i32 to vector<3144x128xi32>
    %lt3A_122 = arith.cmpi slt, %add3A_119, %lt3A_121 : vector<3144x128xi32>
    %jit3A_123 = arith.constant 0.000000e+00 : f32
    %broadcast_in_dim3A = vector.broadcast %jit3A_123 : f32 to vector<3144x128xf32>
    %select_n3A_124 = arith.select %lt3A_122, %max3A_31, %broadcast_in_dim3A : vector<3144x128xi1>, vector<3144x128xf32>
    %iota3A_125 = tpu.iota {dimensions = array<i32: 0>} : vector<128x3144xi32>
    %get3A_126 = arith.constant 0 : index
    %get3A_127 = arith.constant 0 : index
    %get3A_128 = arith.constant 0 : index
    %get3A_129 = arith.constant 0 : index
    %get3A_130 = vector.load %arg4[%get3A_126, %get3A_127, %get3A_128, %get3A_129] : memref<1x4x1x3144xi32, #tpu.memory_space<vmem>>, vector<1x1x1x3144xi32>
    %get3A_131 = vector.shape_cast %get3A_130 : vector<1x1x1x3144xi32> to vector<1x3144xi32>
    %eq3A_132 = vector.broadcast %get3A_131 : vector<1x3144xi32> to vector<128x3144xi32>
    %eq3A_133 = arith.cmpi eq, %iota3A_125, %eq3A_132 : vector<128x3144xi32>
    %convert_element_type3A_134 = arith.extui %eq3A_133 : vector<128x3144xi1> to vector<128x3144xi32>
    %convert_element_type3A_135 = arith.sitofp %convert_element_type3A_134 : vector<128x3144xi32> to vector<128x3144xf32>
    %get3A_136 = arith.constant 0 : index
    %get3A_137 = arith.constant 0 : index
    %get3A_138 = vector.load %arg11[%get3A_136, %get3A_137] : memref<128x32xf32, #tpu.memory_space<vmem>>, vector<128x32xf32>
    %slice3A_139 = vector.extract_strided_slice %select_n3A_124 {offsets = [0, 0], sizes = [3144, 32], strides = [1, 1]} : vector<3144x128xf32> to vector<3144x32xf32>
    %dot_general3A = arith.constant dense<0.000000e+00> : vector<128x32xf32>
    %dot_general3A_140 = tpu.matmul %convert_element_type3A_135, %slice3A_139, %dot_general3A {dimension_numbers = #tpu.dot_dimension_numbers<[1], [0], [0], [1], [0, 0, 1, 1], [], []>, transpose_lhs_hint = false} : vector<128x3144xf32>, vector<3144x32xf32>, vector<128x32xf32> -> vector<128x32xf32>
    %add3A_141 = arith.addf %get3A_138, %dot_general3A_140 : vector<128x32xf32>
    %swap3A = arith.constant 0 : index
    %swap3A_142 = arith.constant 0 : index
    %swap3A_143 = vector.load %arg11[%swap3A, %swap3A_142] : memref<128x32xf32, #tpu.memory_space<vmem>>, vector<128x32xf32>
    tpu.vector_store %arg11[%swap3A, %swap3A_142], %add3A_141 {strides = array<i32>} : memref<128x32xf32, #tpu.memory_space<vmem>>, vector<128x32xf32>,
    %get3A_144 = arith.constant 0 : index
    %get3A_145 = arith.constant 0 : index
    %get3A_146 = vector.load %arg12[%get3A_144, %get3A_145] : memref<128x128xf32, #tpu.memory_space<vmem>>, vector<128x128xf32>
    %reduce_sum3A = arith.constant dense<0.000000e+00> : vector<128xf32>
    %reduce_sum3A_147 = vector.multi_reduction <add>, %convert_element_type3A_135, %reduce_sum3A [1] : vector<128x3144xf32> to vector<128xf32>
    %broadcast_in_dim3A_148 = vector.shape_cast %reduce_sum3A_147 : vector<128xf32> to vector<128x1xf32>
    %add3A_149 = vector.broadcast %broadcast_in_dim3A_148 : vector<128x1xf32> to vector<128x128xf32>
    %add3A_150 = arith.addf %get3A_146, %add3A_149 : vector<128x128xf32>
    %swap3A_151 = arith.constant 0 : index
    %swap3A_152 = arith.constant 0 : index
    %swap3A_153 = vector.load %arg12[%swap3A_151, %swap3A_152] : memref<128x128xf32, #tpu.memory_space<vmem>>, vector<128x128xf32>
    tpu.vector_store %arg12[%swap3A_151, %swap3A_152], %add3A_150 {strides = array<i32>} : memref<128x128xf32, #tpu.memory_space<vmem>>, vector<128x128xf32>,
    %get3A_154 = arith.constant 0 : index
    %get3A_155 = arith.constant 1 : index
    %get3A_156 = arith.constant 0 : index
    %get3A_157 = arith.constant 0 : index
    %get3A_158 = vector.load %arg4[%get3A_154, %get3A_155, %get3A_156, %get3A_157] : memref<1x4x1x3144xi32, #tpu.memory_space<vmem>>, vector<1x1x1x3144xi32>
    %get3A_159 = vector.shape_cast %get3A_158 : vector<1x1x1x3144xi32> to vector<1x3144xi32>
    %eq3A_160 = vector.broadcast %get3A_159 : vector<1x3144xi32> to vector<128x3144xi32>
    %eq3A_161 = arith.cmpi eq, %iota3A_125, %eq3A_160 : vector<128x3144xi32>
    %convert_element_type3A_162 = arith.extui %eq3A_161 : vector<128x3144xi1> to vector<128x3144xi32>
    %convert_element_type3A_163 = arith.sitofp %convert_element_type3A_162 : vector<128x3144xi32> to vector<128x3144xf32>
    %get3A_164 = arith.constant 0 : index
    %get3A_165 = arith.constant 0 : index
    %get3A_166 = vector.load %arg11[%get3A_164, %get3A_165] : memref<128x32xf32, #tpu.memory_space<vmem>>, vector<128x32xf32>
    %slice3A_167 = vector.extract_strided_slice %select_n3A_124 {offsets = [0, 32], sizes = [3144, 32], strides = [1, 1]} : vector<3144x128xf32> to vector<3144x32xf32>
    %dot_general3A_168 = arith.constant dense<0.000000e+00> : vector<128x32xf32>
    %dot_general3A_169 = tpu.matmul %convert_element_type3A_163, %slice3A_167, %dot_general3A_168 {dimension_numbers = #tpu.dot_dimension_numbers<[1], [0], [0], [1], [0, 0, 1, 1], [], []>, transpose_lhs_hint = false} : vector<128x3144xf32>, vector<3144x32xf32>, vector<128x32xf32> -> vector<128x32xf32>
    %add3A_170 = arith.addf %get3A_166, %dot_general3A_169 : vector<128x32xf32>
    %swap3A_171 = arith.constant 0 : index
    %swap3A_172 = arith.constant 0 : index
    %swap3A_173 = vector.load %arg11[%swap3A_171, %swap3A_172] : memref<128x32xf32, #tpu.memory_space<vmem>>, vector<128x32xf32>
    tpu.vector_store %arg11[%swap3A_171, %swap3A_172], %add3A_170 {strides = array<i32>} : memref<128x32xf32, #tpu.memory_space<vmem>>, vector<128x32xf32>,
    %get3A_174 = arith.constant 0 : index
    %get3A_175 = arith.constant 0 : index
    %get3A_176 = vector.load %arg12[%get3A_174, %get3A_175] : memref<128x128xf32, #tpu.memory_space<vmem>>, vector<128x128xf32>
    %reduce_sum3A_177 = arith.constant dense<0.000000e+00> : vector<128xf32>
    %reduce_sum3A_178 = vector.multi_reduction <add>, %convert_element_type3A_163, %reduce_sum3A_177 [1] : vector<128x3144xf32> to vector<128xf32>
    %broadcast_in_dim3A_179 = vector.shape_cast %reduce_sum3A_178 : vector<128xf32> to vector<128x1xf32>
    %add3A_180 = vector.broadcast %broadcast_in_dim3A_179 : vector<128x1xf32> to vector<128x128xf32>
    %add3A_181 = arith.addf %get3A_176, %add3A_180 : vector<128x128xf32>
    %swap3A_182 = arith.constant 0 : index
    %swap3A_183 = arith.constant 0 : index
    %swap3A_184 = vector.load %arg12[%swap3A_182, %swap3A_183] : memref<128x128xf32, #tpu.memory_space<vmem>>, vector<128x128xf32>
    tpu.vector_store %arg12[%swap3A_182, %swap3A_183], %add3A_181 {strides = array<i32>} : memref<128x128xf32, #tpu.memory_space<vmem>>, vector<128x128xf32>,
    %get3A_185 = arith.constant 0 : index
    %get3A_186 = arith.constant 2 : index
    %get3A_187 = arith.constant 0 : index
    %get3A_188 = arith.constant 0 : index
    %get3A_189 = vector.load %arg4[%get3A_185, %get3A_186, %get3A_187, %get3A_188] : memref<1x4x1x3144xi32, #tpu.memory_space<vmem>>, vector<1x1x1x3144xi32>
    %get3A_190 = vector.shape_cast %get3A_189 : vector<1x1x1x3144xi32> to vector<1x3144xi32>
    %eq3A_191 = vector.broadcast %get3A_190 : vector<1x3144xi32> to vector<128x3144xi32>
    %eq3A_192 = arith.cmpi eq, %iota3A_125, %eq3A_191 : vector<128x3144xi32>
    %convert_element_type3A_193 = arith.extui %eq3A_192 : vector<128x3144xi1> to vector<128x3144xi32>
    %convert_element_type3A_194 = arith.sitofp %convert_element_type3A_193 : vector<128x3144xi32> to vector<128x3144xf32>
    %get3A_195 = arith.constant 0 : index
    %get3A_196 = arith.constant 0 : index
    %get3A_197 = vector.load %arg11[%get3A_195, %get3A_196] : memref<128x32xf32, #tpu.memory_space<vmem>>, vector<128x32xf32>
    %slice3A_198 = vector.extract_strided_slice %select_n3A_124 {offsets = [0, 64], sizes = [3144, 32], strides = [1, 1]} : vector<3144x128xf32> to vector<3144x32xf32>
    %dot_general3A_199 = arith.constant dense<0.000000e+00> : vector<128x32xf32>
    %dot_general3A_200 = tpu.matmul %convert_element_type3A_194, %slice3A_198, %dot_general3A_199 {dimension_numbers = #tpu.dot_dimension_numbers<[1], [0], [0], [1], [0, 0, 1, 1], [], []>, transpose_lhs_hint = false} : vector<128x3144xf32>, vector<3144x32xf32>, vector<128x32xf32> -> vector<128x32xf32>
    %add3A_201 = arith.addf %get3A_197, %dot_general3A_200 : vector<128x32xf32>
    %swap3A_202 = arith.constant 0 : index
    %swap3A_203 = arith.constant 0 : index
    %swap3A_204 = vector.load %arg11[%swap3A_202, %swap3A_203] : memref<128x32xf32, #tpu.memory_space<vmem>>, vector<128x32xf32>
    tpu.vector_store %arg11[%swap3A_202, %swap3A_203], %add3A_201 {strides = array<i32>} : memref<128x32xf32, #tpu.memory_space<vmem>>, vector<128x32xf32>,
    %get3A_205 = arith.constant 0 : index
    %get3A_206 = arith.constant 0 : index
    %get3A_207 = vector.load %arg12[%get3A_205, %get3A_206] : memref<128x128xf32, #tpu.memory_space<vmem>>, vector<128x128xf32>
    %reduce_sum3A_208 = arith.constant dense<0.000000e+00> : vector<128xf32>
    %reduce_sum3A_209 = vector.multi_reduction <add>, %convert_element_type3A_194, %reduce_sum3A_208 [1] : vector<128x3144xf32> to vector<128xf32>
    %broadcast_in_dim3A_210 = vector.shape_cast %reduce_sum3A_209 : vector<128xf32> to vector<128x1xf32>
    %add3A_211 = vector.broadcast %broadcast_in_dim3A_210 : vector<128x1xf32> to vector<128x128xf32>
    %add3A_212 = arith.addf %get3A_207, %add3A_211 : vector<128x128xf32>
    %swap3A_213 = arith.constant 0 : index
    %swap3A_214 = arith.constant 0 : index
    %swap3A_215 = vector.load %arg12[%swap3A_213, %swap3A_214] : memref<128x128xf32, #tpu.memory_space<vmem>>, vector<128x128xf32>
    tpu.vector_store %arg12[%swap3A_213, %swap3A_214], %add3A_212 {strides = array<i32>} : memref<128x128xf32, #tpu.memory_space<vmem>>, vector<128x128xf32>,
    %get3A_216 = arith.constant 0 : index
    %get3A_217 = arith.constant 3 : index
    %get3A_218 = arith.constant 0 : index
    %get3A_219 = arith.constant 0 : index
    %get3A_220 = vector.load %arg4[%get3A_216, %get3A_217, %get3A_218, %get3A_219] : memref<1x4x1x3144xi32, #tpu.memory_space<vmem>>, vector<1x1x1x3144xi32>
    %get3A_221 = vector.shape_cast %get3A_220 : vector<1x1x1x3144xi32> to vector<1x3144xi32>
    %eq3A_222 = vector.broadcast %get3A_221 : vector<1x3144xi32> to vector<128x3144xi32>
    %eq3A_223 = arith.cmpi eq, %iota3A_125, %eq3A_222 : vector<128x3144xi32>
    %convert_element_type3A_224 = arith.extui %eq3A_223 : vector<128x3144xi1> to vector<128x3144xi32>
    %convert_element_type3A_225 = arith.sitofp %convert_element_type3A_224 : vector<128x3144xi32> to vector<128x3144xf32>
    %get3A_226 = arith.constant 0 : index
    %get3A_227 = arith.constant 0 : index
    %get3A_228 = vector.load %arg11[%get3A_226, %get3A_227] : memref<128x32xf32, #tpu.memory_space<vmem>>, vector<128x32xf32>
    %slice3A_229 = vector.extract_strided_slice %select_n3A_124 {offsets = [0, 96], sizes = [3144, 32], strides = [1, 1]} : vector<3144x128xf32> to vector<3144x32xf32>
    %dot_general3A_230 = arith.constant dense<0.000000e+00> : vector<128x32xf32>
    %dot_general3A_231 = tpu.matmul %convert_element_type3A_225, %slice3A_229, %dot_general3A_230 {dimension_numbers = #tpu.dot_dimension_numbers<[1], [0], [0], [1], [0, 0, 1, 1], [], []>, transpose_lhs_hint = false} : vector<128x3144xf32>, vector<3144x32xf32>, vector<128x32xf32> -> vector<128x32xf32>
    %add3A_232 = arith.addf %get3A_228, %dot_general3A_231 : vector<128x32xf32>
    %swap3A_233 = arith.constant 0 : index
    %swap3A_234 = arith.constant 0 : index
    %swap3A_235 = vector.load %arg11[%swap3A_233, %swap3A_234] : memref<128x32xf32, #tpu.memory_space<vmem>>, vector<128x32xf32>
    tpu.vector_store %arg11[%swap3A_233, %swap3A_234], %add3A_232 {strides = array<i32>} : memref<128x32xf32, #tpu.memory_space<vmem>>, vector<128x32xf32>,
    %get3A_236 = arith.constant 0 : index
    %get3A_237 = arith.constant 0 : index
    %get3A_238 = vector.load %arg12[%get3A_236, %get3A_237] : memref<128x128xf32, #tpu.memory_space<vmem>>, vector<128x128xf32>
    %reduce_sum3A_239 = arith.constant dense<0.000000e+00> : vector<128xf32>
    %reduce_sum3A_240 = vector.multi_reduction <add>, %convert_element_type3A_225, %reduce_sum3A_239 [1] : vector<128x3144xf32> to vector<128xf32>
    %broadcast_in_dim3A_241 = vector.shape_cast %reduce_sum3A_240 : vector<128xf32> to vector<128x1xf32>
    %add3A_242 = vector.broadcast %broadcast_in_dim3A_241 : vector<128x1xf32> to vector<128x128xf32>
    %add3A_243 = arith.addf %get3A_238, %add3A_242 : vector<128x128xf32>
    %swap3A_244 = arith.constant 0 : index
    %swap3A_245 = arith.constant 0 : index
    %swap3A_246 = vector.load %arg12[%swap3A_244, %swap3A_245] : memref<128x128xf32, #tpu.memory_space<vmem>>, vector<128x128xf32>
    tpu.vector_store %arg12[%swap3A_244, %swap3A_245], %add3A_243 {strides = array<i32>} : memref<128x128xf32, #tpu.memory_space<vmem>>, vector<128x128xf32>,
    %eq3A_247 = arith.constant 3 : i32
    %eq3A_248 = arith.cmpi eq, %arg0, %eq3A_247 : i32
    %convert_element_type3A_249 = arith.extui %eq3A_248 : i1 to i32
    %cond3A_250 = arith.constant 0 : i32
    %cond3A_251 = arith.cmpi ne, %convert_element_type3A_249, %cond3A_250 : i32
    scf.if %cond3A_251 {
      %get3A_252 = arith.constant 0 : index
      %get3A_253 = arith.constant 0 : index
      %get3A_254 = vector.load %arg11[%get3A_252, %get3A_253] : memref<128x32xf32, #tpu.memory_space<vmem>>, vector<128x32xf32>
      %get3A_255 = arith.constant 0 : index
      %get3A_256 = arith.constant 0 : index
      %get3A_257 = vector.load %arg12[%get3A_255, %get3A_256] : memref<128x128xf32, #tpu.memory_space<vmem>>, vector<128x1xf32>
      %max3A_258 = arith.constant 1.000000e+00 : f32
      %max3A_259 = vector.broadcast %max3A_258 : f32 to vector<128x1xf32>
      %max3A_260 = arith.maximumf %get3A_257, %max3A_259 : vector<128x1xf32>
      %div3A_261 = vector.broadcast %max3A_260 : vector<128x1xf32> to vector<128x32xf32>
      %div3A_262 = arith.divf %get3A_254, %div3A_261 : vector<128x32xf32>
      %get3A_263 = arith.constant 0 : index
      %get3A_264 = arith.constant 0 : index
      %get3A_265 = vector.load %arg6[%get3A_263, %get3A_264] : memref<32x32xf32, #tpu.memory_space<vmem>>, vector<32x32xf32>
      %dot_general3A_266 = arith.constant dense<0.000000e+00> : vector<128x32xf32>
      %dot_general3A_267 = tpu.matmul %div3A_262, %get3A_265, %dot_general3A_266 {dimension_numbers = #tpu.dot_dimension_numbers<[1], [0], [0], [1], [0, 0, 1, 1], [], []>, transpose_lhs_hint = false} : vector<128x32xf32>, vector<32x32xf32>, vector<128x32xf32> -> vector<128x32xf32>
      %get3A_268 = arith.constant 0 : index
      %get3A_269 = arith.constant 0 : index
      %get3A_270 = vector.load %arg7[%get3A_268, %get3A_269] : memref<1x32xf32, #tpu.memory_space<vmem>>, vector<1x32xf32>
      %add3A_271 = vector.broadcast %get3A_270 : vector<1x32xf32> to vector<128x32xf32>
      %add3A_272 = arith.addf %dot_general3A_267, %add3A_271 : vector<128x32xf32>
      %max3A_273 = arith.constant 0.000000e+00 : f32
      %max3A_274 = vector.broadcast %max3A_273 : f32 to vector<128x32xf32>
      %max3A_275 = arith.maximumf %add3A_272, %max3A_274 : vector<128x32xf32>
      %get3A_276 = arith.constant 0 : index
      %get3A_277 = arith.constant 0 : index
      %get3A_278 = vector.load %arg8[%get3A_276, %get3A_277] : memref<32x4xf32, #tpu.memory_space<vmem>>, vector<32x4xf32>
      %dot_general3A_279 = arith.constant dense<0.000000e+00> : vector<128x4xf32>
      %dot_general3A_280 = tpu.matmul %max3A_275, %get3A_278, %dot_general3A_279 {dimension_numbers = #tpu.dot_dimension_numbers<[1], [0], [0], [1], [0, 0, 1, 1], [], []>, transpose_lhs_hint = false} : vector<128x32xf32>, vector<32x4xf32>, vector<128x4xf32> -> vector<128x4xf32>
      %get3A_281 = arith.constant 0 : index
      %get3A_282 = arith.constant 0 : index
      %get3A_283 = vector.load %arg9[%get3A_281, %get3A_282] : memref<1x4xf32, #tpu.memory_space<vmem>>, vector<1x4xf32>
      %add3A_284 = vector.broadcast %get3A_283 : vector<1x4xf32> to vector<128x4xf32>
      %add3A_285 = arith.addf %dot_general3A_280, %add3A_284 : vector<128x4xf32>
      %reduce_max3A = arith.constant dense<0xFF800000> : vector<128xf32>
      %reduce_max3A_286 = vector.multi_reduction <maximumf>, %add3A_285, %reduce_max3A [1] : vector<128x4xf32> to vector<128xf32>
      %broadcast_in_dim3A_287 = vector.shape_cast %reduce_max3A_286 : vector<128xf32> to vector<128x1xf32>
      %sub3A_288 = vector.broadcast %broadcast_in_dim3A_287 : vector<128x1xf32> to vector<128x4xf32>
      %sub3A_289 = arith.subf %add3A_285, %sub3A_288 : vector<128x4xf32>
      %exp3A = math.exp %sub3A_289 : vector<128x4xf32>
      %reduce_sum3A_290 = arith.constant dense<0.000000e+00> : vector<128xf32>
      %reduce_sum3A_291 = vector.multi_reduction <add>, %exp3A, %reduce_sum3A_290 [1] : vector<128x4xf32> to vector<128xf32>
      %broadcast_in_dim3A_292 = vector.shape_cast %reduce_sum3A_291 : vector<128xf32> to vector<128x1xf32>
      %log3A = math.log %broadcast_in_dim3A_292 : vector<128x1xf32>
      %sub3A_293 = vector.broadcast %log3A : vector<128x1xf32> to vector<128x4xf32>
      %sub3A_294 = arith.subf %sub3A_289, %sub3A_293 : vector<128x4xf32>
      %swap3A_295 = arith.constant 0 : index
      %swap3A_296 = arith.constant 0 : index
      %swap3A_297 = vector.load %arg10[%swap3A_295, %swap3A_296] : memref<128x4xf32, #tpu.memory_space<vmem>>, vector<128x4xf32>
      tpu.vector_store %arg10[%swap3A_295, %swap3A_296], %sub3A_294 {strides = array<i32>} : memref<128x4xf32, #tpu.memory_space<vmem>>, vector<128x4xf32>,
    } else {
    }
    return
  }
  func.func @transform_0(%arg0: i32) -> (i32, i32, i32) {
    %c0_i32 = arith.constant 0 : i32
    %c0_i32_0 = arith.constant 0 : i32
    %c0_i32_1 = arith.constant 0 : i32
    return %c0_i32, %arg0, %c0_i32_0 : i32, i32, i32
  }
  func.func @transform_1(%arg0: i32) -> (i32, i32) {
    %c0_i32 = arith.constant 0 : i32
    %c0_i32_0 = arith.constant 0 : i32
    return %arg0, %c0_i32 : i32, i32
  }
  func.func @transform_2(%arg0: i32) -> (i32, i32, i32) {
    %c0_i32 = arith.constant 0 : i32
    %c0_i32_0 = arith.constant 0 : i32
    %c0_i32_1 = arith.constant 0 : i32
    return %c0_i32, %arg0, %c0_i32_0 : i32, i32, i32
  }
  func.func @transform_3(%arg0: i32) -> (i32, i32, i32, i32) {
    %c0_i32 = arith.constant 0 : i32
    %c0_i32_0 = arith.constant 0 : i32
    %c0_i32_1 = arith.constant 0 : i32
    %c0_i32_2 = arith.constant 0 : i32
    return %arg0, %c0_i32, %c0_i32_0, %c0_i32_1 : i32, i32, i32, i32
  }
  func.func @transform_4(%arg0: i32) -> (i32, i32) {
    %c0_i32 = arith.constant 0 : i32
    %c0_i32_0 = arith.constant 0 : i32
    %c0_i32_1 = arith.constant 0 : i32
    return %c0_i32, %c0_i32_0 : i32, i32
  }
  func.func @transform_5(%arg0: i32) -> (i32, i32) {
    %c0_i32 = arith.constant 0 : i32
    %c0_i32_0 = arith.constant 0 : i32
    %c0_i32_1 = arith.constant 0 : i32
    return %c0_i32, %c0_i32_0 : i32, i32
  }
  func.func @transform_6(%arg0: i32) -> (i32, i32) {
    %c0_i32 = arith.constant 0 : i32
    %c0_i32_0 = arith.constant 0 : i32
    %c0_i32_1 = arith.constant 0 : i32
    return %c0_i32, %c0_i32_0 : i32, i32
  }
  func.func @transform_7(%arg0: i32) -> (i32, i32) {
    %c0_i32 = arith.constant 0 : i32
    %c0_i32_0 = arith.constant 0 : i32
    %c0_i32_1 = arith.constant 0 : i32
    return %c0_i32, %c0_i32_0 : i32, i32
  }
  func.func @transform_8(%arg0: i32) -> (i32, i32) {
    %c0_i32 = arith.constant 0 : i32
    %c0_i32_0 = arith.constant 0 : i32
    %c0_i32_1 = arith.constant 0 : i32
    return %c0_i32, %c0_i32_0 : i32, i32
  }
  func.func @transform_9(%arg0: i32) -> (i32, i32) {
    %c0_i32 = arith.constant 0 : i32
    %c0_i32_0 = arith.constant 0 : i32
    %c0_i32_1 = arith.constant 0 : i32
    return %c0_i32, %c0_i32_0 : i32, i32
  }
}

</mosaic_0001>

<sc_bundles>
// kernel: gather_offload_async_start
scs
__scs_entry_jumppad:
0x0: {  	(pc) =	sbr.rel $0x88, $3  }
0x1: {  	(tag) =	ssettag $0x0;
	lr =	simm.s32 $0x1  }
0x2: {  	[smem:$0x3F8B] =	sst lr;
	_ =	strace $0xD0000000  }
0x3: {  	_ = 	snop  }
0x4: {  	_ = 	snop  }
0x5: {  	_ = 	snop  }
0x6: {  	_ = 	snop  }
0x7: {  	_ = 	snop  }
__scs_overlays_trampoline_lowered:
0x8: {  	[smem:$0x3F9A] =	sst s0  }
0x9: {  	[smem:$0x3F9B] =	sst s1  }
0xa: {  	[smem:$0x3F9C] =	sst s2  }
0xb: {  	[smem:$0x3F9D] =	sst s3  }
0xc: {  	[smem:$0x3F9E] =	sst s4  }
0xd: {  	[smem:$0x3F9F] =	sst s5  }
0xe: {  	[smem:$0x3FA0] =	sst s6  }
0xf: {  	[smem:$0x3FA1] =	sst s7  }
0x10: {  	[smem:$0x3FA2] =	sst s8  }
0x11: {  	[smem:$0x3FA3] =	sst s9;
	s0 =	simm.s32 @!p0 $0x0  }
0x12: {  	s1 =	sld [smem:$0x3F89];
	s0 =	simm.s32 @p0 $0x1  }
0x13: {  	[smem:$0x3FA4] =	sst s0;
	s0 =	simm.s32 @!p1 $0x0  }
0x14: {  	s2 =	sld [smem:$0x3F88];
	s0 =	simm.s32 @p1 $0x1  }
0x15: {  	[smem:$0x3FA5] =	sst s0;
	s0 =	simm.s32 @!p2 $0x0  }
0x16: {  	s3 =	sld [smem:$0x3FDB];
	s0 =	simm.s32 @p2 $0x1  }
0x17: {  	s4 =	simm.s32 $0x1BF5;
	[smem:$0x3FA7] =	sst s0  }
0x18: {  	s0 =	sld [smem:$0x3F8A];
	_ =	swait.ge [sflag:s4], $0x0  }
0x19: {  	s7 =	sld [smem:$0x3F8B]  }
0x1a: {  	s8 =	sadd.s32 $0xFFFFE003, lr  }
0x1b: {  	s9 =	sadd.s32 $0xFFFFFEF7, lr;
	s5 =	simm.s32 $0xFFFFFFFF;
	p2 =	slt.u32 s8, $0xFFFFF086  }
0x1c: {  	p1 =	slt.u32 s9, $0xF7A;
	s5 =	simm.s32 @!p2 $0x0  }
0x1d: {  	s5 =	simm.s32 @p1 $0x1;
	p0 =	seq.s32 s7, s2  }
0x1e: {  	s7 =	smul.u32 @!p0 $0xF7A, s2;
	p2 =	seq.s32 @!p0 s5, $0x0  }
0x1f: {  	s9 =	smul.u32 $0xF7A, s1;
	s8 =	simm.s32 @!p0 $0x1BF5;
	p2 =	por !p2, p0  }
0x20: {  	[sflag:s8] =	ssyncset.s32 @!p0 $0xFFFFF086;
	s6 =	sadd.s32 @!p0 s3, s7;
	s7 =	simm.s32 @!p0 $0x108  }
0x21: {  	s3 =	sadd.s32 s3, s9;
	s6 =	sadd.s32 @!p0 $0x88, s6;
	s7 =	simm.s32 @p2 $0x1082  }
0x22: {  	[simem:s7], [sflag:s8] =	dma.local @!p0 [hbm:s6], $0xF7A  }
0x23: {  	s9 =	sor.u32 $0xD0000000, s2;
	s6 =	simm.s32 $0x108;
	_ =	swait.ge @!p0 [sflag:s8], $0x0  }
0x24: {  	s3 =	sadd.s32 $0x88, s3;
	s6 =	simm.s32 @!p1 $0x1082;
	[sflag:s4] =	ssyncset.s32 $0xFFFFF086  }
0x25: {  	[simem:s6], [sflag:s4] =	dma.local [hbm:s3], $0xF7A  }
0x26: {  	[smem:$0x3F8B] =	sst s1;
	(tag) =	ssettag s2;
	_ =	strace s9  }
0x27: {  	s1 =	sld [smem:$0x3F9B]  }
0x28: {  	s2 =	sld [smem:$0x3F9C]  }
0x29: {  	s4 =	sld [smem:$0x3F9E]  }
0x2a: {  	p0 =	seq.s32 s5, $0x0;
	s5 =	sld [smem:$0x3F9F]  }
0x2b: {  	s6 =	sld [smem:$0x3FA0]  }
0x2c: {  	s7 =	sld [smem:$0x3FA1]  }
0x2d: {  	s3 =	simm.s32 $0x108;
	s8 =	sld [smem:$0x3FA2]  }
0x2e: {  	s3 =	simm.s32 @!p0 $0x1082;
	s9 =	sld [smem:$0x3FA3]  }
0x2f: {  	lr =	sadd.s32 s0, s3;
	s0 =	sld [smem:$0x3F9A]  }
0x30: {  	s3 =	sld [smem:$0x3F9D]  }
0x31: {  	[smem:$0x3FA6] =	sst s10  }
0x32: {  	s10 =	sld [smem:$0x3FA4];
	_ =	sdelay $0x3  }
0x33: {  	p0 =	seq.s32 s10, $0x1;
	s10 =	sld [smem:$0x3FA6];
	_ =	sdelay $0x3  }
0x34: {  	[smem:$0x3FA6] =	sst s10  }
0x35: {  	s10 =	sld [smem:$0x3FA5];
	_ =	sdelay $0x3  }
0x36: {  	p1 =	seq.s32 s10, $0x1;
	s10 =	sld [smem:$0x3FA6];
	_ =	sdelay $0x3  }
0x37: {  	[smem:$0x3FA6] =	sst s10  }
0x38: {  	s10 =	sld [smem:$0x3FA7]  }
0x39: {  	_ = 	snop;
	(pc) =	sbr.ind lr, $3  }
0x3a: {  	_ = 	snop  }
0x3b: {  	_ = 	snop  }
0x3c: {  	p2 =	seq.s32 s10, $0x1;
	s10 =	sld [smem:$0x3FA6]  }
0x3d: {  	_ =	shalt  }
0x3e: {  	_ =	shalt  }
0x3f: {  	_ =	shalt  }
0x40: {  	_ =	shalt  }
0x41: {  	_ =	shalt  }
0x42: {  	_ =	shalt  }
0x43: {  	_ =	shalt  }
0x44: {  	_ =	shalt  }
0x45: {  	_ =	shalt  }
0x46: {  	_ =	shalt  }
0x47: {  	_ =	shalt  }
0x48: {  	_ =	shalt  }
0x49: {  	_ =	shalt  }
0x4a: {  	_ =	shalt  }
0x4b: {  	_ =	shalt  }
0x4c: {  	_ =	shalt  }
0x4d: {  	_ =	shalt  }
0x4e: {  	_ =	shalt  }
0x4f: {  	_ =	shalt  }
0x50: {  	_ =	shalt  }
0x51: {  	_ =	shalt  }
0x52: {  	_ =	shalt  }
0x53: {  	_ =	shalt  }
0x54: {  	_ =	shalt  }
0x55: {  	_ =	shalt  }
0x56: {  	_ =	shalt  }
0x57: {  	_ =	shalt  }
0x58: {  	_ =	shalt  }
0x59: {  	_ =	shalt  }
0x5a: {  	_ =	shalt  }
0x5b: {  	_ =	shalt  }
0x5c: {  	_ =	shalt  }
0x5d: {  	_ =	shalt  }
0x5e: {  	_ =	shalt  }
0x5f: {  	_ =	shalt  }
0x60: {  	_ =	shalt  }
0x61: {  	_ =	shalt  }
0x62: {  	_ =	shalt  }
0x63: {  	_ =	shalt  }
0x64: {  	_ =	shalt  }
0x65: {  	_ =	shalt  }
0x66: {  	_ =	shalt  }
0x67: {  	_ =	shalt  }
0x68: {  	_ =	shalt  }
0x69: {  	_ =	shalt  }
0x6a: {  	_ =	shalt  }
0x6b: {  	_ =	shalt  }
0x6c: {  	_ =	shalt  }
0x6d: {  	_ =	shalt  }
0x6e: {  	_ =	shalt  }
0x6f: {  	_ =	shalt  }
0x70: {  	_ =	shalt  }
0x71: {  	_ =	shalt  }
0x72: {  	_ =	shalt  }
0x73: {  	_ =	shalt  }
0x74: {  	_ =	shalt  }
0x75: {  	_ =	shalt  }
0x76: {  	_ =	shalt  }
0x77: {  	_ =	shalt  }
0x78: {  	_ =	shalt  }
0x79: {  	_ =	shalt  }
0x7a: {  	_ =	shalt  }
0x7b: {  	_ =	shalt  }
0x7c: {  	_ =	shalt  }
0x7d: {  	_ =	shalt  }
0x7e: {  	_ =	shalt  }
0x7f: {  	_ =	shalt  }
0x80: {  	_ =	shalt  }
0x81: {  	_ =	shalt  }
0x82: {  	_ =	shalt  }
0x83: {  	_ =	shalt  }
0x84: {  	_ =	shalt  }
0x85: {  	_ =	shalt  }
0x86: {  	_ =	shalt  }
0x87: {  	_ =	shalt  }
.Lfunc_end0:
.L_simem_size_0:
called_computation_lowered:
.L_overlay_start_0:
0x88: {  	s2 =	sld [smem:$0x3FD9]  }
0x89: {  	s3 =	sld [smem:$0x3FFE];
	_ =	sdelay $0x1  }
0x8a: {  	s1 =	srdreg.scid  }
0x8b: {  	s0 =	sand.u32 $0x1, s1  }
0x8c: {  	s16 =	sshll.u32 s0, $0xA;
	s2 =	sadd.s32 s3, s2  }
0x8d: {  	s2 =	sadd.s32 s2, s16  }
0x8e: {  	[smem:$0x3FB2] =	sst s2  }
0x8f: {  	_ = 	snop  }
0x90: {  	(tm) =	ssettm $0x1  }
0x91: {  	s17 =	sld [smem:$0x3FFB];
	_ =	sdelay $0x3  }
0x92: {  	_ =	strace s17  }
0x93: {  	s2 =	sld [smem:$0x3FFC];
	_ =	sdelay $0x3  }
0x94: {  	_ =	strace s2  }
0x95: {  	s2 =	sld [smem:$0x3FFD];
	_ =	sdelay $0x3  }
0x96: {  	_ =	strace s2  }
0x97: {  	_ =	strace $0x8FFFFFFF  }
0x98: {  	s18 =	sld [smem:$0x3FDB];
	_ =	sdelay $0x1  }
0x99: {  	s19 =	simm.s32 $_scs_section_size  }
0x9a: {  	s4 =	simm.s32 $_size__tile_overlayer_lowered;
	s5 =	simm.s32 $_tile_overlayer_lowered  }
0x9b: {  	s22 =	simm.s32 $0x1BFF;
	s21 =	sshll.u32 s5, $0x1;
	s2 =	sadd.s32 s19, s18  }
0x9c: {  	s6 =	simm.s32 $0x0;
	s20 =	sshll.u32 s4, $0x1;
	s4 =	sadd.s32 s21, s2  }
0x9d: {  	[timem:s6], [sflag:s22] =	dma.local [hbm:s4], s20  }
0x9e: {  	_ =	swait.ge [sflag:s22], s20  }
0x9f: {  	s3 =	ssub.s32 $0x0, s20;
	[sflag:s22] =	ssyncset.done $0x0  }
0xa0: {  	[sflag:s22] =	ssyncadd.s32 s3;
	_ =	sdelay $0x1  }
0xa1: {  	s23 =	simm.s32 $0x1B8B  }
0xa2: {  	_ =	swait.ge [sflag:s23], $0x1  }
0xa3: {  	[sflag:s23] =	ssyncset.done $0x0  }
0xa4: {  	s25 =	simm.s32 $0x1B8E;
	s24 =	sld [smem:$0x3FFE];
	[sflag:s23] =	ssyncadd.s32 $0xFFFFFFFF  }
0xa5: {  	s26 =	simm.s32 $execute0_lowered;
	[smem:$0x3FD2] =	sst s25  }
0xa6: {  	s4 =	sshll.u32 s26, $0x1;
	_ =	strace $0x8000004C;
	[dreg:$0x1] =	wrdreg $0xFFFFFFFF  }
0xa7: {  	s28 =	simm.s32 $_size_execute0_lowered;
	s2 =	sadd.s32 s2, s4;
	[dreg:$0x0] =	wrdreg $0x0  }
0xa8: {  	s4 =	sshll.u32 s28, $0x1;
	[dreg:$0x2] =	wrdreg s2  }
0xa9: {  	[dreg:$0x3] =	wrdreg s4  }
0xaa: {  	[dreg:$0x4] =	wrdreg $0xC0  }
0xab: {  	_ =	task [dreg:s6], $0x5FFFF  }
0xac: {  	[dreg:$0x1] =	wrdreg $0xFFFFFFFF  }
0xad: {  	[dreg:$0x0] =	wrdreg $0x60  }
0xae: {  	[dreg:$0x2] =	wrdreg s24  }
0xaf: {  	[dreg:$0x3] =	wrdreg $0x9  }
0xb0: {  	_ =	task.clear_ibuf [dreg:s6], $0x4FFFF;
	_ =	strace $0x9000004C  }
0xb1: {  	s29 =	simm.s32 $0x9;
	_ =	strace $0x8000004E  }
0xb2: {  	_ =	swait.ge [sflag:s29], $0x1  }
0xb3: {  	[sflag:s29] =	ssyncadd.s32 $0xFFFFFFFF  }
0xb4: {  	_ =	strace $0x9000004E  }
0xb5: {  	_ =	sfence  }
0xb6: {  	s30 =	sld [smem:$0x0];
	_ =	sdelay $0x2  }
0xb7: {  	s31 =	sshll.u32 s1, $0xD;
	s1 =	sshrl.u32 s1, $0x2  }
0xb8: {  	s3 =	sand.u32 $0x4000, s31;
	s1 =	sadd.s32 s1, s30  }
0xb9: {  	s0 =	sor.u32 s3, s0;
	s1 =	sshll.u32 s1, $0x11  }
0xba: {  	s0 =	sor.u32 s1, s0  }
0xbb: {  	s0 =	sadd.s32 $0x8F2B, s0  }
0xbc: {  	[sflag:s0] =	ssyncadd.remote.s32 $0x1  }
0xbd: {  	_ =	sfence.sel $0xFFFF  }
0xbe: {  	[dreg:$0x0] =	wrdreg $0xFFFFFFFF;
	(pc) =	sbr.abs _section_cstart, $3  }
0xbf: {  	[dreg:$0x1] =	wrdreg $0xFFFFFFFF  }
0xc0: {  	_ =	task.clear_ibuf [dreg:s6], $0x2FFFF;
	_ =	strace $0x9FFFFFFF  }
0xc1: {  	(tm) =	ssettm $0x7FFFFFFF  }
tec
execute0_lowered:
.L_overlay_start_1:
0x0: {  	(tag) =	ssettag $0x1  }
0x1: {  	s0 =	stileid.u32;
	s1 =	srdreg.scid  }
0x2: {  	s1 =	sand.u32 $0x1, s1;
	s2 =	sshll.u32 s0, $0x1  }
0x3: {  	s1 =	sor.u32 s2, s1  }
0x4: {  	s2 =	smul.u32 $0xC0, s1;
	_ =	sdelay $0x1  }
0x5: {  	s6 =	ssub.s32 $0xC480, s2  }
0x6: {  	s3 =	smul.u32 $0xAAAB, s6  }
0x7: {  	s8 =	rddreg [dreg:$0x0];
	s5 =	simm.s32 $0x1;
	s10 =	simm.s32 $0x3  }
0x8: {  	s13 =	simm.s32 $0x0;
	s12 =	simm.s32 $0x0;
	s7 =	sshrl.u32 s3, $0x1C  }
0x9: {  	s1 =	rddreg [dreg:$0x1];
	_ =	strace $0x8000004D;
	s9 =	smul.u32 $0x1800, s7  }
.Ltmp0:
0xa: {  	s4 =	sadd.s32 $0x12F600, s8;
	[sflag:s5] =	ssyncpa.u1 $0x0;
	(pc) =	sbr.rel .LBB2_1-.Ltmp0, $4  }
0xb: {  	s11 =	smov.u32 s2;
	p0 =	sne.s32 s6, s9;
	s9 =	simm.s32 $0x1  }
0xc: {  	s3 =	sadd.s32 $0x12DC00, s8;
	s6 =	simm.s32 $0x2;
	s9 =	simm.s32 @!p0 $0x0  }
0xd: {  	s8 =	sadd.s32 $0xCB800, s8;
	[sflag:s6] =	ssyncpa.u1 $0x0;
	s7 =	sadd.s32 s7, s9  }
0xe: {  	vm0 =	vmmov $0xffff;
	[sflag:s10] =	ssyncpa.u1 $0x0;
	s10 =	simm.s32 $0x0;
	s9 =	sadd.s32 $0x1, s7  }
.LBB2_4:
0xf: {  	v2 =	vnsel vm1, $0x0, v2  }
0x10: {  	vm1 =	vgt.s32 v0, $0x0;
	v2 =	vmin.u32 v2, $0xC7FF  }
0x11: {  	v0 =	vnsel vm1, $0x0, v0  }
0x12: {  	v0 =	vmin.u32 v0, $0xC7FF  }
0x13: {  	[tilespmem:s18], [sflag:$0x1] =	stream.indirect_vreg.gather [hbm4b:s3+s10], $0x1, v1, vm0, $0x4038;
	[tilespmem:$0x300] =	vst v63  }
0x14: {  	(ifvalue) =	ssetifvalue $0x7FFFFFFF  }
0x15: {  	[tilespmem:s15], [sflag:$0x1] =	stream.indirect_vreg.gather [hbm4b:s3+s10], $0x1, v2, vm0, $0x4038;
	[tilespmem:$0x300] =	vst v63  }
0x16: {  	s29 =	sadd.s32 $0x10, s15;
	(ifvalue) =	ssetifvalue $0x7FFFFFFF  }
0x17: {  	[tilespmem:s29], [sflag:$0x1] =	stream.indirect_vreg.gather [hbm4b:s3+s10], $0x1, v0, vm0, $0x4038;
	[tilespmem:$0x300] =	vst v63  }
0x18: {  	_ =	swait.ge [sflag:s5], $0xC0  }
0x19: {  	s30 =	sshrl.u32 s13, $0x3;
	[sflag:s5] =	ssyncset.done $0x0  }
0x1a: {  	s31 =	sand.u32 $0x7, s13;
	s15 =	sadd.s32 s8, s30;
	[sflag:s5] =	ssyncadd.s32 $0xFFFFFF40  }
0x1b: {  	[hbm4b:s15+s31] =	stream.linear.scatter [tilespmem:s14], [sflag:$0x3], $0xC0, $0x38;
	[tilespmem:$0x300] =	vst v63  }
.LBB2_5:
0x1c: {  	s15 =	sadd.s32 $0x1800, s11  }
0x1d: {  	p1 =	sgt.s32 s15, $0xC47F  }
0x1e: {  	s15 =	smov.u32 @p1 s2;
	p1 =	sne.s32 s12, s9  }
.Ltmp1:
0x1f: {  	p0 =	slt.u32 s12, $0x2;
	(pc) =	sbr.rel @!p1 .LBB2_6-.Ltmp1, $4  }
0x20: {  	s14 =	simm.s32 @!p0 $0x3  }
0x21: {  	_ =	swait.ge @!p0 [sflag:s14], $0xC0  }
0x22: {  	s16 =	sadd.s32 $0x1, s12;
	s13 =	smov.u32 s11;
	[sflag:s14] =	ssyncset.done @!p0 $0x0  }
0x23: {  	s12 =	smov.u32 s16;
	s11 =	smov.u32 s15;
	[sflag:s14] =	ssyncadd.s32 @!p0 $0xFFFFFF40  }
.LBB2_1:
0x24: {  	p0 =	sge.u32 s12, s7  }
0x25: {  	s14 =	sxor.u32 @!p0 $0xFFFFFFFF, s12  }
0x26: {  	s14 =	sand.u32 @!p0 $0x1, s14  }
0x27: {  	s14 =	smul.u32 @!p0 $0x300, s14  }
0x28: {  	s31 =	sadd.s32 $0xFFFFFFFF, s12;
	s15 =	sshrl.u32 @!p0 s11, $0x3  }
0x29: {  	s16 =	sand.u32 @!p0 $0x7, s11;
	s15 =	sadd.s32 @!p0 s4, s15;
	s14 =	sshrl.u32 @!p0 s14, $0x2  }
0x2a: {  	[tilespmem:s14], [sflag:$0x2] =	stream.linear.gather @!p0 [hbm4b:s15+s16], $0xC0, $0x38;
	[tilespmem:$0x300] =	vst v63  }
0x2b: {  	p0 =	sge.u32 s31, s7  }
.Ltmp2:
0x2c: {  	_ = 	snop;
	(pc) =	sbr.rel @p0 .LBB2_5-.Ltmp2, $1  }
0x2d: {  	_ =	sdelay $0x3  }
0x2e: {  	s14 =	sand.u32 $0x1, s12  }
0x2f: {  	_ =	swait.ge [sflag:s6], $0xC0;
	p0 =	seq.s32 s14, $0x1;
	s14 =	simm.s32 $0xC0  }
0x30: {  	[sflag:s6] =	ssyncset.done $0x0;
	s14 =	simm.s32 @!p0 $0x0  }
0x31: {  	[sflag:s6] =	ssyncadd.s32 $0xFFFFFF40;
	(ifvalue) =	ssetifvalue $0x7FFFFFFF;
	v0 =	vld.msk [tilespmem:s14+$0x0 ss:$0x1], $0xffff;
	_ =	sdelay $0x4  }
0x32: {  	s15 =	sadd.s32 $0x10, s14;
	vm1 =	vgt.s32 v0, $0x0  }
0x33: {  	v2 =	vld.msk [tilespmem:s15+$0x0 ss:$0x1], $0xffff;
	v1 =	vnsel vm1, $0x0, v0  }
0x34: {  	v1 =	vmin.u32 v1, $0xC7FF;
	_ =	sdelay $0x2  }
0x35: {  	s17 =	simm.s32 $0x20;
	s14 =	sadd.s32 $0x180, s14;
	s16 =	sadd.s32 $0x10, s15  }
0x36: {  	s15 =	sadd.s32 $0x10, s14;
	s18 =	smov.u32 s14;
	v0 =	vld.msk [tilespmem:s16+$0x0 ss:$0x1], $0xffff;
	vm1 =	vgt.s32 v2, $0x0;
	(ifvalue) =	ssetifvalue $0x7FFFFFFF  }
.LBB2_3:
0x37: {  	[tilespmem:s18], [sflag:$0x1] =	stream.indirect_vreg.gather [hbm4b:s3+s10], $0x1, v1, vm0, $0x4038;
	[tilespmem:$0x300] =	vst v63  }
0x38: {  	s17 =	sadd.s32 $0x10, s17  }
0x39: {  	v2 =	vnsel vm1, $0x0, v2;
	p0 =	slt.u32 s17, $0xB0  }
.Ltmp3:
0x3a: {  	s18 =	smov.u32 s15;
	v1 =	vmin.u32 v2, $0xC7FF;
	(pc) =	sbr.rel @p0 .LBB2_3-.Ltmp3, $3  }
0x3b: {  	_ =	sdelay $0x1  }
0x3c: {  	s16 =	sadd.s32 $0x10, s16  }
0x3d: {  	vm1 =	vgt.s32 v0, $0x0;
	s15 =	sadd.s32 $0x10, s15;
	v2 =	vmov v0;
	(ifvalue) =	ssetifvalue $0x7FFFFFFF;
	v0 =	vld.msk [tilespmem:s16+$0x0 ss:$0x1], $0xffff  }
.Ltmp4:
0x3e: {  	_ = 	snop;
	(pc) =	sbr.rel .LBB2_4-.Ltmp4, $1  }
0x3f: {  	_ =	sdelay $0x3  }
.LBB2_6:
0x40: {  	_ =	sfence.sel $0x180000  }
0x41: {  	s2 =	simm.s32 $0x2;
	[bflag:$0x0] =	sbarrier.arrive $0xFFFF  }
0x42: {  	s30 =	simm.s32 $0x3;
	[sflag:s2] =	ssyncpa.u1 $0x1  }
0x43: {  	s31 =	simm.s32 $0x1;
	[sflag:s30] =	ssyncpa.u1 $0x1  }
0x44: {  	[sflag:s31] =	ssyncpa.u1 $0x1  }
0x45: {  	p0 =	sne.s32 s0, $0x0;
	_ =	strace $0x9000004D  }
0x46: {  	s0 =	sadd.s32 @!p0 $0x100000, s1;
	[bflag:$0x2] =	sbarrier.arrive $0xFFFF  }
0x47: {  	[sflag:s0] =	ssyncadd.tile.s32 @!p0 $0x1;
	_ =	shalt  }
.Lfunc_end2:
_tile_overlayer_lowered:
.L_overlay_start_2:
0x48: {  	(tag) =	ssettag $0x2  }
0x49: {  	s0 =	rddreg [dreg:$0x0];
	s2 =	stileid.u32  }
0x4a: {  	s1 =	rddreg [dreg:$0x1];
	p0 =	sne.s32 s2, $0x0  }
0x4b: {  	s3 =	rddreg [dreg:$0x2];
	[bflag:$0x3] =	sbarrier.arrive $0xFFFF;
	s2 =	simm.s32 @!p0 $0x1C01  }
0x4c: {  	[timem:s3], [sflag:s2] =	dma.local @!p0 [hbm:s0], s1  }
0x4d: {  	s0 =	simm.s32 @!p0 $0x1  }
0x4e: {  	_ =	swait.ge @!p0 [sflag:s0], s1  }
0x4f: {  	s1 =	ssub.s32 @!p0 $0x0, s1;
	[sflag:s0] =	ssyncset.done @!p0 $0x0  }
0x50: {  	[sflag:s0] =	ssyncadd.s32 @!p0 s1  }
0x51: {  	[bflag:$0x3] =	sbarrier.arrive $0xFFFF  }
0x52: {  	_ =	shalt  }

// kernel: kernel.12.cloned.1.call-start
scs
__scs_entry_jumppad:
0x0: {  	(pc) =	sbr.rel $0x88, $3  }
0x1: {  	(tag) =	ssettag $0x0;
	lr =	simm.s32 $0x1  }
0x2: {  	[smem:$0x3F8B] =	sst lr;
	_ =	strace $0xD0000000  }
0x3: {  	_ = 	snop  }
0x4: {  	_ = 	snop  }
0x5: {  	_ = 	snop  }
0x6: {  	_ = 	snop  }
0x7: {  	_ = 	snop  }
__scs_overlays_trampoline_lowered:
0x8: {  	[smem:$0x3F9A] =	sst s0  }
0x9: {  	[smem:$0x3F9B] =	sst s1  }
0xa: {  	[smem:$0x3F9C] =	sst s2  }
0xb: {  	[smem:$0x3F9D] =	sst s3  }
0xc: {  	[smem:$0x3F9E] =	sst s4  }
0xd: {  	[smem:$0x3F9F] =	sst s5  }
0xe: {  	[smem:$0x3FA0] =	sst s6  }
0xf: {  	[smem:$0x3FA1] =	sst s7  }
0x10: {  	[smem:$0x3FA2] =	sst s8  }
0x11: {  	[smem:$0x3FA3] =	sst s9;
	s0 =	simm.s32 @!p0 $0x0  }
0x12: {  	s1 =	sld [smem:$0x3F89];
	s0 =	simm.s32 @p0 $0x1  }
0x13: {  	[smem:$0x3FA4] =	sst s0;
	s0 =	simm.s32 @!p1 $0x0  }
0x14: {  	s2 =	sld [smem:$0x3F88];
	s0 =	simm.s32 @p1 $0x1  }
0x15: {  	[smem:$0x3FA5] =	sst s0;
	s0 =	simm.s32 @!p2 $0x0  }
0x16: {  	s3 =	sld [smem:$0x3FDB];
	s0 =	simm.s32 @p2 $0x1  }
0x17: {  	s4 =	simm.s32 $0x1BF5;
	[smem:$0x3FA7] =	sst s0  }
0x18: {  	s0 =	sld [smem:$0x3F8A];
	_ =	swait.ge [sflag:s4], $0x0  }
0x19: {  	s7 =	sld [smem:$0x3F8B]  }
0x1a: {  	s8 =	sadd.s32 $0xFFFFE003, lr  }
0x1b: {  	s9 =	sadd.s32 $0xFFFFFEF7, lr;
	s5 =	simm.s32 $0xFFFFFFFF;
	p2 =	slt.u32 s8, $0xFFFFF086  }
0x1c: {  	p1 =	slt.u32 s9, $0xF7A;
	s5 =	simm.s32 @!p2 $0x0  }
0x1d: {  	s5 =	simm.s32 @p1 $0x1;
	p0 =	seq.s32 s7, s2  }
0x1e: {  	s7 =	smul.u32 @!p0 $0xF7A, s2;
	p2 =	seq.s32 @!p0 s5, $0x0  }
0x1f: {  	s9 =	smul.u32 $0xF7A, s1;
	s8 =	simm.s32 @!p0 $0x1BF5;
	p2 =	por !p2, p0  }
0x20: {  	[sflag:s8] =	ssyncset.s32 @!p0 $0xFFFFF086;
	s6 =	sadd.s32 @!p0 s3, s7;
	s7 =	simm.s32 @!p0 $0x108  }
0x21: {  	s3 =	sadd.s32 s3, s9;
	s6 =	sadd.s32 @!p0 $0x88, s6;
	s7 =	simm.s32 @p2 $0x1082  }
0x22: {  	[simem:s7], [sflag:s8] =	dma.local @!p0 [hbm:s6], $0xF7A  }
0x23: {  	s9 =	sor.u32 $0xD0000000, s2;
	s6 =	simm.s32 $0x108;
	_ =	swait.ge @!p0 [sflag:s8], $0x0  }
0x24: {  	s3 =	sadd.s32 $0x88, s3;
	s6 =	simm.s32 @!p1 $0x1082;
	[sflag:s4] =	ssyncset.s32 $0xFFFFF086  }
0x25: {  	[simem:s6], [sflag:s4] =	dma.local [hbm:s3], $0xF7A  }
0x26: {  	[smem:$0x3F8B] =	sst s1;
	(tag) =	ssettag s2;
	_ =	strace s9  }
0x27: {  	s1 =	sld [smem:$0x3F9B]  }
0x28: {  	s2 =	sld [smem:$0x3F9C]  }
0x29: {  	s4 =	sld [smem:$0x3F9E]  }
0x2a: {  	p0 =	seq.s32 s5, $0x0;
	s5 =	sld [smem:$0x3F9F]  }
0x2b: {  	s6 =	sld [smem:$0x3FA0]  }
0x2c: {  	s7 =	sld [smem:$0x3FA1]  }
0x2d: {  	s3 =	simm.s32 $0x108;
	s8 =	sld [smem:$0x3FA2]  }
0x2e: {  	s3 =	simm.s32 @!p0 $0x1082;
	s9 =	sld [smem:$0x3FA3]  }
0x2f: {  	lr =	sadd.s32 s0, s3;
	s0 =	sld [smem:$0x3F9A]  }
0x30: {  	s3 =	sld [smem:$0x3F9D]  }
0x31: {  	[smem:$0x3FA6] =	sst s10  }
0x32: {  	s10 =	sld [smem:$0x3FA4];
	_ =	sdelay $0x3  }
0x33: {  	p0 =	seq.s32 s10, $0x1;
	s10 =	sld [smem:$0x3FA6];
	_ =	sdelay $0x3  }
0x34: {  	[smem:$0x3FA6] =	sst s10  }
0x35: {  	s10 =	sld [smem:$0x3FA5];
	_ =	sdelay $0x3  }
0x36: {  	p1 =	seq.s32 s10, $0x1;
	s10 =	sld [smem:$0x3FA6];
	_ =	sdelay $0x3  }
0x37: {  	[smem:$0x3FA6] =	sst s10  }
0x38: {  	s10 =	sld [smem:$0x3FA7]  }
0x39: {  	_ = 	snop;
	(pc) =	sbr.ind lr, $3  }
0x3a: {  	_ = 	snop  }
0x3b: {  	_ = 	snop  }
0x3c: {  	p2 =	seq.s32 s10, $0x1;
	s10 =	sld [smem:$0x3FA6]  }
0x3d: {  	_ =	shalt  }
0x3e: {  	_ =	shalt  }
0x3f: {  	_ =	shalt  }
0x40: {  	_ =	shalt  }
0x41: {  	_ =	shalt  }
0x42: {  	_ =	shalt  }
0x43: {  	_ =	shalt  }
0x44: {  	_ =	shalt  }
0x45: {  	_ =	shalt  }
0x46: {  	_ =	shalt  }
0x47: {  	_ =	shalt  }
0x48: {  	_ =	shalt  }
0x49: {  	_ =	shalt  }
0x4a: {  	_ =	shalt  }
0x4b: {  	_ =	shalt  }
0x4c: {  	_ =	shalt  }
0x4d: {  	_ =	shalt  }
0x4e: {  	_ =	shalt  }
0x4f: {  	_ =	shalt  }
0x50: {  	_ =	shalt  }
0x51: {  	_ =	shalt  }
0x52: {  	_ =	shalt  }
0x53: {  	_ =	shalt  }
0x54: {  	_ =	shalt  }
0x55: {  	_ =	shalt  }
0x56: {  	_ =	shalt  }
0x57: {  	_ =	shalt  }
0x58: {  	_ =	shalt  }
0x59: {  	_ =	shalt  }
0x5a: {  	_ =	shalt  }
0x5b: {  	_ =	shalt  }
0x5c: {  	_ =	shalt  }
0x5d: {  	_ =	shalt  }
0x5e: {  	_ =	shalt  }
0x5f: {  	_ =	shalt  }
0x60: {  	_ =	shalt  }
0x61: {  	_ =	shalt  }
0x62: {  	_ =	shalt  }
0x63: {  	_ =	shalt  }
0x64: {  	_ =	shalt  }
0x65: {  	_ =	shalt  }
0x66: {  	_ =	shalt  }
0x67: {  	_ =	shalt  }
0x68: {  	_ =	shalt  }
0x69: {  	_ =	shalt  }
0x6a: {  	_ =	shalt  }
0x6b: {  	_ =	shalt  }
0x6c: {  	_ =	shalt  }
0x6d: {  	_ =	shalt  }
0x6e: {  	_ =	shalt  }
0x6f: {  	_ =	shalt  }
0x70: {  	_ =	shalt  }
0x71: {  	_ =	shalt  }
0x72: {  	_ =	shalt  }
0x73: {  	_ =	shalt  }
0x74: {  	_ =	shalt  }
0x75: {  	_ =	shalt  }
0x76: {  	_ =	shalt  }
0x77: {  	_ =	shalt  }
0x78: {  	_ =	shalt  }
0x79: {  	_ =	shalt  }
0x7a: {  	_ =	shalt  }
0x7b: {  	_ =	shalt  }
0x7c: {  	_ =	shalt  }
0x7d: {  	_ =	shalt  }
0x7e: {  	_ =	shalt  }
0x7f: {  	_ =	shalt  }
0x80: {  	_ =	shalt  }
0x81: {  	_ =	shalt  }
0x82: {  	_ =	shalt  }
0x83: {  	_ =	shalt  }
0x84: {  	_ =	shalt  }
0x85: {  	_ =	shalt  }
0x86: {  	_ =	shalt  }
0x87: {  	_ =	shalt  }
.Lfunc_end0:
.L_simem_size_0:
called_computation.2_lowered:
.L_overlay_start_0:
0x88: {  	s2 =	sld [smem:$0x3FD9]  }
0x89: {  	s3 =	sld [smem:$0x3FFE];
	_ =	sdelay $0x1  }
0x8a: {  	s1 =	srdreg.scid  }
0x8b: {  	s0 =	sand.u32 $0x1, s1  }
0x8c: {  	s16 =	sshll.u32 s0, $0xA;
	s2 =	sadd.s32 s3, s2  }
0x8d: {  	s2 =	sadd.s32 s2, s16  }
0x8e: {  	[smem:$0x3FB2] =	sst s2  }
0x8f: {  	_ = 	snop  }
0x90: {  	(tm) =	ssettm $0x1  }
0x91: {  	s17 =	sld [smem:$0x3FFB];
	_ =	sdelay $0x3  }
0x92: {  	_ =	strace s17  }
0x93: {  	s2 =	sld [smem:$0x3FFC];
	_ =	sdelay $0x3  }
0x94: {  	_ =	strace s2  }
0x95: {  	s2 =	sld [smem:$0x3FFD];
	_ =	sdelay $0x3  }
0x96: {  	_ =	strace s2  }
0x97: {  	_ =	strace $0x8FFFFFFF  }
0x98: {  	s18 =	sld [smem:$0x3FDB];
	_ =	sdelay $0x1  }
0x99: {  	s19 =	simm.s32 $_scs_section_size  }
0x9a: {  	s4 =	simm.s32 $_size__tile_overlayer_lowered;
	s5 =	simm.s32 $_tile_overlayer_lowered  }
0x9b: {  	s22 =	simm.s32 $0x1BFF;
	s21 =	sshll.u32 s5, $0x1;
	s2 =	sadd.s32 s19, s18  }
0x9c: {  	s6 =	simm.s32 $0x0;
	s20 =	sshll.u32 s4, $0x1;
	s4 =	sadd.s32 s21, s2  }
0x9d: {  	[timem:s6], [sflag:s22] =	dma.local [hbm:s4], s20  }
0x9e: {  	_ =	swait.ge [sflag:s22], s20  }
0x9f: {  	s3 =	ssub.s32 $0x0, s20;
	[sflag:s22] =	ssyncset.done $0x0  }
0xa0: {  	[sflag:s22] =	ssyncadd.s32 s3;
	_ =	sdelay $0x1  }
0xa1: {  	s23 =	simm.s32 $0x1B8B  }
0xa2: {  	_ =	swait.ge [sflag:s23], $0x1  }
0xa3: {  	[sflag:s23] =	ssyncset.done $0x0  }
0xa4: {  	s25 =	simm.s32 $0x1B8E;
	s24 =	sld [smem:$0x3FFE];
	[sflag:s23] =	ssyncadd.s32 $0xFFFFFFFF  }
0xa5: {  	s26 =	simm.s32 $execute0_lowered;
	[smem:$0x3FD2] =	sst s25  }
0xa6: {  	s4 =	sshll.u32 s26, $0x1;
	_ =	strace $0x80000049;
	[dreg:$0x1] =	wrdreg $0xFFFFFFFF  }
0xa7: {  	s28 =	simm.s32 $_size_execute0_lowered;
	s2 =	sadd.s32 s2, s4;
	[dreg:$0x0] =	wrdreg $0x0  }
0xa8: {  	s4 =	sshll.u32 s28, $0x1;
	[dreg:$0x2] =	wrdreg s2  }
0xa9: {  	[dreg:$0x3] =	wrdreg s4  }
0xaa: {  	[dreg:$0x4] =	wrdreg $0xC0  }
0xab: {  	_ =	task [dreg:s6], $0x5FFFF  }
0xac: {  	[dreg:$0x1] =	wrdreg $0xFFFFFFFF  }
0xad: {  	[dreg:$0x0] =	wrdreg $0x60  }
0xae: {  	[dreg:$0x2] =	wrdreg s24  }
0xaf: {  	[dreg:$0x3] =	wrdreg $0x5C000  }
0xb0: {  	[dreg:$0x4] =	wrdreg $0x9  }
0xb1: {  	_ =	task.clear_ibuf [dreg:s6], $0x5FFFF;
	_ =	strace $0x90000049  }
0xb2: {  	s29 =	simm.s32 $0x9;
	_ =	strace $0x8000004B  }
0xb3: {  	_ =	swait.ge [sflag:s29], $0x1  }
0xb4: {  	[sflag:s29] =	ssyncadd.s32 $0xFFFFFFFF  }
0xb5: {  	_ =	strace $0x9000004B  }
0xb6: {  	_ =	sfence  }
0xb7: {  	s30 =	sld [smem:$0x0];
	_ =	sdelay $0x2  }
0xb8: {  	s31 =	sshll.u32 s1, $0xD;
	s1 =	sshrl.u32 s1, $0x2  }
0xb9: {  	s3 =	sand.u32 $0x4000, s31;
	s1 =	sadd.s32 s1, s30  }
0xba: {  	s0 =	sor.u32 s3, s0;
	s1 =	sshll.u32 s1, $0x11  }
0xbb: {  	s0 =	sor.u32 s1, s0  }
0xbc: {  	s0 =	sadd.s32 $0x8F2B, s0  }
0xbd: {  	[sflag:s0] =	ssyncadd.remote.s32 $0x1  }
0xbe: {  	_ =	sfence.sel $0xFFFF  }
0xbf: {  	[dreg:$0x0] =	wrdreg $0xFFFFFFFF;
	(pc) =	sbr.abs _section_cstart, $3  }
0xc0: {  	[dreg:$0x1] =	wrdreg $0xFFFFFFFF  }
0xc1: {  	_ =	task.clear_ibuf [dreg:s6], $0x2FFFF;
	_ =	strace $0x9FFFFFFF  }
0xc2: {  	(tm) =	ssettm $0x7FFFFFFF  }
0xc3: {  	_ =	shalt  }
tec
execute0_lowered:
.L_overlay_start_1:
0x0: {  	(tag) =	ssettag $0x1  }
0x1: {  	s0 =	rddreg [dreg:$0x0]  }
0x2: {  	s2 =	rddreg [dreg:$0x1]  }
0x3: {  	s1 =	srdreg.scid;
	s9 =	stileid.u32;
	s20 =	simm.s32 $0x0  }
0x4: {  	s12 =	simm.s32 $0x9;
	s13 =	simm.s32 $0xE00;
	s14 =	simm.s32 $0x80  }
0x5: {  	s15 =	simm.s32 $0x1C00;
	s16 =	simm.s32 $0x2C00;
	s18 =	simm.s32 $0x3C00  }
0x6: {  	s19 =	simm.s32 $0x1;
	s21 =	simm.s32 $0x4C00;
	s22 =	simm.s32 $0x2  }
0x7: {  	s29 =	simm.s32 $0x6;
	s30 =	simm.s32 $0x280;
	s31 =	simm.s32 $0x4  }
0x8: {  	s10 =	simm.s32 $0x1A00;
	s11 =	simm.s32 $0x1A80;
	s17 =	simm.s32 $0x1B80  }
0x9: {  	s1 =	sand.u32 $0x1, s1;
	s3 =	smul.u32 $0x18900, s9;
	[smem:$0x7FF] =	sst s20  }
0xa: {  	s4 =	sadd.s32 $0x9A600, s0;
	s5 =	sadd.s32 $0x3E00, s0;
	s8 =	sadd.s32 $0x34E00, s0  }
0xb: {  	s25 =	sshll.u32 s9, $0x6;
	s6 =	smul.u32 $0x189000, s1;
	_ =	strace $0x8000004A  }
0xc: {  	s7 =	ssub.s32 $0x2, s1;
	[dreg:$0x4] =	wrdreg s8;
	s1 =	sshll.u32 s1, $0x4  }
0xd: {  	s23 =	sshrl.u32 s7, $0x1;
	s1 =	sor.u32 s9, s1;
	s9 =	simm.s32 $0xD00  }
0xe: {  	s6 =	sadd.s32 s3, s6;
	s24 =	ssub.s32 s7, s23;
	s3 =	sadd.s32 s3, s2  }
0xf: {  	s23 =	sor.u32 $0x1C09, s25;
	s8 =	smul.u32 $0x6200, s1;
	s1 =	simm.s32 $0x7  }
0x10: {  	s7 =	simm.s32 $0xD80;
	s6 =	sshrl.u32 s6, $0x3;
	s26 =	smax.u32 s24, $0x1  }
0x11: {  	s28 =	sshrl.u32 s3, $0x3;
	s24 =	simm.s32 $0x5;
	[dreg:$0x5] =	wrdreg s23  }
0x12: {  	s3 =	simm.s32 $0x1B00;
	s0 =	sadd.s32 s6, s0;
	[dreg:$0x7] =	wrdreg s26  }
0x13: {  	s26 =	simm.s32 $0x3;
	[dreg:$0x8] =	wrdreg s28;
	s0 =	sadd.s32 $0xCB800, s0  }
0x14: {  	s6 =	simm.s32 $0x8;
	[dreg:$0x6] =	wrdreg s0;
	s0 =	simm.s32 $0xF80  }
.LBB2_1:
0x15: {  	[dreg:$0x3] =	wrdreg s20  }
0x16: {  	s25 =	rddreg [dreg:$0x4]  }
0x17: {  	[spmem:s28], [sflag:s23] =	dma.local [hbm:s25], $0x3120  }
0x18: {  	_ =	swait.ge [sflag:s12], $0x3120  }
0x19: {  	[sflag:s12] =	ssyncset.done $0x0  }
0x1a: {  	[sflag:s12] =	ssyncadd.s32 $0xFFFFCEE0  }
0x1b: {  	s20 =	simm.s32 $0x0;
	[bflag:$0x0] =	sbarrier.arrive $0xFFFF  }
.LBB2_2:
0x1c: {  	s23 =	smul.u32 $0xE00, s20;
	_ =	sdelay $0x1  }
0x1d: {  	s23 =	sadd.s32 s8, s23  }
0x1e: {  	s23 =	sshrl.u32 s23, $0x3  }
0x1f: {  	s25 =	simm.s32 $0x0;
	s23 =	sadd.s32 s5, s23  }
0x20: {  	[tilespmem:s25], [sflag:$0x9] =	stream.linear.gather [hbm4b:s23+s25], $0xE00, $0x38;
	[tilespmem:$0x1E500] =	vst v63  }
0x21: {  	_ =	swait.ge [sflag:s12], $0xE00  }
0x22: {  	[sflag:s12] =	ssyncset.done $0x0  }
0x23: {  	s23 =	sadd.s32 $0x18800, s23;
	[sflag:s12] =	ssyncadd.s32 $0xFFFFF200  }
0x24: {  	[tilespmem:s13], [sflag:$0x9] =	stream.linear.gather [hbm4b:s23+s25], $0xE00, $0x38;
	[tilespmem:$0x1E500] =	vst v63  }
0x25: {  	_ =	swait.ge [sflag:s12], $0xE00  }
0x26: {  	[sflag:s12] =	ssyncset.done $0x0  }
0x27: {  	[sflag:s12] =	ssyncadd.s32 $0xFFFFF200  }
0x28: {  	[tilespmem:s15], [sflag:$0x1] =	stream.indirect.gather [hbm4b:s4+s14], $0x20, s25, s14, $0xb8;
	[tilespmem:$0x1E500] =	vst v63  }
0x29: {  	_ = 	snop  }
0x2a: {  	[tilespmem:s16], [sflag:$0x2] =	stream.indirect.gather [hbm4b:s4+s14], $0x20, s14, s14, $0xb8;
	[tilespmem:$0x1E500] =	vst v63  }
0x2b: {  	s25 =	simm.s32 $0x100  }
0x2c: {  	[tilespmem:s18], [sflag:$0x3] =	stream.indirect.gather [hbm4b:s4+s14], $0x20, s25, s14, $0xb8;
	[tilespmem:$0x1E500] =	vst v63  }
0x2d: {  	_ =	swait.ge [sflag:s19], $0x1000  }
0x2e: {  	[sflag:s19] =	ssyncset.done $0x0  }
0x2f: {  	[sflag:s19] =	ssyncadd.s32 $0xFFFFF000  }
0x30: {  	[spmem:s2] =	stream.indirect.scatter.add.f32 [tilespmem:s15], [sflag:$0x5], $0x20, s13, s14, $0xb8;
	[tilespmem:$0x1E500] =	vst v63  }
0x31: {  	s28 =	simm.s32 $0x180  }
0x32: {  	[tilespmem:s21], [sflag:$0x4] =	stream.indirect.gather [hbm4b:s4+s14], $0x20, s28, s14, $0xb8;
	[tilespmem:$0x1E500] =	vst v63  }
0x33: {  	_ =	swait.ge [sflag:s22], $0x1000  }
0x34: {  	[sflag:s22] =	ssyncset.done $0x0  }
0x35: {  	s25 =	simm.s32 $0xE80;
	[sflag:s22] =	ssyncadd.s32 $0xFFFFF000  }
0x36: {  	[spmem:s2] =	stream.indirect.scatter.add.f32 [tilespmem:s16], [sflag:$0x6], $0x20, s25, s14, $0xb8;
	[tilespmem:$0x1E500] =	vst v63  }
0x37: {  	_ =	swait.ge [sflag:s24], $0x1000  }
0x38: {  	[sflag:s24] =	ssyncset.done $0x0  }
0x39: {  	s28 =	simm.s32 $0x200;
	[sflag:s24] =	ssyncadd.s32 $0xFFFFF000  }
0x3a: {  	[tilespmem:s15], [sflag:$0x1] =	stream.indirect.gather [hbm4b:s4+s14], $0x20, s28, s14, $0xb8;
	[tilespmem:$0x1E500] =	vst v63  }
0x3b: {  	_ =	swait.ge [sflag:s26], $0x1000  }
0x3c: {  	[sflag:s26] =	ssyncset.done $0x0  }
0x3d: {  	s25 =	simm.s32 $0xF00;
	[sflag:s26] =	ssyncadd.s32 $0xFFFFF000  }
0x3e: {  	[spmem:s2] =	stream.indirect.scatter.add.f32 [tilespmem:s18], [sflag:$0x7], $0x20, s25, s14, $0xb8;
	[tilespmem:$0x1E500] =	vst v63  }
0x3f: {  	_ =	swait.ge [sflag:s29], $0x1000  }
0x40: {  	[sflag:s29] =	ssyncset.done $0x0  }
0x41: {  	[sflag:s29] =	ssyncadd.s32 $0xFFFFF000  }
0x42: {  	[tilespmem:s16], [sflag:$0x2] =	stream.indirect.gather [hbm4b:s4+s14], $0x20, s30, s14, $0xb8;
	[tilespmem:$0x1E500] =	vst v63  }
0x43: {  	_ =	swait.ge [sflag:s31], $0x1000  }
0x44: {  	[sflag:s31] =	ssyncset.done $0x0  }
0x45: {  	[sflag:s31] =	ssyncadd.s32 $0xFFFFF000  }
0x46: {  	[spmem:s2] =	stream.indirect.scatter.add.f32 [tilespmem:s21], [sflag:$0x8], $0x20, s0, s14, $0xb8;
	[tilespmem:$0x1E500] =	vst v63  }
0x47: {  	_ =	swait.ge [sflag:s1], $0x1000  }
0x48: {  	[sflag:s1] =	ssyncset.done $0x0  }
0x49: {  	s28 =	simm.s32 $0x300;
	[sflag:s1] =	ssyncadd.s32 $0xFFFFF000  }
0x4a: {  	[tilespmem:s18], [sflag:$0x3] =	stream.indirect.gather [hbm4b:s4+s14], $0x20, s28, s14, $0xb8;
	[tilespmem:$0x1E500] =	vst v63  }
0x4b: {  	_ =	swait.ge [sflag:s19], $0x1000  }
0x4c: {  	[sflag:s19] =	ssyncset.done $0x0  }
0x4d: {  	s25 =	simm.s32 $0x1000;
	[sflag:s19] =	ssyncadd.s32 $0xFFFFF000  }
0x4e: {  	[spmem:s2] =	stream.indirect.scatter.add.f32 [tilespmem:s15], [sflag:$0x5], $0x20, s25, s14, $0xb8;
	[tilespmem:$0x1E500] =	vst v63  }
0x4f: {  	_ =	swait.ge [sflag:s6], $0x1000  }
0x50: {  	[sflag:s6] =	ssyncset.done $0x0  }
0x51: {  	s28 =	simm.s32 $0x380;
	[sflag:s6] =	ssyncadd.s32 $0xFFFFF000  }
0x52: {  	[tilespmem:s21], [sflag:$0x4] =	stream.indirect.gather [hbm4b:s4+s14], $0x20, s28, s14, $0xb8;
	[tilespmem:$0x1E500] =	vst v63  }
0x53: {  	_ =	swait.ge [sflag:s22], $0x1000  }
0x54: {  	[sflag:s22] =	ssyncset.done $0x0  }
0x55: {  	s25 =	simm.s32 $0x1080;
	[sflag:s22] =	ssyncadd.s32 $0xFFFFF000  }
0x56: {  	[spmem:s2] =	stream.indirect.scatter.add.f32 [tilespmem:s16], [sflag:$0x6], $0x20, s25, s14, $0xb8;
	[tilespmem:$0x1E500] =	vst v63  }
0x57: {  	_ =	swait.ge [sflag:s24], $0x1000  }
0x58: {  	[sflag:s24] =	ssyncset.done $0x0  }
0x59: {  	s28 =	simm.s32 $0x400;
	[sflag:s24] =	ssyncadd.s32 $0xFFFFF000  }
0x5a: {  	[tilespmem:s15], [sflag:$0x1] =	stream.indirect.gather [hbm4b:s4+s14], $0x20, s28, s14, $0xb8;
	[tilespmem:$0x1E500] =	vst v63  }
0x5b: {  	_ =	swait.ge [sflag:s26], $0x1000  }
0x5c: {  	[sflag:s26] =	ssyncset.done $0x0  }
0x5d: {  	s25 =	simm.s32 $0x1100;
	[sflag:s26] =	ssyncadd.s32 $0xFFFFF000  }
0x5e: {  	[spmem:s2] =	stream.indirect.scatter.add.f32 [tilespmem:s18], [sflag:$0x7], $0x20, s25, s14, $0xb8;
	[tilespmem:$0x1E500] =	vst v63  }
0x5f: {  	_ =	swait.ge [sflag:s29], $0x1000  }
0x60: {  	[sflag:s29] =	ssyncset.done $0x0  }
0x61: {  	s28 =	simm.s32 $0x480;
	[sflag:s29] =	ssyncadd.s32 $0xFFFFF000  }
0x62: {  	[tilespmem:s16], [sflag:$0x2] =	stream.indirect.gather [hbm4b:s4+s14], $0x20, s28, s14, $0xb8;
	[tilespmem:$0x1E500] =	vst v63  }
0x63: {  	_ =	swait.ge [sflag:s31], $0x1000  }
0x64: {  	[sflag:s31] =	ssyncset.done $0x0  }
0x65: {  	s23 =	simm.s32 $0x800;
	s25 =	simm.s32 $0x1180;
	[sflag:s31] =	ssyncadd.s32 $0xFFFFF000  }
.LBB2_3:
0x66: {  	[spmem:s2] =	stream.indirect.scatter.add.f32 [tilespmem:s21], [sflag:$0x8], $0x20, s25, s14, $0xb8;
	[tilespmem:$0x1E500] =	vst v63  }
0x67: {  	s25 =	smov.u32 s23  }
0x68: {  	p0 =	sne.s32 s23, $0x2000;
	s23 =	sadd.s32 $0x800, s23;
	_ =	swait.ge [sflag:s1], $0x1000  }
0x69: {  	s25 =	sshra.s32 s25, $0x2;
	[sflag:s1] =	ssyncset.done $0x0  }
0x6a: {  	s28 =	sadd.s32 $0x300, s25;
	[sflag:s1] =	ssyncadd.s32 $0xFFFFF000  }
0x6b: {  	[tilespmem:s18], [sflag:$0x3] =	stream.indirect.gather [hbm4b:s4+s14], $0x20, s28, s14, $0xb8;
	[tilespmem:$0x1E500] =	vst v63  }
0x6c: {  	_ =	swait.ge [sflag:s19], $0x1000  }
0x6d: {  	[sflag:s19] =	ssyncset.done $0x0  }
0x6e: {  	s28 =	sadd.s32 $0x1000, s25;
	[sflag:s19] =	ssyncadd.s32 $0xFFFFF000  }
0x6f: {  	[spmem:s2] =	stream.indirect.scatter.add.f32 [tilespmem:s15], [sflag:$0x5], $0x20, s28, s14, $0xb8;
	[tilespmem:$0x1E500] =	vst v63  }
0x70: {  	_ =	swait.ge [sflag:s6], $0x1000  }
0x71: {  	[sflag:s6] =	ssyncset.done $0x0  }
0x72: {  	s28 =	sadd.s32 $0x380, s25;
	[sflag:s6] =	ssyncadd.s32 $0xFFFFF000  }
0x73: {  	[tilespmem:s21], [sflag:$0x4] =	stream.indirect.gather [hbm4b:s4+s14], $0x20, s28, s14, $0xb8;
	[tilespmem:$0x1E500] =	vst v63  }
0x74: {  	_ =	swait.ge [sflag:s22], $0x1000  }
0x75: {  	[sflag:s22] =	ssyncset.done $0x0  }
0x76: {  	s28 =	sadd.s32 $0x1080, s25;
	[sflag:s22] =	ssyncadd.s32 $0xFFFFF000  }
0x77: {  	[spmem:s2] =	stream.indirect.scatter.add.f32 [tilespmem:s16], [sflag:$0x6], $0x20, s28, s14, $0xb8;
	[tilespmem:$0x1E500] =	vst v63  }
0x78: {  	_ =	swait.ge [sflag:s24], $0x1000  }
0x79: {  	[sflag:s24] =	ssyncset.done $0x0  }
0x7a: {  	s28 =	sadd.s32 $0x400, s25;
	[sflag:s24] =	ssyncadd.s32 $0xFFFFF000  }
0x7b: {  	[tilespmem:s15], [sflag:$0x1] =	stream.indirect.gather [hbm4b:s4+s14], $0x20, s28, s14, $0xb8;
	[tilespmem:$0x1E500] =	vst v63  }
0x7c: {  	_ =	swait.ge [sflag:s26], $0x1000  }
0x7d: {  	[sflag:s26] =	ssyncset.done $0x0  }
0x7e: {  	s28 =	sadd.s32 $0x1100, s25;
	[sflag:s26] =	ssyncadd.s32 $0xFFFFF000  }
0x7f: {  	[spmem:s2] =	stream.indirect.scatter.add.f32 [tilespmem:s18], [sflag:$0x7], $0x20, s28, s14, $0xb8;
	[tilespmem:$0x1E500] =	vst v63  }
0x80: {  	_ =	swait.ge [sflag:s29], $0x1000  }
0x81: {  	[sflag:s29] =	ssyncset.done $0x0  }
.Ltmp0:
0x82: {  	s28 =	sadd.s32 $0x480, s25;
	[sflag:s29] =	ssyncadd.s32 $0xFFFFF000;
	(pc) =	sbr.rel @p0 .LBB2_3-.Ltmp0, $4  }
0x83: {  	[tilespmem:s16], [sflag:$0x2] =	stream.indirect.gather [hbm4b:s4+s14], $0x20, s28, s14, $0xb8;
	[tilespmem:$0x1E500] =	vst v63  }
0x84: {  	_ =	swait.ge [sflag:s31], $0x1000  }
0x85: {  	[sflag:s31] =	ssyncset.done $0x0  }
0x86: {  	s25 =	sadd.s32 $0x1180, s25;
	[sflag:s31] =	ssyncadd.s32 $0xFFFFF000  }
0x87: {  	[spmem:s2] =	stream.indirect.scatter.add.f32 [tilespmem:s21], [sflag:$0x8], $0x20, s25, s14, $0xb8;
	[tilespmem:$0x1E500] =	vst v63  }
0x88: {  	_ =	swait.ge [sflag:s1], $0x1000  }
0x89: {  	[sflag:s1] =	ssyncset.done $0x0  }
0x8a: {  	[sflag:s1] =	ssyncadd.s32 $0xFFFFF000  }
0x8b: {  	[tilespmem:s18], [sflag:$0x3] =	stream.indirect.gather [hbm4b:s4+s14], $0x20, s9, s14, $0xb8;
	[tilespmem:$0x1E500] =	vst v63  }
0x8c: {  	_ =	swait.ge [sflag:s19], $0x1000  }
0x8d: {  	[sflag:s19] =	ssyncset.done $0x0  }
0x8e: {  	[sflag:s19] =	ssyncadd.s32 $0xFFFFF000  }
0x8f: {  	[spmem:s2] =	stream.indirect.scatter.add.f32 [tilespmem:s15], [sflag:$0x5], $0x20, s10, s14, $0xb8;
	[tilespmem:$0x1E500] =	vst v63  }
0x90: {  	_ =	swait.ge [sflag:s6], $0x1000  }
0x91: {  	[sflag:s6] =	ssyncset.done $0x0  }
0x92: {  	[sflag:s6] =	ssyncadd.s32 $0xFFFFF000  }
0x93: {  	[tilespmem:s21], [sflag:$0x4] =	stream.indirect.gather [hbm4b:s4+s14], $0x20, s7, s14, $0xb8;
	[tilespmem:$0x1E500] =	vst v63  }
0x94: {  	_ =	swait.ge [sflag:s22], $0x1000  }
0x95: {  	[sflag:s22] =	ssyncset.done $0x0  }
0x96: {  	[sflag:s22] =	ssyncadd.s32 $0xFFFFF000  }
0x97: {  	[spmem:s2] =	stream.indirect.scatter.add.f32 [tilespmem:s16], [sflag:$0x6], $0x20, s11, s14, $0xb8;
	[tilespmem:$0x1E500] =	vst v63  }
0x98: {  	_ =	swait.ge [sflag:s24], $0x1000  }
0x99: {  	[sflag:s24] =	ssyncset.done $0x0  }
0x9a: {  	[sflag:s24] =	ssyncadd.s32 $0xFFFFF000  }
0x9b: {  	_ =	swait.ge [sflag:s26], $0x1000  }
0x9c: {  	[sflag:s26] =	ssyncset.done $0x0  }
0x9d: {  	[sflag:s26] =	ssyncadd.s32 $0xFFFFF000  }
0x9e: {  	[spmem:s2] =	stream.indirect.scatter.add.f32 [tilespmem:s18], [sflag:$0x7], $0x20, s3, s14, $0xb8;
	[tilespmem:$0x1E500] =	vst v63  }
0x9f: {  	_ =	swait.ge [sflag:s29], $0x1000  }
0xa0: {  	[sflag:s29] =	ssyncset.done $0x0  }
0xa1: {  	[sflag:s29] =	ssyncadd.s32 $0xFFFFF000  }
0xa2: {  	_ =	swait.ge [sflag:s31], $0x1000  }
0xa3: {  	[sflag:s31] =	ssyncset.done $0x0  }
0xa4: {  	s20 =	sadd.s32 $0x1, s20;
	[sflag:s31] =	ssyncadd.s32 $0xFFFFF000  }
0xa5: {  	[spmem:s2] =	stream.indirect.scatter.add.f32 [tilespmem:s21], [sflag:$0x8], $0x20, s17, s14, $0xb8;
	[tilespmem:$0x1E500] =	vst v63  }
0xa6: {  	p0 =	sne.s32 s20, $0x7;
	_ =	swait.ge [sflag:s1], $0x1000  }
.Ltmp1:
0xa7: {  	[sflag:s1] =	ssyncset.done $0x0;
	(pc) =	sbr.rel @p0 .LBB2_2-.Ltmp1, $4  }
0xa8: {  	[sflag:s1] =	ssyncadd.s32 $0xFFFFF000  }
0xa9: {  	_ =	swait.ge [sflag:s6], $0x1000  }
0xaa: {  	[sflag:s6] =	ssyncset.done $0x0  }
0xab: {  	[sflag:s6] =	ssyncadd.s32 $0xFFFFF000  }
0xac: {  	[bflag:$0x0] =	sbarrier.arrive $0xFFFF  }
0xad: {  	s23 =	rddreg [dreg:$0x5]  }
0xae: {  	s20 =	rddreg [dreg:$0x6]  }
0xaf: {  	s28 =	rddreg [dreg:$0x8]  }
0xb0: {  	[hbm:s20], [sflag:s23] =	dma.local [spmem:s28], $0x3120  }
0xb1: {  	_ =	swait.ge [sflag:s12], $0x3120  }
0xb2: {  	s25 =	rddreg [dreg:$0x3]  }
0xb3: {  	s20 =	sadd.s32 $0x1, s25;
	s25 =	rddreg [dreg:$0x7]  }
0xb4: {  	p0 =	sne.s32 s20, s25  }
.Ltmp2:
0xb5: {  	_ = 	snop;
	(pc) =	sbr.rel @p0 .LBB2_1-.Ltmp2, $3  }
0xb6: {  	_ =	sdelay $0x1  }
0xb7: {  	[sflag:s12] =	ssyncset.done $0x0  }
0xb8: {  	[sflag:s12] =	ssyncadd.s32 $0xFFFFCEE0  }
0xb9: {  	_ =	sfence.sel $0x180000  }
0xba: {  	[bflag:$0x0] =	sbarrier.arrive $0xFFFF  }
0xbb: {  	_ =	strace $0x9000004A  }
0xbc: {  	s0 =	stileid.u32;
	[bflag:$0x2] =	sbarrier.arrive $0xFFFF  }
0xbd: {  	p0 =	sne.s32 s0, $0x0;
	s0 =	rddreg [dreg:$0x2]  }
0xbe: {  	s0 =	sadd.s32 @!p0 $0x100000, s0  }
0xbf: {  	[sflag:s0] =	ssyncadd.tile.s32 @!p0 $0x1;
	_ =	shalt  }
.Lfunc_end2:
_tile_overlayer_lowered:
.L_overlay_start_2:
0xc0: {  	(tag) =	ssettag $0x2  }
0xc1: {  	s0 =	rddreg [dreg:$0x0];
	s2 =	stileid.u32  }
0xc2: {  	s1 =	rddreg [dreg:$0x1];
	p0 =	sne.s32 s2, $0x0  }
0xc3: {  	s3 =	rddreg [dreg:$0x2];
	[bflag:$0x3] =	sbarrier.arrive $0xFFFF;
	s2 =	simm.s32 @!p0 $0x1C09  }
0xc4: {  	[timem:s3], [sflag:s2] =	dma.local @!p0 [hbm:s0], s1  }
0xc5: {  	s0 =	simm.s32 @!p0 $0x9  }
0xc6: {  	_ =	swait.ge @!p0 [sflag:s0], s1  }
0xc7: {  	s1 =	ssub.s32 @!p0 $0x0, s1;
	[sflag:s0] =	ssyncset.done @!p0 $0x0  }
0xc8: {  	[sflag:s0] =	ssyncadd.s32 @!p0 s1  }
0xc9: {  	[bflag:$0x3] =	sbarrier.arrive $0xFFFF  }
0xca: {  	_ =	shalt  }

// kernel: kernel.15.cloned.1.call-start
scs
__scs_entry_jumppad:
0x0: {  	(pc) =	sbr.rel $0x88, $3  }
0x1: {  	(tag) =	ssettag $0x0;
	lr =	simm.s32 $0x1  }
0x2: {  	[smem:$0x3F8B] =	sst lr;
	_ =	strace $0xD0000000  }
0x3: {  	_ = 	snop  }
0x4: {  	_ = 	snop  }
0x5: {  	_ = 	snop  }
0x6: {  	_ = 	snop  }
0x7: {  	_ = 	snop  }
__scs_overlays_trampoline_lowered:
0x8: {  	[smem:$0x3F9A] =	sst s0  }
0x9: {  	[smem:$0x3F9B] =	sst s1  }
0xa: {  	[smem:$0x3F9C] =	sst s2  }
0xb: {  	[smem:$0x3F9D] =	sst s3  }
0xc: {  	[smem:$0x3F9E] =	sst s4  }
0xd: {  	[smem:$0x3F9F] =	sst s5  }
0xe: {  	[smem:$0x3FA0] =	sst s6  }
0xf: {  	[smem:$0x3FA1] =	sst s7  }
0x10: {  	[smem:$0x3FA2] =	sst s8  }
0x11: {  	[smem:$0x3FA3] =	sst s9;
	s0 =	simm.s32 @!p0 $0x0  }
0x12: {  	s1 =	sld [smem:$0x3F89];
	s0 =	simm.s32 @p0 $0x1  }
0x13: {  	[smem:$0x3FA4] =	sst s0;
	s0 =	simm.s32 @!p1 $0x0  }
0x14: {  	s2 =	sld [smem:$0x3F88];
	s0 =	simm.s32 @p1 $0x1  }
0x15: {  	[smem:$0x3FA5] =	sst s0;
	s0 =	simm.s32 @!p2 $0x0  }
0x16: {  	s3 =	sld [smem:$0x3FDB];
	s0 =	simm.s32 @p2 $0x1  }
0x17: {  	s4 =	simm.s32 $0x1BF5;
	[smem:$0x3FA7] =	sst s0  }
0x18: {  	s0 =	sld [smem:$0x3F8A];
	_ =	swait.ge [sflag:s4], $0x0  }
0x19: {  	s7 =	sld [smem:$0x3F8B]  }
0x1a: {  	s8 =	sadd.s32 $0xFFFFE003, lr  }
0x1b: {  	s9 =	sadd.s32 $0xFFFFFEF7, lr;
	s5 =	simm.s32 $0xFFFFFFFF;
	p2 =	slt.u32 s8, $0xFFFFF086  }
0x1c: {  	p1 =	slt.u32 s9, $0xF7A;
	s5 =	simm.s32 @!p2 $0x0  }
0x1d: {  	s5 =	simm.s32 @p1 $0x1;
	p0 =	seq.s32 s7, s2  }
0x1e: {  	s7 =	smul.u32 @!p0 $0xF7A, s2;
	p2 =	seq.s32 @!p0 s5, $0x0  }
0x1f: {  	s9 =	smul.u32 $0xF7A, s1;
	s8 =	simm.s32 @!p0 $0x1BF5;
	p2 =	por !p2, p0  }
0x20: {  	[sflag:s8] =	ssyncset.s32 @!p0 $0xFFFFF086;
	s6 =	sadd.s32 @!p0 s3, s7;
	s7 =	simm.s32 @!p0 $0x108  }
0x21: {  	s3 =	sadd.s32 s3, s9;
	s6 =	sadd.s32 @!p0 $0x88, s6;
	s7 =	simm.s32 @p2 $0x1082  }
0x22: {  	[simem:s7], [sflag:s8] =	dma.local @!p0 [hbm:s6], $0xF7A  }
0x23: {  	s9 =	sor.u32 $0xD0000000, s2;
	s6 =	simm.s32 $0x108;
	_ =	swait.ge @!p0 [sflag:s8], $0x0  }
0x24: {  	s3 =	sadd.s32 $0x88, s3;
	s6 =	simm.s32 @!p1 $0x1082;
	[sflag:s4] =	ssyncset.s32 $0xFFFFF086  }
0x25: {  	[simem:s6], [sflag:s4] =	dma.local [hbm:s3], $0xF7A  }
0x26: {  	[smem:$0x3F8B] =	sst s1;
	(tag) =	ssettag s2;
	_ =	strace s9  }
0x27: {  	s1 =	sld [smem:$0x3F9B]  }
0x28: {  	s2 =	sld [smem:$0x3F9C]  }
0x29: {  	s4 =	sld [smem:$0x3F9E]  }
0x2a: {  	p0 =	seq.s32 s5, $0x0;
	s5 =	sld [smem:$0x3F9F]  }
0x2b: {  	s6 =	sld [smem:$0x3FA0]  }
0x2c: {  	s7 =	sld [smem:$0x3FA1]  }
0x2d: {  	s3 =	simm.s32 $0x108;
	s8 =	sld [smem:$0x3FA2]  }
0x2e: {  	s3 =	simm.s32 @!p0 $0x1082;
	s9 =	sld [smem:$0x3FA3]  }
0x2f: {  	lr =	sadd.s32 s0, s3;
	s0 =	sld [smem:$0x3F9A]  }
0x30: {  	s3 =	sld [smem:$0x3F9D]  }
0x31: {  	[smem:$0x3FA6] =	sst s10  }
0x32: {  	s10 =	sld [smem:$0x3FA4];
	_ =	sdelay $0x3  }
0x33: {  	p0 =	seq.s32 s10, $0x1;
	s10 =	sld [smem:$0x3FA6];
	_ =	sdelay $0x3  }
0x34: {  	[smem:$0x3FA6] =	sst s10  }
0x35: {  	s10 =	sld [smem:$0x3FA5];
	_ =	sdelay $0x3  }
0x36: {  	p1 =	seq.s32 s10, $0x1;
	s10 =	sld [smem:$0x3FA6];
	_ =	sdelay $0x3  }
0x37: {  	[smem:$0x3FA6] =	sst s10  }
0x38: {  	s10 =	sld [smem:$0x3FA7]  }
0x39: {  	_ = 	snop;
	(pc) =	sbr.ind lr, $3  }
0x3a: {  	_ = 	snop  }
0x3b: {  	_ = 	snop  }
0x3c: {  	p2 =	seq.s32 s10, $0x1;
	s10 =	sld [smem:$0x3FA6]  }
0x3d: {  	_ =	shalt  }
0x3e: {  	_ =	shalt  }
0x3f: {  	_ =	shalt  }
0x40: {  	_ =	shalt  }
0x41: {  	_ =	shalt  }
0x42: {  	_ =	shalt  }
0x43: {  	_ =	shalt  }
0x44: {  	_ =	shalt  }
0x45: {  	_ =	shalt  }
0x46: {  	_ =	shalt  }
0x47: {  	_ =	shalt  }
0x48: {  	_ =	shalt  }
0x49: {  	_ =	shalt  }
0x4a: {  	_ =	shalt  }
0x4b: {  	_ =	shalt  }
0x4c: {  	_ =	shalt  }
0x4d: {  	_ =	shalt  }
0x4e: {  	_ =	shalt  }
0x4f: {  	_ =	shalt  }
0x50: {  	_ =	shalt  }
0x51: {  	_ =	shalt  }
0x52: {  	_ =	shalt  }
0x53: {  	_ =	shalt  }
0x54: {  	_ =	shalt  }
0x55: {  	_ =	shalt  }
0x56: {  	_ =	shalt  }
0x57: {  	_ =	shalt  }
0x58: {  	_ =	shalt  }
0x59: {  	_ =	shalt  }
0x5a: {  	_ =	shalt  }
0x5b: {  	_ =	shalt  }
0x5c: {  	_ =	shalt  }
0x5d: {  	_ =	shalt  }
0x5e: {  	_ =	shalt  }
0x5f: {  	_ =	shalt  }
0x60: {  	_ =	shalt  }
0x61: {  	_ =	shalt  }
0x62: {  	_ =	shalt  }
0x63: {  	_ =	shalt  }
0x64: {  	_ =	shalt  }
0x65: {  	_ =	shalt  }
0x66: {  	_ =	shalt  }
0x67: {  	_ =	shalt  }
0x68: {  	_ =	shalt  }
0x69: {  	_ =	shalt  }
0x6a: {  	_ =	shalt  }
0x6b: {  	_ =	shalt  }
0x6c: {  	_ =	shalt  }
0x6d: {  	_ =	shalt  }
0x6e: {  	_ =	shalt  }
0x6f: {  	_ =	shalt  }
0x70: {  	_ =	shalt  }
0x71: {  	_ =	shalt  }
0x72: {  	_ =	shalt  }
0x73: {  	_ =	shalt  }
0x74: {  	_ =	shalt  }
0x75: {  	_ =	shalt  }
0x76: {  	_ =	shalt  }
0x77: {  	_ =	shalt  }
0x78: {  	_ =	shalt  }
0x79: {  	_ =	shalt  }
0x7a: {  	_ =	shalt  }
0x7b: {  	_ =	shalt  }
0x7c: {  	_ =	shalt  }
0x7d: {  	_ =	shalt  }
0x7e: {  	_ =	shalt  }
0x7f: {  	_ =	shalt  }
0x80: {  	_ =	shalt  }
0x81: {  	_ =	shalt  }
0x82: {  	_ =	shalt  }
0x83: {  	_ =	shalt  }
0x84: {  	_ =	shalt  }
0x85: {  	_ =	shalt  }
0x86: {  	_ =	shalt  }
0x87: {  	_ =	shalt  }
.Lfunc_end0:
.L_simem_size_0:
called_computation.3_lowered:
.L_overlay_start_0:
0x88: {  	s2 =	sld [smem:$0x3FD9]  }
0x89: {  	s3 =	sld [smem:$0x3FFE];
	_ =	sdelay $0x1  }
0x8a: {  	s1 =	srdreg.scid  }
0x8b: {  	s0 =	sand.u32 $0x1, s1  }
0x8c: {  	s17 =	sshll.u32 s0, $0xA;
	s2 =	sadd.s32 s3, s2  }
0x8d: {  	s2 =	sadd.s32 s2, s17  }
0x8e: {  	[smem:$0x3FB2] =	sst s2  }
0x8f: {  	_ = 	snop  }
0x90: {  	(tm) =	ssettm $0x1  }
0x91: {  	s18 =	sld [smem:$0x3FFB];
	_ =	sdelay $0x3  }
0x92: {  	_ =	strace s18  }
0x93: {  	s2 =	sld [smem:$0x3FFC];
	_ =	sdelay $0x3  }
0x94: {  	_ =	strace s2  }
0x95: {  	s2 =	sld [smem:$0x3FFD];
	_ =	sdelay $0x3  }
0x96: {  	_ =	strace s2  }
0x97: {  	_ =	strace $0x8FFFFFFF  }
0x98: {  	s19 =	sld [smem:$0x3FDB];
	_ =	sdelay $0x1  }
0x99: {  	s20 =	simm.s32 $_scs_section_size  }
0x9a: {  	s4 =	simm.s32 $_size__tile_overlayer_lowered;
	s5 =	simm.s32 $_tile_overlayer_lowered  }
0x9b: {  	s6 =	simm.s32 $0x1BFF;
	s21 =	sshll.u32 s5, $0x1;
	s3 =	sadd.s32 s20, s19  }
0x9c: {  	s22 =	simm.s32 $0x0;
	s4 =	sshll.u32 s4, $0x1;
	s5 =	sadd.s32 s21, s3  }
0x9d: {  	[timem:s22], [sflag:s6] =	dma.local [hbm:s5], s4  }
0x9e: {  	_ =	swait.ge [sflag:s6], s4  }
0x9f: {  	s4 =	ssub.s32 $0x0, s4;
	[sflag:s6] =	ssyncset.done $0x0  }
0xa0: {  	[sflag:s6] =	ssyncadd.s32 s4;
	_ =	sdelay $0x1  }
0xa1: {  	s23 =	simm.s32 $0x1B8B  }
0xa2: {  	_ =	swait.ge [sflag:s23], $0x1  }
0xa3: {  	[sflag:s23] =	ssyncset.done $0x0  }
0xa4: {  	[sflag:s23] =	ssyncadd.s32 $0xFFFFFFFF  }
0xa5: {  	s4 =	sld [smem:$0x0]  }
0xa6: {  	s5 =	sand.u32 $0xFFFFFFFE, s1  }
0xa7: {  	p0 =	sne.s32 s1, s5  }
0xa8: {  	s5 =	sshll.u32 @p0 s5, $0xE  }
0xa9: {  	s5 =	sadd.s32 @p0 $0x11B8D, s5;
	s6 =	sshll.u32 @p0 s4, $0x11  }
0xaa: {  	s5 =	sor.u32 @p0 s6, s5  }
0xab: {  	[sflag:s5] =	ssyncadd.remote.s32 @p0 $0x1;
	_ =	sdelay $0x1  }
0xac: {  	s5 =	simm.s32 @p0 $0x1B8D  }
0xad: {  	_ =	swait.eq @p0 [sflag:s5], $0x1  }
0xae: {  	[sflag:s5] =	ssyncadd.s32 @p0 $0xFFFFFFFF  }
0xaf: {  	s6 =	sshll.u32 @!p0 s1, $0xE  }
0xb0: {  	s6 =	sor.u32 @!p0 $0x4000, s6;
	s5 =	simm.s32 @!p0 $0x1B8D  }
0xb1: {  	s4 =	sshll.u32 @!p0 s4, $0x11;
	s6 =	sadd.s32 @!p0 $0x11B8D, s6;
	_ =	swait.eq @!p0 [sflag:s5], $0x1  }
0xb2: {  	s4 =	sor.u32 @!p0 s4, s6;
	[sflag:s5] =	ssyncadd.s32 @!p0 $0xFFFFFFFF  }
0xb3: {  	s25 =	simm.s32 $0x1B8E;
	s24 =	sld [smem:$0x3FFE];
	[sflag:s4] =	ssyncadd.remote.s32 @!p0 $0x1  }
0xb4: {  	s26 =	simm.s32 $execute0_lowered;
	[smem:$0x3FD2] =	sst s25  }
0xb5: {  	s5 =	sshll.u32 s26, $0x1;
	_ =	strace $0x8000004F;
	[dreg:$0x1] =	wrdreg $0xFFFFFFFF  }
0xb6: {  	s28 =	simm.s32 $_size_execute0_lowered;
	s3 =	sadd.s32 s3, s5;
	[dreg:$0x0] =	wrdreg $0x0  }
0xb7: {  	s5 =	sshll.u32 s28, $0x1;
	[dreg:$0x2] =	wrdreg s3  }
0xb8: {  	[dreg:$0x3] =	wrdreg s5  }
0xb9: {  	[dreg:$0x4] =	wrdreg $0xC0  }
0xba: {  	_ =	task [dreg:s22], $0x5FFFF  }
0xbb: {  	[dreg:$0x1] =	wrdreg $0xFFFFFFFF  }
0xbc: {  	[dreg:$0x0] =	wrdreg $0x60  }
0xbd: {  	[dreg:$0x2] =	wrdreg s24  }
0xbe: {  	[dreg:$0x3] =	wrdreg $0x5C000  }
0xbf: {  	[dreg:$0x4] =	wrdreg $0xA  }
0xc0: {  	_ =	task.clear_ibuf [dreg:s22], $0x5FFFF;
	_ =	strace $0x9000004F  }
0xc1: {  	s29 =	simm.s32 $0xA;
	_ =	strace $0x80000051  }
0xc2: {  	_ =	swait.ge [sflag:s29], $0x1  }
0xc3: {  	[sflag:s29] =	ssyncadd.s32 $0xFFFFFFFF  }
0xc4: {  	_ =	strace $0x90000051  }
0xc5: {  	_ =	sfence  }
0xc6: {  	s30 =	sld [smem:$0x0];
	_ =	sdelay $0x2  }
0xc7: {  	s31 =	sshll.u32 s1, $0xD;
	s1 =	sshrl.u32 s1, $0x2  }
0xc8: {  	s4 =	sand.u32 $0x4000, s31;
	s1 =	sadd.s32 s1, s30  }
0xc9: {  	s0 =	sor.u32 s4, s0;
	s1 =	sshll.u32 s1, $0x11  }
0xca: {  	s0 =	sor.u32 s1, s0  }
0xcb: {  	s0 =	sadd.s32 $0x8F2B, s0  }
0xcc: {  	[sflag:s0] =	ssyncadd.remote.s32 $0x1  }
0xcd: {  	_ =	sfence.sel $0xFFFF  }
0xce: {  	[dreg:$0x0] =	wrdreg $0xFFFFFFFF;
	(pc) =	sbr.abs _section_cstart, $3  }
0xcf: {  	[dreg:$0x1] =	wrdreg $0xFFFFFFFF  }
0xd0: {  	_ =	task.clear_ibuf [dreg:s22], $0x2FFFF;
	_ =	strace $0x9FFFFFFF  }
0xd1: {  	(tm) =	ssettm $0x7FFFFFFF  }
tec
execute0_lowered:
.L_overlay_start_1:
0x0: {  	(tag) =	ssettag $0x1  }
0x1: {  	s0 =	rddreg [dreg:$0x0]  }
0x2: {  	s2 =	rddreg [dreg:$0x1]  }
0x3: {  	s1 =	srdreg.scid;
	s9 =	stileid.u32;
	s20 =	simm.s32 $0x0  }
0x4: {  	s12 =	simm.s32 $0x9;
	s13 =	simm.s32 $0xE00;
	s14 =	simm.s32 $0x80  }
0x5: {  	s15 =	simm.s32 $0x1C00;
	s16 =	simm.s32 $0x2C00;
	s18 =	simm.s32 $0x3C00  }
0x6: {  	s19 =	simm.s32 $0x1;
	s21 =	simm.s32 $0x4C00;
	s22 =	simm.s32 $0x2  }
0x7: {  	s29 =	simm.s32 $0x6;
	s30 =	simm.s32 $0x280;
	s31 =	simm.s32 $0x4  }
0x8: {  	s10 =	simm.s32 $0x1A00;
	s11 =	simm.s32 $0x1A80;
	s17 =	simm.s32 $0x1B80  }
0x9: {  	s1 =	sand.u32 $0x1, s1;
	s3 =	smul.u32 $0x18900, s9;
	[smem:$0x7FF] =	sst s20  }
0xa: {  	s4 =	sadd.s32 $0x9A600, s0;
	s5 =	sadd.s32 $0x3E00, s0;
	s8 =	sadd.s32 $0x34E00, s0  }
0xb: {  	s25 =	sshll.u32 s9, $0x6;
	s6 =	smul.u32 $0x189000, s1;
	_ =	strace $0x80000050  }
0xc: {  	s7 =	ssub.s32 $0x2, s1;
	[dreg:$0x4] =	wrdreg s8;
	s1 =	sshll.u32 s1, $0x4  }
0xd: {  	s23 =	sshrl.u32 s7, $0x1;
	s1 =	sor.u32 s9, s1;
	s9 =	simm.s32 $0xD00  }
0xe: {  	s6 =	sadd.s32 s3, s6;
	s24 =	ssub.s32 s7, s23;
	s3 =	sadd.s32 s3, s2  }
0xf: {  	s23 =	sor.u32 $0x1C09, s25;
	s8 =	smul.u32 $0x6200, s1;
	s1 =	simm.s32 $0x7  }
0x10: {  	s7 =	simm.s32 $0xD80;
	s6 =	sshrl.u32 s6, $0x3;
	s26 =	smax.u32 s24, $0x1  }
0x11: {  	s28 =	sshrl.u32 s3, $0x3;
	s24 =	simm.s32 $0x5;
	[dreg:$0x5] =	wrdreg s23  }
0x12: {  	s3 =	simm.s32 $0x1B00;
	s0 =	sadd.s32 s6, s0;
	[dreg:$0x7] =	wrdreg s26  }
0x13: {  	s26 =	simm.s32 $0x3;
	[dreg:$0x8] =	wrdreg s28;
	s0 =	sadd.s32 $0x131000, s0  }
0x14: {  	s6 =	simm.s32 $0x8;
	[dreg:$0x6] =	wrdreg s0;
	s0 =	simm.s32 $0xF80  }
.LBB2_1:
0x15: {  	[dreg:$0x3] =	wrdreg s20  }
0x16: {  	s25 =	rddreg [dreg:$0x4]  }
0x17: {  	[spmem:s28], [sflag:s23] =	dma.local [hbm:s25], $0x3120  }
0x18: {  	_ =	swait.ge [sflag:s12], $0x3120  }
0x19: {  	[sflag:s12] =	ssyncset.done $0x0  }
0x1a: {  	[sflag:s12] =	ssyncadd.s32 $0xFFFFCEE0  }
0x1b: {  	s20 =	simm.s32 $0x0;
	[bflag:$0x0] =	sbarrier.arrive $0xFFFF  }
.LBB2_2:
0x1c: {  	s23 =	smul.u32 $0xE00, s20;
	_ =	sdelay $0x1  }
0x1d: {  	s23 =	sadd.s32 s8, s23  }
0x1e: {  	s23 =	sshrl.u32 s23, $0x3  }
0x1f: {  	s25 =	simm.s32 $0x0;
	s23 =	sadd.s32 s5, s23  }
0x20: {  	[tilespmem:s25], [sflag:$0x9] =	stream.linear.gather [hbm4b:s23+s25], $0xE00, $0x38;
	[tilespmem:$0x1E500] =	vst v63  }
0x21: {  	_ =	swait.ge [sflag:s12], $0xE00  }
0x22: {  	[sflag:s12] =	ssyncset.done $0x0  }
0x23: {  	s23 =	sadd.s32 $0x18800, s23;
	[sflag:s12] =	ssyncadd.s32 $0xFFFFF200  }
0x24: {  	[tilespmem:s13], [sflag:$0x9] =	stream.linear.gather [hbm4b:s23+s25], $0xE00, $0x38;
	[tilespmem:$0x1E500] =	vst v63  }
0x25: {  	_ =	swait.ge [sflag:s12], $0xE00  }
0x26: {  	[sflag:s12] =	ssyncset.done $0x0  }
0x27: {  	[sflag:s12] =	ssyncadd.s32 $0xFFFFF200  }
0x28: {  	[tilespmem:s15], [sflag:$0x1] =	stream.indirect.gather [hbm4b:s4+s14], $0x20, s25, s14, $0xb8;
	[tilespmem:$0x1E500] =	vst v63  }
0x29: {  	_ = 	snop  }
0x2a: {  	[tilespmem:s16], [sflag:$0x2] =	stream.indirect.gather [hbm4b:s4+s14], $0x20, s14, s14, $0xb8;
	[tilespmem:$0x1E500] =	vst v63  }
0x2b: {  	s25 =	simm.s32 $0x100  }
0x2c: {  	[tilespmem:s18], [sflag:$0x3] =	stream.indirect.gather [hbm4b:s4+s14], $0x20, s25, s14, $0xb8;
	[tilespmem:$0x1E500] =	vst v63  }
0x2d: {  	_ =	swait.ge [sflag:s19], $0x1000  }
0x2e: {  	[sflag:s19] =	ssyncset.done $0x0  }
0x2f: {  	[sflag:s19] =	ssyncadd.s32 $0xFFFFF000  }
0x30: {  	[spmem:s2] =	stream.indirect.scatter.add.f32 [tilespmem:s15], [sflag:$0x5], $0x20, s13, s14, $0xb8;
	[tilespmem:$0x1E500] =	vst v63  }
0x31: {  	s28 =	simm.s32 $0x180  }
0x32: {  	[tilespmem:s21], [sflag:$0x4] =	stream.indirect.gather [hbm4b:s4+s14], $0x20, s28, s14, $0xb8;
	[tilespmem:$0x1E500] =	vst v63  }
0x33: {  	_ =	swait.ge [sflag:s22], $0x1000  }
0x34: {  	[sflag:s22] =	ssyncset.done $0x0  }
0x35: {  	s25 =	simm.s32 $0xE80;
	[sflag:s22] =	ssyncadd.s32 $0xFFFFF000  }
0x36: {  	[spmem:s2] =	stream.indirect.scatter.add.f32 [tilespmem:s16], [sflag:$0x6], $0x20, s25, s14, $0xb8;
	[tilespmem:$0x1E500] =	vst v63  }
0x37: {  	_ =	swait.ge [sflag:s24], $0x1000  }
0x38: {  	[sflag:s24] =	ssyncset.done $0x0  }
0x39: {  	s28 =	simm.s32 $0x200;
	[sflag:s24] =	ssyncadd.s32 $0xFFFFF000  }
0x3a: {  	[tilespmem:s15], [sflag:$0x1] =	stream.indirect.gather [hbm4b:s4+s14], $0x20, s28, s14, $0xb8;
	[tilespmem:$0x1E500] =	vst v63  }
0x3b: {  	_ =	swait.ge [sflag:s26], $0x1000  }
0x3c: {  	[sflag:s26] =	ssyncset.done $0x0  }
0x3d: {  	s25 =	simm.s32 $0xF00;
	[sflag:s26] =	ssyncadd.s32 $0xFFFFF000  }
0x3e: {  	[spmem:s2] =	stream.indirect.scatter.add.f32 [tilespmem:s18], [sflag:$0x7], $0x20, s25, s14, $0xb8;
	[tilespmem:$0x1E500] =	vst v63  }
0x3f: {  	_ =	swait.ge [sflag:s29], $0x1000  }
0x40: {  	[sflag:s29] =	ssyncset.done $0x0  }
0x41: {  	[sflag:s29] =	ssyncadd.s32 $0xFFFFF000  }
0x42: {  	[tilespmem:s16], [sflag:$0x2] =	stream.indirect.gather [hbm4b:s4+s14], $0x20, s30, s14, $0xb8;
	[tilespmem:$0x1E500] =	vst v63  }
0x43: {  	_ =	swait.ge [sflag:s31], $0x1000  }
0x44: {  	[sflag:s31] =	ssyncset.done $0x0  }
0x45: {  	[sflag:s31] =	ssyncadd.s32 $0xFFFFF000  }
0x46: {  	[spmem:s2] =	stream.indirect.scatter.add.f32 [tilespmem:s21], [sflag:$0x8], $0x20, s0, s14, $0xb8;
	[tilespmem:$0x1E500] =	vst v63  }
0x47: {  	_ =	swait.ge [sflag:s1], $0x1000  }
0x48: {  	[sflag:s1] =	ssyncset.done $0x0  }
0x49: {  	s28 =	simm.s32 $0x300;
	[sflag:s1] =	ssyncadd.s32 $0xFFFFF000  }
0x4a: {  	[tilespmem:s18], [sflag:$0x3] =	stream.indirect.gather [hbm4b:s4+s14], $0x20, s28, s14, $0xb8;
	[tilespmem:$0x1E500] =	vst v63  }
0x4b: {  	_ =	swait.ge [sflag:s19], $0x1000  }
0x4c: {  	[sflag:s19] =	ssyncset.done $0x0  }
0x4d: {  	s25 =	simm.s32 $0x1000;
	[sflag:s19] =	ssyncadd.s32 $0xFFFFF000  }
0x4e: {  	[spmem:s2] =	stream.indirect.scatter.add.f32 [tilespmem:s15], [sflag:$0x5], $0x20, s25, s14, $0xb8;
	[tilespmem:$0x1E500] =	vst v63  }
0x4f: {  	_ =	swait.ge [sflag:s6], $0x1000  }
0x50: {  	[sflag:s6] =	ssyncset.done $0x0  }
0x51: {  	s28 =	simm.s32 $0x380;
	[sflag:s6] =	ssyncadd.s32 $0xFFFFF000  }
0x52: {  	[tilespmem:s21], [sflag:$0x4] =	stream.indirect.gather [hbm4b:s4+s14], $0x20, s28, s14, $0xb8;
	[tilespmem:$0x1E500] =	vst v63  }
0x53: {  	_ =	swait.ge [sflag:s22], $0x1000  }
0x54: {  	[sflag:s22] =	ssyncset.done $0x0  }
0x55: {  	s25 =	simm.s32 $0x1080;
	[sflag:s22] =	ssyncadd.s32 $0xFFFFF000  }
0x56: {  	[spmem:s2] =	stream.indirect.scatter.add.f32 [tilespmem:s16], [sflag:$0x6], $0x20, s25, s14, $0xb8;
	[tilespmem:$0x1E500] =	vst v63  }
0x57: {  	_ =	swait.ge [sflag:s24], $0x1000  }
0x58: {  	[sflag:s24] =	ssyncset.done $0x0  }
0x59: {  	s28 =	simm.s32 $0x400;
	[sflag:s24] =	ssyncadd.s32 $0xFFFFF000  }
0x5a: {  	[tilespmem:s15], [sflag:$0x1] =	stream.indirect.gather [hbm4b:s4+s14], $0x20, s28, s14, $0xb8;
	[tilespmem:$0x1E500] =	vst v63  }
0x5b: {  	_ =	swait.ge [sflag:s26], $0x1000  }
0x5c: {  	[sflag:s26] =	ssyncset.done $0x0  }
0x5d: {  	s25 =	simm.s32 $0x1100;
	[sflag:s26] =	ssyncadd.s32 $0xFFFFF000  }
0x5e: {  	[spmem:s2] =	stream.indirect.scatter.add.f32 [tilespmem:s18], [sflag:$0x7], $0x20, s25, s14, $0xb8;
	[tilespmem:$0x1E500] =	vst v63  }
0x5f: {  	_ =	swait.ge [sflag:s29], $0x1000  }
0x60: {  	[sflag:s29] =	ssyncset.done $0x0  }
0x61: {  	s28 =	simm.s32 $0x480;
	[sflag:s29] =	ssyncadd.s32 $0xFFFFF000  }
0x62: {  	[tilespmem:s16], [sflag:$0x2] =	stream.indirect.gather [hbm4b:s4+s14], $0x20, s28, s14, $0xb8;
	[tilespmem:$0x1E500] =	vst v63  }
0x63: {  	_ =	swait.ge [sflag:s31], $0x1000  }
0x64: {  	[sflag:s31] =	ssyncset.done $0x0  }
0x65: {  	s23 =	simm.s32 $0x800;
	s25 =	simm.s32 $0x1180;
	[sflag:s31] =	ssyncadd.s32 $0xFFFFF000  }
.LBB2_3:
0x66: {  	[spmem:s2] =	stream.indirect.scatter.add.f32 [tilespmem:s21], [sflag:$0x8], $0x20, s25, s14, $0xb8;
	[tilespmem:$0x1E500] =	vst v63  }
0x67: {  	s25 =	smov.u32 s23  }
0x68: {  	p0 =	sne.s32 s23, $0x2000;
	s23 =	sadd.s32 $0x800, s23;
	_ =	swait.ge [sflag:s1], $0x1000  }
0x69: {  	s25 =	sshra.s32 s25, $0x2;
	[sflag:s1] =	ssyncset.done $0x0  }
0x6a: {  	s28 =	sadd.s32 $0x300, s25;
	[sflag:s1] =	ssyncadd.s32 $0xFFFFF000  }
0x6b: {  	[tilespmem:s18], [sflag:$0x3] =	stream.indirect.gather [hbm4b:s4+s14], $0x20, s28, s14, $0xb8;
	[tilespmem:$0x1E500] =	vst v63  }
0x6c: {  	_ =	swait.ge [sflag:s19], $0x1000  }
0x6d: {  	[sflag:s19] =	ssyncset.done $0x0  }
0x6e: {  	s28 =	sadd.s32 $0x1000, s25;
	[sflag:s19] =	ssyncadd.s32 $0xFFFFF000  }
0x6f: {  	[spmem:s2] =	stream.indirect.scatter.add.f32 [tilespmem:s15], [sflag:$0x5], $0x20, s28, s14, $0xb8;
	[tilespmem:$0x1E500] =	vst v63  }
0x70: {  	_ =	swait.ge [sflag:s6], $0x1000  }
0x71: {  	[sflag:s6] =	ssyncset.done $0x0  }
0x72: {  	s28 =	sadd.s32 $0x380, s25;
	[sflag:s6] =	ssyncadd.s32 $0xFFFFF000  }
0x73: {  	[tilespmem:s21], [sflag:$0x4] =	stream.indirect.gather [hbm4b:s4+s14], $0x20, s28, s14, $0xb8;
	[tilespmem:$0x1E500] =	vst v63  }
0x74: {  	_ =	swait.ge [sflag:s22], $0x1000  }
0x75: {  	[sflag:s22] =	ssyncset.done $0x0  }
0x76: {  	s28 =	sadd.s32 $0x1080, s25;
	[sflag:s22] =	ssyncadd.s32 $0xFFFFF000  }
0x77: {  	[spmem:s2] =	stream.indirect.scatter.add.f32 [tilespmem:s16], [sflag:$0x6], $0x20, s28, s14, $0xb8;
	[tilespmem:$0x1E500] =	vst v63  }
0x78: {  	_ =	swait.ge [sflag:s24], $0x1000  }
0x79: {  	[sflag:s24] =	ssyncset.done $0x0  }
0x7a: {  	s28 =	sadd.s32 $0x400, s25;
	[sflag:s24] =	ssyncadd.s32 $0xFFFFF000  }
0x7b: {  	[tilespmem:s15], [sflag:$0x1] =	stream.indirect.gather [hbm4b:s4+s14], $0x20, s28, s14, $0xb8;
	[tilespmem:$0x1E500] =	vst v63  }
0x7c: {  	_ =	swait.ge [sflag:s26], $0x1000  }
0x7d: {  	[sflag:s26] =	ssyncset.done $0x0  }
0x7e: {  	s28 =	sadd.s32 $0x1100, s25;
	[sflag:s26] =	ssyncadd.s32 $0xFFFFF000  }
0x7f: {  	[spmem:s2] =	stream.indirect.scatter.add.f32 [tilespmem:s18], [sflag:$0x7], $0x20, s28, s14, $0xb8;
	[tilespmem:$0x1E500] =	vst v63  }
0x80: {  	_ =	swait.ge [sflag:s29], $0x1000  }
0x81: {  	[sflag:s29] =	ssyncset.done $0x0  }
.Ltmp0:
0x82: {  	s28 =	sadd.s32 $0x480, s25;
	[sflag:s29] =	ssyncadd.s32 $0xFFFFF000;
	(pc) =	sbr.rel @p0 .LBB2_3-.Ltmp0, $4  }
0x83: {  	[tilespmem:s16], [sflag:$0x2] =	stream.indirect.gather [hbm4b:s4+s14], $0x20, s28, s14, $0xb8;
	[tilespmem:$0x1E500] =	vst v63  }
0x84: {  	_ =	swait.ge [sflag:s31], $0x1000  }
0x85: {  	[sflag:s31] =	ssyncset.done $0x0  }
0x86: {  	s25 =	sadd.s32 $0x1180, s25;
	[sflag:s31] =	ssyncadd.s32 $0xFFFFF000  }
0x87: {  	[spmem:s2] =	stream.indirect.scatter.add.f32 [tilespmem:s21], [sflag:$0x8], $0x20, s25, s14, $0xb8;
	[tilespmem:$0x1E500] =	vst v63  }
0x88: {  	_ =	swait.ge [sflag:s1], $0x1000  }
0x89: {  	[sflag:s1] =	ssyncset.done $0x0  }
0x8a: {  	[sflag:s1] =	ssyncadd.s32 $0xFFFFF000  }
0x8b: {  	[tilespmem:s18], [sflag:$0x3] =	stream.indirect.gather [hbm4b:s4+s14], $0x20, s9, s14, $0xb8;
	[tilespmem:$0x1E500] =	vst v63  }
0x8c: {  	_ =	swait.ge [sflag:s19], $0x1000  }
0x8d: {  	[sflag:s19] =	ssyncset.done $0x0  }
0x8e: {  	[sflag:s19] =	ssyncadd.s32 $0xFFFFF000  }
0x8f: {  	[spmem:s2] =	stream.indirect.scatter.add.f32 [tilespmem:s15], [sflag:$0x5], $0x20, s10, s14, $0xb8;
	[tilespmem:$0x1E500] =	vst v63  }
0x90: {  	_ =	swait.ge [sflag:s6], $0x1000  }
0x91: {  	[sflag:s6] =	ssyncset.done $0x0  }
0x92: {  	[sflag:s6] =	ssyncadd.s32 $0xFFFFF000  }
0x93: {  	[tilespmem:s21], [sflag:$0x4] =	stream.indirect.gather [hbm4b:s4+s14], $0x20, s7, s14, $0xb8;
	[tilespmem:$0x1E500] =	vst v63  }
0x94: {  	_ =	swait.ge [sflag:s22], $0x1000  }
0x95: {  	[sflag:s22] =	ssyncset.done $0x0  }
0x96: {  	[sflag:s22] =	ssyncadd.s32 $0xFFFFF000  }
0x97: {  	[spmem:s2] =	stream.indirect.scatter.add.f32 [tilespmem:s16], [sflag:$0x6], $0x20, s11, s14, $0xb8;
	[tilespmem:$0x1E500] =	vst v63  }
0x98: {  	_ =	swait.ge [sflag:s24], $0x1000  }
0x99: {  	[sflag:s24] =	ssyncset.done $0x0  }
0x9a: {  	[sflag:s24] =	ssyncadd.s32 $0xFFFFF000  }
0x9b: {  	_ =	swait.ge [sflag:s26], $0x1000  }
0x9c: {  	[sflag:s26] =	ssyncset.done $0x0  }
0x9d: {  	[sflag:s26] =	ssyncadd.s32 $0xFFFFF000  }
0x9e: {  	[spmem:s2] =	stream.indirect.scatter.add.f32 [tilespmem:s18], [sflag:$0x7], $0x20, s3, s14, $0xb8;
	[tilespmem:$0x1E500] =	vst v63  }
0x9f: {  	_ =	swait.ge [sflag:s29], $0x1000  }
0xa0: {  	[sflag:s29] =	ssyncset.done $0x0  }
0xa1: {  	[sflag:s29] =	ssyncadd.s32 $0xFFFFF000  }
0xa2: {  	_ =	swait.ge [sflag:s31], $0x1000  }
0xa3: {  	[sflag:s31] =	ssyncset.done $0x0  }
0xa4: {  	s20 =	sadd.s32 $0x1, s20;
	[sflag:s31] =	ssyncadd.s32 $0xFFFFF000  }
0xa5: {  	[spmem:s2] =	stream.indirect.scatter.add.f32 [tilespmem:s21], [sflag:$0x8], $0x20, s17, s14, $0xb8;
	[tilespmem:$0x1E500] =	vst v63  }
0xa6: {  	p0 =	sne.s32 s20, $0x7;
	_ =	swait.ge [sflag:s1], $0x1000  }
.Ltmp1:
0xa7: {  	[sflag:s1] =	ssyncset.done $0x0;
	(pc) =	sbr.rel @p0 .LBB2_2-.Ltmp1, $4  }
0xa8: {  	[sflag:s1] =	ssyncadd.s32 $0xFFFFF000  }
0xa9: {  	_ =	swait.ge [sflag:s6], $0x1000  }
0xaa: {  	[sflag:s6] =	ssyncset.done $0x0  }
0xab: {  	[sflag:s6] =	ssyncadd.s32 $0xFFFFF000  }
0xac: {  	[bflag:$0x0] =	sbarrier.arrive $0xFFFF  }
0xad: {  	s23 =	rddreg [dreg:$0x5]  }
0xae: {  	s20 =	rddreg [dreg:$0x6]  }
0xaf: {  	s28 =	rddreg [dreg:$0x8]  }
0xb0: {  	[hbm:s20], [sflag:s23] =	dma.local [spmem:s28], $0x3120  }
0xb1: {  	_ =	swait.ge [sflag:s12], $0x3120  }
0xb2: {  	s25 =	rddreg [dreg:$0x3]  }
0xb3: {  	s20 =	sadd.s32 $0x1, s25;
	s25 =	rddreg [dreg:$0x7]  }
0xb4: {  	p0 =	sne.s32 s20, s25  }
.Ltmp2:
0xb5: {  	_ = 	snop;
	(pc) =	sbr.rel @p0 .LBB2_1-.Ltmp2, $3  }
0xb6: {  	_ =	sdelay $0x1  }
0xb7: {  	[sflag:s12] =	ssyncset.done $0x0  }
0xb8: {  	[sflag:s12] =	ssyncadd.s32 $0xFFFFCEE0  }
0xb9: {  	_ =	sfence.sel $0x180000  }
0xba: {  	[bflag:$0x0] =	sbarrier.arrive $0xFFFF  }
0xbb: {  	_ =	strace $0x90000050  }
0xbc: {  	s0 =	stileid.u32;
	[bflag:$0x2] =	sbarrier.arrive $0xFFFF  }
0xbd: {  	p0 =	sne.s32 s0, $0x0;
	s0 =	rddreg [dreg:$0x2]  }
0xbe: {  	s0 =	sadd.s32 @!p0 $0x100000, s0  }
0xbf: {  	[sflag:s0] =	ssyncadd.tile.s32 @!p0 $0x1;
	_ =	shalt  }
.Lfunc_end2:
_tile_overlayer_lowered:
.L_overlay_start_2:
0xc0: {  	(tag) =	ssettag $0x2  }
0xc1: {  	s0 =	rddreg [dreg:$0x0];
	s2 =	stileid.u32  }
0xc2: {  	s1 =	rddreg [dreg:$0x1];
	p0 =	sne.s32 s2, $0x0  }
0xc3: {  	s3 =	rddreg [dreg:$0x2];
	[bflag:$0x3] =	sbarrier.arrive $0xFFFF;
	s2 =	simm.s32 @!p0 $0x1C09  }
0xc4: {  	[timem:s3], [sflag:s2] =	dma.local @!p0 [hbm:s0], s1  }
0xc5: {  	s0 =	simm.s32 @!p0 $0x9  }
0xc6: {  	_ =	swait.ge @!p0 [sflag:s0], s1  }
0xc7: {  	s1 =	ssub.s32 @!p0 $0x0, s1;
	[sflag:s0] =	ssyncset.done @!p0 $0x0  }
0xc8: {  	[sflag:s0] =	ssyncadd.s32 @!p0 s1  }
0xc9: {  	[bflag:$0x3] =	sbarrier.arrive $0xFFFF  }
0xca: {  	_ =	shalt  }

// kernel: kernel.9.cloned.1.call-start
scs
__scs_entry_jumppad:
0x0: {  	(pc) =	sbr.rel $0x88, $3  }
0x1: {  	(tag) =	ssettag $0x0;
	lr =	simm.s32 $0x1  }
0x2: {  	[smem:$0x3F8B] =	sst lr;
	_ =	strace $0xD0000000  }
0x3: {  	_ = 	snop  }
0x4: {  	_ = 	snop  }
0x5: {  	_ = 	snop  }
0x6: {  	_ = 	snop  }
0x7: {  	_ = 	snop  }
__scs_overlays_trampoline_lowered:
0x8: {  	[smem:$0x3F9A] =	sst s0  }
0x9: {  	[smem:$0x3F9B] =	sst s1  }
0xa: {  	[smem:$0x3F9C] =	sst s2  }
0xb: {  	[smem:$0x3F9D] =	sst s3  }
0xc: {  	[smem:$0x3F9E] =	sst s4  }
0xd: {  	[smem:$0x3F9F] =	sst s5  }
0xe: {  	[smem:$0x3FA0] =	sst s6  }
0xf: {  	[smem:$0x3FA1] =	sst s7  }
0x10: {  	[smem:$0x3FA2] =	sst s8  }
0x11: {  	[smem:$0x3FA3] =	sst s9;
	s0 =	simm.s32 @!p0 $0x0  }
0x12: {  	s1 =	sld [smem:$0x3F89];
	s0 =	simm.s32 @p0 $0x1  }
0x13: {  	[smem:$0x3FA4] =	sst s0;
	s0 =	simm.s32 @!p1 $0x0  }
0x14: {  	s2 =	sld [smem:$0x3F88];
	s0 =	simm.s32 @p1 $0x1  }
0x15: {  	[smem:$0x3FA5] =	sst s0;
	s0 =	simm.s32 @!p2 $0x0  }
0x16: {  	s3 =	sld [smem:$0x3FDB];
	s0 =	simm.s32 @p2 $0x1  }
0x17: {  	s4 =	simm.s32 $0x1BF5;
	[smem:$0x3FA7] =	sst s0  }
0x18: {  	s0 =	sld [smem:$0x3F8A];
	_ =	swait.ge [sflag:s4], $0x0  }
0x19: {  	s7 =	sld [smem:$0x3F8B]  }
0x1a: {  	s8 =	sadd.s32 $0xFFFFE003, lr  }
0x1b: {  	s9 =	sadd.s32 $0xFFFFFEF7, lr;
	s5 =	simm.s32 $0xFFFFFFFF;
	p2 =	slt.u32 s8, $0xFFFFF086  }
0x1c: {  	p1 =	slt.u32 s9, $0xF7A;
	s5 =	simm.s32 @!p2 $0x0  }
0x1d: {  	s5 =	simm.s32 @p1 $0x1;
	p0 =	seq.s32 s7, s2  }
0x1e: {  	s7 =	smul.u32 @!p0 $0xF7A, s2;
	p2 =	seq.s32 @!p0 s5, $0x0  }
0x1f: {  	s9 =	smul.u32 $0xF7A, s1;
	s8 =	simm.s32 @!p0 $0x1BF5;
	p2 =	por !p2, p0  }
0x20: {  	[sflag:s8] =	ssyncset.s32 @!p0 $0xFFFFF086;
	s6 =	sadd.s32 @!p0 s3, s7;
	s7 =	simm.s32 @!p0 $0x108  }
0x21: {  	s3 =	sadd.s32 s3, s9;
	s6 =	sadd.s32 @!p0 $0x88, s6;
	s7 =	simm.s32 @p2 $0x1082  }
0x22: {  	[simem:s7], [sflag:s8] =	dma.local @!p0 [hbm:s6], $0xF7A  }
0x23: {  	s9 =	sor.u32 $0xD0000000, s2;
	s6 =	simm.s32 $0x108;
	_ =	swait.ge @!p0 [sflag:s8], $0x0  }
0x24: {  	s3 =	sadd.s32 $0x88, s3;
	s6 =	simm.s32 @!p1 $0x1082;
	[sflag:s4] =	ssyncset.s32 $0xFFFFF086  }
0x25: {  	[simem:s6], [sflag:s4] =	dma.local [hbm:s3], $0xF7A  }
0x26: {  	[smem:$0x3F8B] =	sst s1;
	(tag) =	ssettag s2;
	_ =	strace s9  }
0x27: {  	s1 =	sld [smem:$0x3F9B]  }
0x28: {  	s2 =	sld [smem:$0x3F9C]  }
0x29: {  	s4 =	sld [smem:$0x3F9E]  }
0x2a: {  	p0 =	seq.s32 s5, $0x0;
	s5 =	sld [smem:$0x3F9F]  }
0x2b: {  	s6 =	sld [smem:$0x3FA0]  }
0x2c: {  	s7 =	sld [smem:$0x3FA1]  }
0x2d: {  	s3 =	simm.s32 $0x108;
	s8 =	sld [smem:$0x3FA2]  }
0x2e: {  	s3 =	simm.s32 @!p0 $0x1082;
	s9 =	sld [smem:$0x3FA3]  }
0x2f: {  	lr =	sadd.s32 s0, s3;
	s0 =	sld [smem:$0x3F9A]  }
0x30: {  	s3 =	sld [smem:$0x3F9D]  }
0x31: {  	[smem:$0x3FA6] =	sst s10  }
0x32: {  	s10 =	sld [smem:$0x3FA4];
	_ =	sdelay $0x3  }
0x33: {  	p0 =	seq.s32 s10, $0x1;
	s10 =	sld [smem:$0x3FA6];
	_ =	sdelay $0x3  }
0x34: {  	[smem:$0x3FA6] =	sst s10  }
0x35: {  	s10 =	sld [smem:$0x3FA5];
	_ =	sdelay $0x3  }
0x36: {  	p1 =	seq.s32 s10, $0x1;
	s10 =	sld [smem:$0x3FA6];
	_ =	sdelay $0x3  }
0x37: {  	[smem:$0x3FA6] =	sst s10  }
0x38: {  	s10 =	sld [smem:$0x3FA7]  }
0x39: {  	_ = 	snop;
	(pc) =	sbr.ind lr, $3  }
0x3a: {  	_ = 	snop  }
0x3b: {  	_ = 	snop  }
0x3c: {  	p2 =	seq.s32 s10, $0x1;
	s10 =	sld [smem:$0x3FA6]  }
0x3d: {  	_ =	shalt  }
0x3e: {  	_ =	shalt  }
0x3f: {  	_ =	shalt  }
0x40: {  	_ =	shalt  }
0x41: {  	_ =	shalt  }
0x42: {  	_ =	shalt  }
0x43: {  	_ =	shalt  }
0x44: {  	_ =	shalt  }
0x45: {  	_ =	shalt  }
0x46: {  	_ =	shalt  }
0x47: {  	_ =	shalt  }
0x48: {  	_ =	shalt  }
0x49: {  	_ =	shalt  }
0x4a: {  	_ =	shalt  }
0x4b: {  	_ =	shalt  }
0x4c: {  	_ =	shalt  }
0x4d: {  	_ =	shalt  }
0x4e: {  	_ =	shalt  }
0x4f: {  	_ =	shalt  }
0x50: {  	_ =	shalt  }
0x51: {  	_ =	shalt  }
0x52: {  	_ =	shalt  }
0x53: {  	_ =	shalt  }
0x54: {  	_ =	shalt  }
0x55: {  	_ =	shalt  }
0x56: {  	_ =	shalt  }
0x57: {  	_ =	shalt  }
0x58: {  	_ =	shalt  }
0x59: {  	_ =	shalt  }
0x5a: {  	_ =	shalt  }
0x5b: {  	_ =	shalt  }
0x5c: {  	_ =	shalt  }
0x5d: {  	_ =	shalt  }
0x5e: {  	_ =	shalt  }
0x5f: {  	_ =	shalt  }
0x60: {  	_ =	shalt  }
0x61: {  	_ =	shalt  }
0x62: {  	_ =	shalt  }
0x63: {  	_ =	shalt  }
0x64: {  	_ =	shalt  }
0x65: {  	_ =	shalt  }
0x66: {  	_ =	shalt  }
0x67: {  	_ =	shalt  }
0x68: {  	_ =	shalt  }
0x69: {  	_ =	shalt  }
0x6a: {  	_ =	shalt  }
0x6b: {  	_ =	shalt  }
0x6c: {  	_ =	shalt  }
0x6d: {  	_ =	shalt  }
0x6e: {  	_ =	shalt  }
0x6f: {  	_ =	shalt  }
0x70: {  	_ =	shalt  }
0x71: {  	_ =	shalt  }
0x72: {  	_ =	shalt  }
0x73: {  	_ =	shalt  }
0x74: {  	_ =	shalt  }
0x75: {  	_ =	shalt  }
0x76: {  	_ =	shalt  }
0x77: {  	_ =	shalt  }
0x78: {  	_ =	shalt  }
0x79: {  	_ =	shalt  }
0x7a: {  	_ =	shalt  }
0x7b: {  	_ =	shalt  }
0x7c: {  	_ =	shalt  }
0x7d: {  	_ =	shalt  }
0x7e: {  	_ =	shalt  }
0x7f: {  	_ =	shalt  }
0x80: {  	_ =	shalt  }
0x81: {  	_ =	shalt  }
0x82: {  	_ =	shalt  }
0x83: {  	_ =	shalt  }
0x84: {  	_ =	shalt  }
0x85: {  	_ =	shalt  }
0x86: {  	_ =	shalt  }
0x87: {  	_ =	shalt  }
.Lfunc_end0:
.L_simem_size_0:
called_computation.1_lowered:
.L_overlay_start_0:
0x88: {  	s2 =	sld [smem:$0x3FD9]  }
0x89: {  	s3 =	sld [smem:$0x3FFE];
	_ =	sdelay $0x1  }
0x8a: {  	s1 =	srdreg.scid  }
0x8b: {  	s0 =	sand.u32 $0x1, s1  }
0x8c: {  	s16 =	sshll.u32 s0, $0xA;
	s2 =	sadd.s32 s3, s2  }
0x8d: {  	s2 =	sadd.s32 s2, s16  }
0x8e: {  	[smem:$0x3FB2] =	sst s2  }
0x8f: {  	_ = 	snop  }
0x90: {  	(tm) =	ssettm $0x1  }
0x91: {  	s17 =	sld [smem:$0x3FFB];
	_ =	sdelay $0x3  }
0x92: {  	_ =	strace s17  }
0x93: {  	s2 =	sld [smem:$0x3FFC];
	_ =	sdelay $0x3  }
0x94: {  	_ =	strace s2  }
0x95: {  	s2 =	sld [smem:$0x3FFD];
	_ =	sdelay $0x3  }
0x96: {  	_ =	strace s2  }
0x97: {  	_ =	strace $0x8FFFFFFF  }
0x98: {  	s18 =	sld [smem:$0x3FDB];
	_ =	sdelay $0x1  }
0x99: {  	s19 =	simm.s32 $_scs_section_size  }
0x9a: {  	s4 =	simm.s32 $_size__tile_overlayer_lowered;
	s5 =	simm.s32 $_tile_overlayer_lowered  }
0x9b: {  	s22 =	simm.s32 $0x1BFF;
	s21 =	sshll.u32 s5, $0x1;
	s2 =	sadd.s32 s19, s18  }
0x9c: {  	s6 =	simm.s32 $0x0;
	s20 =	sshll.u32 s4, $0x1;
	s4 =	sadd.s32 s21, s2  }
0x9d: {  	[timem:s6], [sflag:s22] =	dma.local [hbm:s4], s20  }
0x9e: {  	_ =	swait.ge [sflag:s22], s20  }
0x9f: {  	s3 =	ssub.s32 $0x0, s20;
	[sflag:s22] =	ssyncset.done $0x0  }
0xa0: {  	[sflag:s22] =	ssyncadd.s32 s3;
	_ =	sdelay $0x1  }
0xa1: {  	s23 =	simm.s32 $0x1B8B  }
0xa2: {  	_ =	swait.ge [sflag:s23], $0x1  }
0xa3: {  	[sflag:s23] =	ssyncset.done $0x0  }
0xa4: {  	s25 =	simm.s32 $0x1B8E;
	s24 =	sld [smem:$0x3FFE];
	[sflag:s23] =	ssyncadd.s32 $0xFFFFFFFF  }
0xa5: {  	s26 =	simm.s32 $execute0_lowered;
	[smem:$0x3FD2] =	sst s25  }
0xa6: {  	s4 =	sshll.u32 s26, $0x1;
	_ =	strace $0x80000046;
	[dreg:$0x1] =	wrdreg $0xFFFFFFFF  }
0xa7: {  	s28 =	simm.s32 $_size_execute0_lowered;
	s2 =	sadd.s32 s2, s4;
	[dreg:$0x0] =	wrdreg $0x0  }
0xa8: {  	s4 =	sshll.u32 s28, $0x1;
	[dreg:$0x2] =	wrdreg s2  }
0xa9: {  	[dreg:$0x3] =	wrdreg s4  }
0xaa: {  	[dreg:$0x4] =	wrdreg $0xC0  }
0xab: {  	_ =	task [dreg:s6], $0x5FFFF  }
0xac: {  	[dreg:$0x1] =	wrdreg $0xFFFFFFFF  }
0xad: {  	[dreg:$0x0] =	wrdreg $0x60  }
0xae: {  	[dreg:$0x2] =	wrdreg s24  }
0xaf: {  	[dreg:$0x3] =	wrdreg $0x1E000  }
0xb0: {  	[dreg:$0x4] =	wrdreg $0x9  }
0xb1: {  	_ =	task.clear_ibuf [dreg:s6], $0x5FFFF;
	_ =	strace $0x90000046  }
0xb2: {  	s29 =	simm.s32 $0x9;
	_ =	strace $0x80000048  }
0xb3: {  	_ =	swait.ge [sflag:s29], $0x1  }
0xb4: {  	[sflag:s29] =	ssyncadd.s32 $0xFFFFFFFF  }
0xb5: {  	_ =	strace $0x90000048  }
0xb6: {  	_ =	sfence  }
0xb7: {  	s30 =	sld [smem:$0x0];
	_ =	sdelay $0x2  }
0xb8: {  	s31 =	sshll.u32 s1, $0xD;
	s1 =	sshrl.u32 s1, $0x2  }
0xb9: {  	s3 =	sand.u32 $0x4000, s31;
	s1 =	sadd.s32 s1, s30  }
0xba: {  	s0 =	sor.u32 s3, s0;
	s1 =	sshll.u32 s1, $0x11  }
0xbb: {  	s0 =	sor.u32 s1, s0  }
0xbc: {  	s0 =	sadd.s32 $0x8F2B, s0  }
0xbd: {  	[sflag:s0] =	ssyncadd.remote.s32 $0x1  }
0xbe: {  	_ =	sfence.sel $0xFFFF  }
0xbf: {  	[dreg:$0x0] =	wrdreg $0xFFFFFFFF;
	(pc) =	sbr.abs _section_cstart, $3  }
0xc0: {  	[dreg:$0x1] =	wrdreg $0xFFFFFFFF  }
0xc1: {  	_ =	task.clear_ibuf [dreg:s6], $0x2FFFF;
	_ =	strace $0x9FFFFFFF  }
0xc2: {  	(tm) =	ssettm $0x7FFFFFFF  }
0xc3: {  	_ =	shalt  }
tec
execute0_lowered:
.L_overlay_start_1:
0x0: {  	(tag) =	ssettag $0x1  }
0x1: {  	s0 =	srdreg.scid  }
0x2: {  	s10 =	stileid.u32;
	s4 =	rddreg [dreg:$0x0]  }
0x3: {  	s2 =	rddreg [dreg:$0x1];
	s8 =	simm.s32 $0xE00;
	s22 =	simm.s32 $0x100  }
0x4: {  	s9 =	simm.s32 $0x2;
	s23 =	simm.s32 $0x180;
	s25 =	simm.s32 $0x200  }
0x5: {  	s26 =	simm.s32 $0x280;
	s12 =	simm.s32 $0x80;
	s14 =	simm.s32 $0x380  }
0x6: {  	s15 =	simm.s32 $0x400;
	s16 =	simm.s32 $0x480;
	s17 =	simm.s32 $0x500  }
0x7: {  	s18 =	simm.s32 $0x580;
	s28 =	simm.s32 $0xA00;
	s3 =	smul.u32 $0x6200, s10  }
0x8: {  	s29 =	simm.s32 $0xA80;
	s0 =	sand.u32 $0x1, s0;
	s5 =	smul.u32 $0x18900, s10  }
0x9: {  	s30 =	simm.s32 $0xB00;
	s31 =	simm.s32 $0xB80;
	s1 =	smul.u32 $0x62000, s0  }
0xa: {  	s13 =	simm.s32 $0x0;
	s7 =	sadd.s32 $0x34E00, s4;
	s6 =	smul.u32 $0x189000, s0  }
0xb: {  	s0 =	ssub.s32 $0x2, s0;
	s1 =	sadd.s32 s3, s1;
	s3 =	simm.s32 $0x0  }
0xc: {  	s19 =	sadd.s32 $0x38000, s4;
	s20 =	sshrl.u32 s0, $0x1;
	[smem:$0x7FF] =	sst s3  }
0xd: {  	s0 =	ssub.s32 s0, s20;
	_ =	strace $0x80000047;
	[dreg:$0x8] =	wrdreg s7  }
0xe: {  	s24 =	sshll.u32 s10, $0x6;
	s0 =	smax.u32 s0, $0x1;
	[dreg:$0x9] =	wrdreg s19  }
0xf: {  	s10 =	sor.u32 $0x1C02, s24;
	s24 =	simm.s32 $0x880;
	[dreg:$0xb] =	wrdreg s0  }
0x10: {  	s6 =	sadd.s32 s5, s6;
	s5 =	sadd.s32 s5, s2;
	[dreg:$0x4] =	wrdreg s22  }
0x11: {  	s20 =	simm.s32 $0x680;
	s1 =	sadd.s32 $0xC4000, s1;
	[dreg:$0x5] =	wrdreg s23  }
0x12: {  	s6 =	sshrl.u32 s6, $0x3;
	s11 =	sshrl.u32 s5, $0x3;
	[dreg:$0x6] =	wrdreg s25  }
0x13: {  	s5 =	simm.s32 $0xD80;
	s1 =	sshrl.u32 s1, $0x3;
	[dreg:$0x7] =	wrdreg s26  }
0x14: {  	s19 =	simm.s32 $0x600;
	s22 =	simm.s32 $0x780;
	s23 =	simm.s32 $0x800  }
0x15: {  	s25 =	simm.s32 $0x900;
	s26 =	simm.s32 $0x980;
	s0 =	simm.s32 $0xC80  }
0x16: {  	[dreg:$0xc] =	wrdreg s10;
	s1 =	sadd.s32 s1, s4;
	s4 =	sadd.s32 s6, s4  }
0x17: {  	[dreg:$0xd] =	wrdreg s11;
	s6 =	simm.s32 $0x1;
	s4 =	sadd.s32 $0x38200, s4  }
0x18: {  	s21 =	sadd.s32 $0x3E00, s1;
	s1 =	simm.s32 $0xC00;
	[dreg:$0xa] =	wrdreg s4  }
0x19: {  	[dreg:$0x3] =	wrdreg s21;
	s21 =	simm.s32 $0x700;
	s4 =	simm.s32 $0xD00  }
.LBB2_1:
0x1a: {  	[dreg:$0xe] =	wrdreg s13  }
0x1b: {  	s7 =	rddreg [dreg:$0x9]  }
0x1c: {  	[tilespmem:s8], [sflag:$0x2] =	stream.linear.gather [hbm4b:s7+s3], $0x1000, $0x38;
	[tilespmem:$0x1A700] =	vst v63  }
0x1d: {  	_ =	swait.ge [sflag:s9], $0x1000  }
0x1e: {  	[sflag:s9] =	ssyncset.done $0x0  }
0x1f: {  	s13 =	rddreg [dreg:$0x8];
	[sflag:s9] =	ssyncadd.s32 $0xFFFFF000  }
0x20: {  	[spmem:s11], [sflag:s10] =	dma.local [hbm:s13], $0x3120  }
0x21: {  	_ =	swait.ge [sflag:s9], $0x3120  }
0x22: {  	[sflag:s9] =	ssyncset.done $0x0  }
0x23: {  	[sflag:s9] =	ssyncadd.s32 $0xFFFFCEE0  }
0x24: {  	[bflag:$0x0] =	sbarrier.arrive $0xFFFF  }
0x25: {  	s13 =	rddreg [dreg:$0x3]  }
0x26: {  	s7 =	sadd.s32 $0x0, s13  }
0x27: {  	[tilespmem:s3], [sflag:$0x2] =	stream.linear.gather [hbm4b:s7+s3], $0xE00, $0x38;
	[tilespmem:$0x1A700] =	vst v63  }
0x28: {  	_ =	swait.ge [sflag:s9], $0xE00  }
0x29: {  	[sflag:s9] =	ssyncset.done $0x0  }
0x2a: {  	[sflag:s9] =	ssyncadd.s32 $0xFFFFF200  }
0x2b: {  	[spmem:s2] =	stream.indirect.scatter.add.f32 [tilespmem:s8], [sflag:$0x1], $0x20, s3, s12, $0xb8;
	[tilespmem:$0x1A700] =	vst v63  }
0x2c: {  	_ = 	snop  }
0x2d: {  	[spmem:s2] =	stream.indirect.scatter.add.f32 [tilespmem:s8], [sflag:$0x1], $0x20, s12, s12, $0xb8;
	[tilespmem:$0x1A700] =	vst v63  }
0x2e: {  	s10 =	rddreg [dreg:$0x4]  }
0x2f: {  	[spmem:s2] =	stream.indirect.scatter.add.f32 [tilespmem:s8], [sflag:$0x1], $0x20, s10, s12, $0xb8;
	[tilespmem:$0x1A700] =	vst v63  }
0x30: {  	s11 =	rddreg [dreg:$0x5]  }
0x31: {  	[spmem:s2] =	stream.indirect.scatter.add.f32 [tilespmem:s8], [sflag:$0x1], $0x20, s11, s12, $0xb8;
	[tilespmem:$0x1A700] =	vst v63  }
0x32: {  	s13 =	rddreg [dreg:$0x6]  }
0x33: {  	[spmem:s2] =	stream.indirect.scatter.add.f32 [tilespmem:s8], [sflag:$0x1], $0x20, s13, s12, $0xb8;
	[tilespmem:$0x1A700] =	vst v63  }
0x34: {  	s11 =	rddreg [dreg:$0x7]  }
0x35: {  	[spmem:s2] =	stream.indirect.scatter.add.f32 [tilespmem:s8], [sflag:$0x1], $0x20, s11, s12, $0xb8;
	[tilespmem:$0x1A700] =	vst v63  }
0x36: {  	s13 =	simm.s32 $0x300  }
0x37: {  	[spmem:s2] =	stream.indirect.scatter.add.f32 [tilespmem:s8], [sflag:$0x1], $0x20, s13, s12, $0xb8;
	[tilespmem:$0x1A700] =	vst v63  }
0x38: {  	_ = 	snop  }
0x39: {  	[spmem:s2] =	stream.indirect.scatter.add.f32 [tilespmem:s8], [sflag:$0x1], $0x20, s14, s12, $0xb8;
	[tilespmem:$0x1A700] =	vst v63  }
0x3a: {  	_ = 	snop  }
0x3b: {  	[spmem:s2] =	stream.indirect.scatter.add.f32 [tilespmem:s8], [sflag:$0x1], $0x20, s15, s12, $0xb8;
	[tilespmem:$0x1A700] =	vst v63  }
0x3c: {  	_ = 	snop  }
0x3d: {  	[spmem:s2] =	stream.indirect.scatter.add.f32 [tilespmem:s8], [sflag:$0x1], $0x20, s16, s12, $0xb8;
	[tilespmem:$0x1A700] =	vst v63  }
0x3e: {  	_ = 	snop  }
0x3f: {  	[spmem:s2] =	stream.indirect.scatter.add.f32 [tilespmem:s8], [sflag:$0x1], $0x20, s17, s12, $0xb8;
	[tilespmem:$0x1A700] =	vst v63  }
0x40: {  	_ = 	snop  }
0x41: {  	[spmem:s2] =	stream.indirect.scatter.add.f32 [tilespmem:s8], [sflag:$0x1], $0x20, s18, s12, $0xb8;
	[tilespmem:$0x1A700] =	vst v63  }
0x42: {  	_ = 	snop  }
0x43: {  	[spmem:s2] =	stream.indirect.scatter.add.f32 [tilespmem:s8], [sflag:$0x1], $0x20, s19, s12, $0xb8;
	[tilespmem:$0x1A700] =	vst v63  }
0x44: {  	_ = 	snop  }
0x45: {  	[spmem:s2] =	stream.indirect.scatter.add.f32 [tilespmem:s8], [sflag:$0x1], $0x20, s20, s12, $0xb8;
	[tilespmem:$0x1A700] =	vst v63  }
0x46: {  	_ = 	snop  }
0x47: {  	[spmem:s2] =	stream.indirect.scatter.add.f32 [tilespmem:s8], [sflag:$0x1], $0x20, s21, s12, $0xb8;
	[tilespmem:$0x1A700] =	vst v63  }
0x48: {  	_ = 	snop  }
0x49: {  	[spmem:s2] =	stream.indirect.scatter.add.f32 [tilespmem:s8], [sflag:$0x1], $0x20, s22, s12, $0xb8;
	[tilespmem:$0x1A700] =	vst v63  }
0x4a: {  	_ = 	snop  }
0x4b: {  	[spmem:s2] =	stream.indirect.scatter.add.f32 [tilespmem:s8], [sflag:$0x1], $0x20, s23, s12, $0xb8;
	[tilespmem:$0x1A700] =	vst v63  }
0x4c: {  	_ = 	snop  }
0x4d: {  	[spmem:s2] =	stream.indirect.scatter.add.f32 [tilespmem:s8], [sflag:$0x1], $0x20, s24, s12, $0xb8;
	[tilespmem:$0x1A700] =	vst v63  }
0x4e: {  	_ = 	snop  }
0x4f: {  	[spmem:s2] =	stream.indirect.scatter.add.f32 [tilespmem:s8], [sflag:$0x1], $0x20, s25, s12, $0xb8;
	[tilespmem:$0x1A700] =	vst v63  }
0x50: {  	_ = 	snop  }
0x51: {  	[spmem:s2] =	stream.indirect.scatter.add.f32 [tilespmem:s8], [sflag:$0x1], $0x20, s26, s12, $0xb8;
	[tilespmem:$0x1A700] =	vst v63  }
0x52: {  	_ = 	snop  }
0x53: {  	[spmem:s2] =	stream.indirect.scatter.add.f32 [tilespmem:s8], [sflag:$0x1], $0x20, s28, s12, $0xb8;
	[tilespmem:$0x1A700] =	vst v63  }
0x54: {  	_ = 	snop  }
0x55: {  	[spmem:s2] =	stream.indirect.scatter.add.f32 [tilespmem:s8], [sflag:$0x1], $0x20, s29, s12, $0xb8;
	[tilespmem:$0x1A700] =	vst v63  }
0x56: {  	_ = 	snop  }
0x57: {  	[spmem:s2] =	stream.indirect.scatter.add.f32 [tilespmem:s8], [sflag:$0x1], $0x20, s30, s12, $0xb8;
	[tilespmem:$0x1A700] =	vst v63  }
0x58: {  	_ = 	snop  }
0x59: {  	[spmem:s2] =	stream.indirect.scatter.add.f32 [tilespmem:s8], [sflag:$0x1], $0x20, s31, s12, $0xb8;
	[tilespmem:$0x1A700] =	vst v63  }
0x5a: {  	_ = 	snop  }
0x5b: {  	[spmem:s2] =	stream.indirect.scatter.add.f32 [tilespmem:s8], [sflag:$0x1], $0x20, s1, s12, $0xb8;
	[tilespmem:$0x1A700] =	vst v63  }
0x5c: {  	_ = 	snop  }
0x5d: {  	[spmem:s2] =	stream.indirect.scatter.add.f32 [tilespmem:s8], [sflag:$0x1], $0x20, s0, s12, $0xb8;
	[tilespmem:$0x1A700] =	vst v63  }
0x5e: {  	_ = 	snop  }
0x5f: {  	[spmem:s2] =	stream.indirect.scatter.add.f32 [tilespmem:s8], [sflag:$0x1], $0x20, s4, s12, $0xb8;
	[tilespmem:$0x1A700] =	vst v63  }
0x60: {  	_ = 	snop  }
0x61: {  	[spmem:s2] =	stream.indirect.scatter.add.f32 [tilespmem:s8], [sflag:$0x1], $0x20, s5, s12, $0xb8;
	[tilespmem:$0x1A700] =	vst v63  }
0x62: {  	_ =	swait.ge [sflag:s6], $0x1000  }
0x63: {  	[sflag:s6] =	ssyncset.done $0x0  }
0x64: {  	[sflag:s6] =	ssyncadd.s32 $0xFFFFF000  }
0x65: {  	_ =	swait.ge [sflag:s6], $0x1000  }
0x66: {  	[sflag:s6] =	ssyncset.done $0x0  }
0x67: {  	[sflag:s6] =	ssyncadd.s32 $0xFFFFF000  }
0x68: {  	_ =	swait.ge [sflag:s6], $0x1000  }
0x69: {  	[sflag:s6] =	ssyncset.done $0x0  }
0x6a: {  	[sflag:s6] =	ssyncadd.s32 $0xFFFFF000  }
0x6b: {  	_ =	swait.ge [sflag:s6], $0x1000  }
0x6c: {  	[sflag:s6] =	ssyncset.done $0x0  }
0x6d: {  	[sflag:s6] =	ssyncadd.s32 $0xFFFFF000  }
0x6e: {  	_ =	swait.ge [sflag:s6], $0x1000  }
0x6f: {  	[sflag:s6] =	ssyncset.done $0x0  }
0x70: {  	[sflag:s6] =	ssyncadd.s32 $0xFFFFF000  }
0x71: {  	_ =	swait.ge [sflag:s6], $0x1000  }
0x72: {  	[sflag:s6] =	ssyncset.done $0x0  }
0x73: {  	[sflag:s6] =	ssyncadd.s32 $0xFFFFF000  }
0x74: {  	_ =	swait.ge [sflag:s6], $0x1000  }
0x75: {  	[sflag:s6] =	ssyncset.done $0x0  }
0x76: {  	[sflag:s6] =	ssyncadd.s32 $0xFFFFF000  }
0x77: {  	_ =	swait.ge [sflag:s6], $0x1000  }
0x78: {  	[sflag:s6] =	ssyncset.done $0x0  }
0x79: {  	[sflag:s6] =	ssyncadd.s32 $0xFFFFF000  }
0x7a: {  	_ =	swait.ge [sflag:s6], $0x1000  }
0x7b: {  	[sflag:s6] =	ssyncset.done $0x0  }
0x7c: {  	[sflag:s6] =	ssyncadd.s32 $0xFFFFF000  }
0x7d: {  	_ =	swait.ge [sflag:s6], $0x1000  }
0x7e: {  	[sflag:s6] =	ssyncset.done $0x0  }
0x7f: {  	[sflag:s6] =	ssyncadd.s32 $0xFFFFF000  }
0x80: {  	_ =	swait.ge [sflag:s6], $0x1000  }
0x81: {  	[sflag:s6] =	ssyncset.done $0x0  }
0x82: {  	[sflag:s6] =	ssyncadd.s32 $0xFFFFF000  }
0x83: {  	_ =	swait.ge [sflag:s6], $0x1000  }
0x84: {  	[sflag:s6] =	ssyncset.done $0x0  }
0x85: {  	[sflag:s6] =	ssyncadd.s32 $0xFFFFF000  }
0x86: {  	_ =	swait.ge [sflag:s6], $0x1000  }
0x87: {  	[sflag:s6] =	ssyncset.done $0x0  }
0x88: {  	[sflag:s6] =	ssyncadd.s32 $0xFFFFF000  }
0x89: {  	_ =	swait.ge [sflag:s6], $0x1000  }
0x8a: {  	[sflag:s6] =	ssyncset.done $0x0  }
0x8b: {  	[sflag:s6] =	ssyncadd.s32 $0xFFFFF000  }
0x8c: {  	_ =	swait.ge [sflag:s6], $0x1000  }
0x8d: {  	[sflag:s6] =	ssyncset.done $0x0  }
0x8e: {  	[sflag:s6] =	ssyncadd.s32 $0xFFFFF000  }
0x8f: {  	_ =	swait.ge [sflag:s6], $0x1000  }
0x90: {  	[sflag:s6] =	ssyncset.done $0x0  }
0x91: {  	[sflag:s6] =	ssyncadd.s32 $0xFFFFF000  }
0x92: {  	_ =	swait.ge [sflag:s6], $0x1000  }
0x93: {  	[sflag:s6] =	ssyncset.done $0x0  }
0x94: {  	[sflag:s6] =	ssyncadd.s32 $0xFFFFF000  }
0x95: {  	_ =	swait.ge [sflag:s6], $0x1000  }
0x96: {  	[sflag:s6] =	ssyncset.done $0x0  }
0x97: {  	[sflag:s6] =	ssyncadd.s32 $0xFFFFF000  }
0x98: {  	_ =	swait.ge [sflag:s6], $0x1000  }
0x99: {  	[sflag:s6] =	ssyncset.done $0x0  }
0x9a: {  	[sflag:s6] =	ssyncadd.s32 $0xFFFFF000  }
0x9b: {  	_ =	swait.ge [sflag:s6], $0x1000  }
0x9c: {  	[sflag:s6] =	ssyncset.done $0x0  }
0x9d: {  	[sflag:s6] =	ssyncadd.s32 $0xFFFFF000  }
0x9e: {  	_ =	swait.ge [sflag:s6], $0x1000  }
0x9f: {  	[sflag:s6] =	ssyncset.done $0x0  }
0xa0: {  	[sflag:s6] =	ssyncadd.s32 $0xFFFFF000  }
0xa1: {  	_ =	swait.ge [sflag:s6], $0x1000  }
0xa2: {  	[sflag:s6] =	ssyncset.done $0x0  }
0xa3: {  	[sflag:s6] =	ssyncadd.s32 $0xFFFFF000  }
0xa4: {  	_ =	swait.ge [sflag:s6], $0x1000  }
0xa5: {  	[sflag:s6] =	ssyncset.done $0x0  }
0xa6: {  	[sflag:s6] =	ssyncadd.s32 $0xFFFFF000  }
0xa7: {  	_ =	swait.ge [sflag:s6], $0x1000  }
0xa8: {  	[sflag:s6] =	ssyncset.done $0x0  }
0xa9: {  	[sflag:s6] =	ssyncadd.s32 $0xFFFFF000  }
0xaa: {  	_ =	swait.ge [sflag:s6], $0x1000  }
0xab: {  	[sflag:s6] =	ssyncset.done $0x0  }
0xac: {  	[sflag:s6] =	ssyncadd.s32 $0xFFFFF000  }
0xad: {  	_ =	swait.ge [sflag:s6], $0x1000  }
0xae: {  	[sflag:s6] =	ssyncset.done $0x0  }
0xaf: {  	[sflag:s6] =	ssyncadd.s32 $0xFFFFF000  }
0xb0: {  	_ =	swait.ge [sflag:s6], $0x1000  }
0xb1: {  	[sflag:s6] =	ssyncset.done $0x0  }
0xb2: {  	[sflag:s6] =	ssyncadd.s32 $0xFFFFF000  }
0xb3: {  	s10 =	simm.s32 $0x1C0;
	_ =	swait.ge [sflag:s6], $0x1000  }
0xb4: {  	s11 =	simm.s32 $0x380;
	s7 =	rddreg [dreg:$0x3];
	[sflag:s6] =	ssyncset.done $0x0  }
.LBB2_2:
0xb5: {  	[sflag:s6] =	ssyncadd.s32 $0xFFFFF000;
	s7 =	sadd.s32 s10, s7  }
0xb6: {  	[tilespmem:s3], [sflag:$0x2] =	stream.linear.gather [hbm4b:s7+s3], $0xE00, $0x38;
	[tilespmem:$0x1A700] =	vst v63  }
0xb7: {  	_ =	swait.ge [sflag:s9], $0xE00  }
0xb8: {  	[sflag:s9] =	ssyncset.done $0x0  }
0xb9: {  	[sflag:s9] =	ssyncadd.s32 $0xFFFFF200  }
0xba: {  	[spmem:s2] =	stream.indirect.scatter.add.f32 [tilespmem:s8], [sflag:$0x1], $0x20, s3, s12, $0xb8;
	[tilespmem:$0x1A700] =	vst v63  }
0xbb: {  	_ = 	snop  }
0xbc: {  	[spmem:s2] =	stream.indirect.scatter.add.f32 [tilespmem:s8], [sflag:$0x1], $0x20, s12, s12, $0xb8;
	[tilespmem:$0x1A700] =	vst v63  }
0xbd: {  	s13 =	smov.u32 s11;
	s7 =	rddreg [dreg:$0x4]  }
0xbe: {  	[spmem:s2] =	stream.indirect.scatter.add.f32 [tilespmem:s8], [sflag:$0x1], $0x20, s7, s12, $0xb8;
	[tilespmem:$0x1A700] =	vst v63  }
0xbf: {  	s10 =	smov.u32 s13;
	s13 =	rddreg [dreg:$0x5]  }
0xc0: {  	[spmem:s2] =	stream.indirect.scatter.add.f32 [tilespmem:s8], [sflag:$0x1], $0x20, s13, s12, $0xb8;
	[tilespmem:$0x1A700] =	vst v63  }
0xc1: {  	s7 =	rddreg [dreg:$0x6]  }
0xc2: {  	[spmem:s2] =	stream.indirect.scatter.add.f32 [tilespmem:s8], [sflag:$0x1], $0x20, s7, s12, $0xb8;
	[tilespmem:$0x1A700] =	vst v63  }
0xc3: {  	s13 =	rddreg [dreg:$0x7]  }
0xc4: {  	[spmem:s2] =	stream.indirect.scatter.add.f32 [tilespmem:s8], [sflag:$0x1], $0x20, s13, s12, $0xb8;
	[tilespmem:$0x1A700] =	vst v63  }
0xc5: {  	s13 =	simm.s32 $0x300  }
0xc6: {  	[spmem:s2] =	stream.indirect.scatter.add.f32 [tilespmem:s8], [sflag:$0x1], $0x20, s13, s12, $0xb8;
	[tilespmem:$0x1A700] =	vst v63  }
0xc7: {  	_ = 	snop  }
0xc8: {  	[spmem:s2] =	stream.indirect.scatter.add.f32 [tilespmem:s8], [sflag:$0x1], $0x20, s14, s12, $0xb8;
	[tilespmem:$0x1A700] =	vst v63  }
0xc9: {  	_ = 	snop  }
0xca: {  	[spmem:s2] =	stream.indirect.scatter.add.f32 [tilespmem:s8], [sflag:$0x1], $0x20, s15, s12, $0xb8;
	[tilespmem:$0x1A700] =	vst v63  }
0xcb: {  	_ = 	snop  }
0xcc: {  	[spmem:s2] =	stream.indirect.scatter.add.f32 [tilespmem:s8], [sflag:$0x1], $0x20, s16, s12, $0xb8;
	[tilespmem:$0x1A700] =	vst v63  }
0xcd: {  	_ = 	snop  }
0xce: {  	[spmem:s2] =	stream.indirect.scatter.add.f32 [tilespmem:s8], [sflag:$0x1], $0x20, s17, s12, $0xb8;
	[tilespmem:$0x1A700] =	vst v63  }
0xcf: {  	_ = 	snop  }
0xd0: {  	[spmem:s2] =	stream.indirect.scatter.add.f32 [tilespmem:s8], [sflag:$0x1], $0x20, s18, s12, $0xb8;
	[tilespmem:$0x1A700] =	vst v63  }
0xd1: {  	_ = 	snop  }
0xd2: {  	[spmem:s2] =	stream.indirect.scatter.add.f32 [tilespmem:s8], [sflag:$0x1], $0x20, s19, s12, $0xb8;
	[tilespmem:$0x1A700] =	vst v63  }
0xd3: {  	_ = 	snop  }
0xd4: {  	[spmem:s2] =	stream.indirect.scatter.add.f32 [tilespmem:s8], [sflag:$0x1], $0x20, s20, s12, $0xb8;
	[tilespmem:$0x1A700] =	vst v63  }
0xd5: {  	_ = 	snop  }
0xd6: {  	[spmem:s2] =	stream.indirect.scatter.add.f32 [tilespmem:s8], [sflag:$0x1], $0x20, s21, s12, $0xb8;
	[tilespmem:$0x1A700] =	vst v63  }
0xd7: {  	_ = 	snop  }
0xd8: {  	[spmem:s2] =	stream.indirect.scatter.add.f32 [tilespmem:s8], [sflag:$0x1], $0x20, s22, s12, $0xb8;
	[tilespmem:$0x1A700] =	vst v63  }
0xd9: {  	_ = 	snop  }
0xda: {  	[spmem:s2] =	stream.indirect.scatter.add.f32 [tilespmem:s8], [sflag:$0x1], $0x20, s23, s12, $0xb8;
	[tilespmem:$0x1A700] =	vst v63  }
0xdb: {  	_ = 	snop  }
0xdc: {  	[spmem:s2] =	stream.indirect.scatter.add.f32 [tilespmem:s8], [sflag:$0x1], $0x20, s24, s12, $0xb8;
	[tilespmem:$0x1A700] =	vst v63  }
0xdd: {  	_ = 	snop  }
0xde: {  	[spmem:s2] =	stream.indirect.scatter.add.f32 [tilespmem:s8], [sflag:$0x1], $0x20, s25, s12, $0xb8;
	[tilespmem:$0x1A700] =	vst v63  }
0xdf: {  	_ = 	snop  }
0xe0: {  	[spmem:s2] =	stream.indirect.scatter.add.f32 [tilespmem:s8], [sflag:$0x1], $0x20, s26, s12, $0xb8;
	[tilespmem:$0x1A700] =	vst v63  }
0xe1: {  	_ = 	snop  }
0xe2: {  	[spmem:s2] =	stream.indirect.scatter.add.f32 [tilespmem:s8], [sflag:$0x1], $0x20, s28, s12, $0xb8;
	[tilespmem:$0x1A700] =	vst v63  }
0xe3: {  	_ = 	snop  }
0xe4: {  	[spmem:s2] =	stream.indirect.scatter.add.f32 [tilespmem:s8], [sflag:$0x1], $0x20, s29, s12, $0xb8;
	[tilespmem:$0x1A700] =	vst v63  }
0xe5: {  	_ = 	snop  }
0xe6: {  	[spmem:s2] =	stream.indirect.scatter.add.f32 [tilespmem:s8], [sflag:$0x1], $0x20, s30, s12, $0xb8;
	[tilespmem:$0x1A700] =	vst v63  }
0xe7: {  	_ = 	snop  }
0xe8: {  	[spmem:s2] =	stream.indirect.scatter.add.f32 [tilespmem:s8], [sflag:$0x1], $0x20, s31, s12, $0xb8;
	[tilespmem:$0x1A700] =	vst v63  }
0xe9: {  	_ = 	snop  }
0xea: {  	[spmem:s2] =	stream.indirect.scatter.add.f32 [tilespmem:s8], [sflag:$0x1], $0x20, s1, s12, $0xb8;
	[tilespmem:$0x1A700] =	vst v63  }
0xeb: {  	_ = 	snop  }
0xec: {  	[spmem:s2] =	stream.indirect.scatter.add.f32 [tilespmem:s8], [sflag:$0x1], $0x20, s0, s12, $0xb8;
	[tilespmem:$0x1A700] =	vst v63  }
0xed: {  	_ = 	snop  }
0xee: {  	[spmem:s2] =	stream.indirect.scatter.add.f32 [tilespmem:s8], [sflag:$0x1], $0x20, s4, s12, $0xb8;
	[tilespmem:$0x1A700] =	vst v63  }
0xef: {  	_ = 	snop  }
0xf0: {  	[spmem:s2] =	stream.indirect.scatter.add.f32 [tilespmem:s8], [sflag:$0x1], $0x20, s5, s12, $0xb8;
	[tilespmem:$0x1A700] =	vst v63  }
0xf1: {  	_ =	swait.ge [sflag:s6], $0x1000  }
0xf2: {  	[sflag:s6] =	ssyncset.done $0x0  }
0xf3: {  	[sflag:s6] =	ssyncadd.s32 $0xFFFFF000  }
0xf4: {  	_ =	swait.ge [sflag:s6], $0x1000  }
0xf5: {  	[sflag:s6] =	ssyncset.done $0x0  }
0xf6: {  	[sflag:s6] =	ssyncadd.s32 $0xFFFFF000  }
0xf7: {  	_ =	swait.ge [sflag:s6], $0x1000  }
0xf8: {  	[sflag:s6] =	ssyncset.done $0x0  }
0xf9: {  	[sflag:s6] =	ssyncadd.s32 $0xFFFFF000  }
0xfa: {  	_ =	swait.ge [sflag:s6], $0x1000  }
0xfb: {  	[sflag:s6] =	ssyncset.done $0x0  }
0xfc: {  	[sflag:s6] =	ssyncadd.s32 $0xFFFFF000  }
0xfd: {  	_ =	swait.ge [sflag:s6], $0x1000  }
0xfe: {  	[sflag:s6] =	ssyncset.done $0x0  }
0xff: {  	[sflag:s6] =	ssyncadd.s32 $0xFFFFF000  }
0x100: {  	_ =	swait.ge [sflag:s6], $0x1000  }
0x101: {  	[sflag:s6] =	ssyncset.done $0x0  }
0x102: {  	[sflag:s6] =	ssyncadd.s32 $0xFFFFF000  }
0x103: {  	_ =	swait.ge [sflag:s6], $0x1000  }
0x104: {  	[sflag:s6] =	ssyncset.done $0x0  }
0x105: {  	[sflag:s6] =	ssyncadd.s32 $0xFFFFF000  }
0x106: {  	_ =	swait.ge [sflag:s6], $0x1000  }
0x107: {  	[sflag:s6] =	ssyncset.done $0x0  }
0x108: {  	[sflag:s6] =	ssyncadd.s32 $0xFFFFF000  }
0x109: {  	_ =	swait.ge [sflag:s6], $0x1000  }
0x10a: {  	[sflag:s6] =	ssyncset.done $0x0  }
0x10b: {  	[sflag:s6] =	ssyncadd.s32 $0xFFFFF000  }
0x10c: {  	_ =	swait.ge [sflag:s6], $0x1000  }
0x10d: {  	[sflag:s6] =	ssyncset.done $0x0  }
0x10e: {  	[sflag:s6] =	ssyncadd.s32 $0xFFFFF000  }
0x10f: {  	_ =	swait.ge [sflag:s6], $0x1000  }
0x110: {  	[sflag:s6] =	ssyncset.done $0x0  }
0x111: {  	[sflag:s6] =	ssyncadd.s32 $0xFFFFF000  }
0x112: {  	_ =	swait.ge [sflag:s6], $0x1000  }
0x113: {  	[sflag:s6] =	ssyncset.done $0x0  }
0x114: {  	[sflag:s6] =	ssyncadd.s32 $0xFFFFF000  }
0x115: {  	_ =	swait.ge [sflag:s6], $0x1000  }
0x116: {  	[sflag:s6] =	ssyncset.done $0x0  }
0x117: {  	[sflag:s6] =	ssyncadd.s32 $0xFFFFF000  }
0x118: {  	_ =	swait.ge [sflag:s6], $0x1000  }
0x119: {  	[sflag:s6] =	ssyncset.done $0x0  }
0x11a: {  	[sflag:s6] =	ssyncadd.s32 $0xFFFFF000  }
0x11b: {  	_ =	swait.ge [sflag:s6], $0x1000  }
0x11c: {  	[sflag:s6] =	ssyncset.done $0x0  }
0x11d: {  	[sflag:s6] =	ssyncadd.s32 $0xFFFFF000  }
0x11e: {  	_ =	swait.ge [sflag:s6], $0x1000  }
0x11f: {  	[sflag:s6] =	ssyncset.done $0x0  }
0x120: {  	[sflag:s6] =	ssyncadd.s32 $0xFFFFF000  }
0x121: {  	_ =	swait.ge [sflag:s6], $0x1000  }
0x122: {  	[sflag:s6] =	ssyncset.done $0x0  }
0x123: {  	[sflag:s6] =	ssyncadd.s32 $0xFFFFF000  }
0x124: {  	_ =	swait.ge [sflag:s6], $0x1000  }
0x125: {  	[sflag:s6] =	ssyncset.done $0x0  }
0x126: {  	[sflag:s6] =	ssyncadd.s32 $0xFFFFF000  }
0x127: {  	_ =	swait.ge [sflag:s6], $0x1000  }
0x128: {  	[sflag:s6] =	ssyncset.done $0x0  }
0x129: {  	[sflag:s6] =	ssyncadd.s32 $0xFFFFF000  }
0x12a: {  	_ =	swait.ge [sflag:s6], $0x1000  }
0x12b: {  	[sflag:s6] =	ssyncset.done $0x0  }
0x12c: {  	[sflag:s6] =	ssyncadd.s32 $0xFFFFF000  }
0x12d: {  	_ =	swait.ge [sflag:s6], $0x1000  }
0x12e: {  	[sflag:s6] =	ssyncset.done $0x0  }
0x12f: {  	[sflag:s6] =	ssyncadd.s32 $0xFFFFF000  }
0x130: {  	_ =	swait.ge [sflag:s6], $0x1000  }
0x131: {  	[sflag:s6] =	ssyncset.done $0x0  }
0x132: {  	[sflag:s6] =	ssyncadd.s32 $0xFFFFF000  }
0x133: {  	_ =	swait.ge [sflag:s6], $0x1000  }
0x134: {  	[sflag:s6] =	ssyncset.done $0x0  }
0x135: {  	[sflag:s6] =	ssyncadd.s32 $0xFFFFF000  }
0x136: {  	_ =	swait.ge [sflag:s6], $0x1000  }
0x137: {  	[sflag:s6] =	ssyncset.done $0x0  }
0x138: {  	[sflag:s6] =	ssyncadd.s32 $0xFFFFF000  }
0x139: {  	_ =	swait.ge [sflag:s6], $0x1000  }
0x13a: {  	[sflag:s6] =	ssyncset.done $0x0  }
0x13b: {  	[sflag:s6] =	ssyncadd.s32 $0xFFFFF000  }
0x13c: {  	_ =	swait.ge [sflag:s6], $0x1000  }
0x13d: {  	[sflag:s6] =	ssyncset.done $0x0  }
0x13e: {  	p0 =	sne.s32 s11, $0xA80;
	[sflag:s6] =	ssyncadd.s32 $0xFFFFF000  }
.Ltmp0:
0x13f: {  	_ =	swait.ge [sflag:s6], $0x1000;
	(pc) =	sbr.rel @p0 .LBB2_2-.Ltmp0, $4  }
0x140: {  	[sflag:s6] =	ssyncset.done $0x0  }
0x141: {  	[sflag:s6] =	ssyncadd.s32 $0xFFFFF000  }
0x142: {  	_ =	swait.ge [sflag:s6], $0x1000  }
0x143: {  	s11 =	sadd.s32 $0x1C0, s11;
	s7 =	rddreg [dreg:$0x3];
	[sflag:s6] =	ssyncset.done $0x0  }
0x144: {  	[sflag:s6] =	ssyncadd.s32 $0xFFFFF000;
	s7 =	sadd.s32 s10, s7  }
0x145: {  	[tilespmem:s3], [sflag:$0x2] =	stream.linear.gather [hbm4b:s7+s3], $0xE00, $0x38;
	[tilespmem:$0x1A700] =	vst v63  }
0x146: {  	_ =	swait.ge [sflag:s9], $0xE00  }
0x147: {  	[sflag:s9] =	ssyncset.done $0x0  }
0x148: {  	[sflag:s9] =	ssyncadd.s32 $0xFFFFF200  }
0x149: {  	[spmem:s2] =	stream.indirect.scatter.add.f32 [tilespmem:s8], [sflag:$0x1], $0x20, s3, s12, $0xb8;
	[tilespmem:$0x1A700] =	vst v63  }
0x14a: {  	_ = 	snop  }
0x14b: {  	[spmem:s2] =	stream.indirect.scatter.add.f32 [tilespmem:s8], [sflag:$0x1], $0x20, s12, s12, $0xb8;
	[tilespmem:$0x1A700] =	vst v63  }
0x14c: {  	s11 =	rddreg [dreg:$0x4]  }
0x14d: {  	[spmem:s2] =	stream.indirect.scatter.add.f32 [tilespmem:s8], [sflag:$0x1], $0x20, s11, s12, $0xb8;
	[tilespmem:$0x1A700] =	vst v63  }
0x14e: {  	s13 =	rddreg [dreg:$0x5]  }
0x14f: {  	[spmem:s2] =	stream.indirect.scatter.add.f32 [tilespmem:s8], [sflag:$0x1], $0x20, s13, s12, $0xb8;
	[tilespmem:$0x1A700] =	vst v63  }
0x150: {  	s11 =	rddreg [dreg:$0x6]  }
0x151: {  	[spmem:s2] =	stream.indirect.scatter.add.f32 [tilespmem:s8], [sflag:$0x1], $0x20, s11, s12, $0xb8;
	[tilespmem:$0x1A700] =	vst v63  }
0x152: {  	s13 =	rddreg [dreg:$0x7]  }
0x153: {  	[spmem:s2] =	stream.indirect.scatter.add.f32 [tilespmem:s8], [sflag:$0x1], $0x20, s13, s12, $0xb8;
	[tilespmem:$0x1A700] =	vst v63  }
0x154: {  	s11 =	simm.s32 $0x300  }
0x155: {  	[spmem:s2] =	stream.indirect.scatter.add.f32 [tilespmem:s8], [sflag:$0x1], $0x20, s11, s12, $0xb8;
	[tilespmem:$0x1A700] =	vst v63  }
0x156: {  	_ = 	snop  }
0x157: {  	[spmem:s2] =	stream.indirect.scatter.add.f32 [tilespmem:s8], [sflag:$0x1], $0x20, s14, s12, $0xb8;
	[tilespmem:$0x1A700] =	vst v63  }
0x158: {  	_ = 	snop  }
0x159: {  	[spmem:s2] =	stream.indirect.scatter.add.f32 [tilespmem:s8], [sflag:$0x1], $0x20, s15, s12, $0xb8;
	[tilespmem:$0x1A700] =	vst v63  }
0x15a: {  	_ = 	snop  }
0x15b: {  	[spmem:s2] =	stream.indirect.scatter.add.f32 [tilespmem:s8], [sflag:$0x1], $0x20, s16, s12, $0xb8;
	[tilespmem:$0x1A700] =	vst v63  }
0x15c: {  	_ = 	snop  }
0x15d: {  	[spmem:s2] =	stream.indirect.scatter.add.f32 [tilespmem:s8], [sflag:$0x1], $0x20, s17, s12, $0xb8;
	[tilespmem:$0x1A700] =	vst v63  }
0x15e: {  	_ = 	snop  }
0x15f: {  	[spmem:s2] =	stream.indirect.scatter.add.f32 [tilespmem:s8], [sflag:$0x1], $0x20, s18, s12, $0xb8;
	[tilespmem:$0x1A700] =	vst v63  }
0x160: {  	_ = 	snop  }
0x161: {  	[spmem:s2] =	stream.indirect.scatter.add.f32 [tilespmem:s8], [sflag:$0x1], $0x20, s19, s12, $0xb8;
	[tilespmem:$0x1A700] =	vst v63  }
0x162: {  	_ = 	snop  }
0x163: {  	[spmem:s2] =	stream.indirect.scatter.add.f32 [tilespmem:s8], [sflag:$0x1], $0x20, s20, s12, $0xb8;
	[tilespmem:$0x1A700] =	vst v63  }
0x164: {  	_ = 	snop  }
0x165: {  	[spmem:s2] =	stream.indirect.scatter.add.f32 [tilespmem:s8], [sflag:$0x1], $0x20, s21, s12, $0xb8;
	[tilespmem:$0x1A700] =	vst v63  }
0x166: {  	_ = 	snop  }
0x167: {  	[spmem:s2] =	stream.indirect.scatter.add.f32 [tilespmem:s8], [sflag:$0x1], $0x20, s22, s12, $0xb8;
	[tilespmem:$0x1A700] =	vst v63  }
0x168: {  	_ = 	snop  }
0x169: {  	[spmem:s2] =	stream.indirect.scatter.add.f32 [tilespmem:s8], [sflag:$0x1], $0x20, s23, s12, $0xb8;
	[tilespmem:$0x1A700] =	vst v63  }
0x16a: {  	_ = 	snop  }
0x16b: {  	[spmem:s2] =	stream.indirect.scatter.add.f32 [tilespmem:s8], [sflag:$0x1], $0x20, s24, s12, $0xb8;
	[tilespmem:$0x1A700] =	vst v63  }
0x16c: {  	_ = 	snop  }
0x16d: {  	[spmem:s2] =	stream.indirect.scatter.add.f32 [tilespmem:s8], [sflag:$0x1], $0x20, s25, s12, $0xb8;
	[tilespmem:$0x1A700] =	vst v63  }
0x16e: {  	_ = 	snop  }
0x16f: {  	[spmem:s2] =	stream.indirect.scatter.add.f32 [tilespmem:s8], [sflag:$0x1], $0x20, s26, s12, $0xb8;
	[tilespmem:$0x1A700] =	vst v63  }
0x170: {  	_ = 	snop  }
0x171: {  	[spmem:s2] =	stream.indirect.scatter.add.f32 [tilespmem:s8], [sflag:$0x1], $0x20, s28, s12, $0xb8;
	[tilespmem:$0x1A700] =	vst v63  }
0x172: {  	_ = 	snop  }
0x173: {  	[spmem:s2] =	stream.indirect.scatter.add.f32 [tilespmem:s8], [sflag:$0x1], $0x20, s29, s12, $0xb8;
	[tilespmem:$0x1A700] =	vst v63  }
0x174: {  	_ = 	snop  }
0x175: {  	[spmem:s2] =	stream.indirect.scatter.add.f32 [tilespmem:s8], [sflag:$0x1], $0x20, s30, s12, $0xb8;
	[tilespmem:$0x1A700] =	vst v63  }
0x176: {  	_ = 	snop  }
0x177: {  	[spmem:s2] =	stream.indirect.scatter.add.f32 [tilespmem:s8], [sflag:$0x1], $0x20, s31, s12, $0xb8;
	[tilespmem:$0x1A700] =	vst v63  }
0x178: {  	_ = 	snop  }
0x179: {  	[spmem:s2] =	stream.indirect.scatter.add.f32 [tilespmem:s8], [sflag:$0x1], $0x20, s1, s12, $0xb8;
	[tilespmem:$0x1A700] =	vst v63  }
0x17a: {  	_ = 	snop  }
0x17b: {  	[spmem:s2] =	stream.indirect.scatter.add.f32 [tilespmem:s8], [sflag:$0x1], $0x20, s0, s12, $0xb8;
	[tilespmem:$0x1A700] =	vst v63  }
0x17c: {  	_ = 	snop  }
0x17d: {  	[spmem:s2] =	stream.indirect.scatter.add.f32 [tilespmem:s8], [sflag:$0x1], $0x20, s4, s12, $0xb8;
	[tilespmem:$0x1A700] =	vst v63  }
0x17e: {  	_ = 	snop  }
0x17f: {  	[spmem:s2] =	stream.indirect.scatter.add.f32 [tilespmem:s8], [sflag:$0x1], $0x20, s5, s12, $0xb8;
	[tilespmem:$0x1A700] =	vst v63  }
0x180: {  	_ =	swait.ge [sflag:s6], $0x1000  }
0x181: {  	[sflag:s6] =	ssyncset.done $0x0  }
0x182: {  	[sflag:s6] =	ssyncadd.s32 $0xFFFFF000  }
0x183: {  	_ =	swait.ge [sflag:s6], $0x1000  }
0x184: {  	[sflag:s6] =	ssyncset.done $0x0  }
0x185: {  	[sflag:s6] =	ssyncadd.s32 $0xFFFFF000  }
0x186: {  	_ =	swait.ge [sflag:s6], $0x1000  }
0x187: {  	[sflag:s6] =	ssyncset.done $0x0  }
0x188: {  	[sflag:s6] =	ssyncadd.s32 $0xFFFFF000  }
0x189: {  	_ =	swait.ge [sflag:s6], $0x1000  }
0x18a: {  	[sflag:s6] =	ssyncset.done $0x0  }
0x18b: {  	[sflag:s6] =	ssyncadd.s32 $0xFFFFF000  }
0x18c: {  	_ =	swait.ge [sflag:s6], $0x1000  }
0x18d: {  	[sflag:s6] =	ssyncset.done $0x0  }
0x18e: {  	[sflag:s6] =	ssyncadd.s32 $0xFFFFF000  }
0x18f: {  	_ =	swait.ge [sflag:s6], $0x1000  }
0x190: {  	[sflag:s6] =	ssyncset.done $0x0  }
0x191: {  	[sflag:s6] =	ssyncadd.s32 $0xFFFFF000  }
0x192: {  	_ =	swait.ge [sflag:s6], $0x1000  }
0x193: {  	[sflag:s6] =	ssyncset.done $0x0  }
0x194: {  	[sflag:s6] =	ssyncadd.s32 $0xFFFFF000  }
0x195: {  	_ =	swait.ge [sflag:s6], $0x1000  }
0x196: {  	[sflag:s6] =	ssyncset.done $0x0  }
0x197: {  	[sflag:s6] =	ssyncadd.s32 $0xFFFFF000  }
0x198: {  	_ =	swait.ge [sflag:s6], $0x1000  }
0x199: {  	[sflag:s6] =	ssyncset.done $0x0  }
0x19a: {  	[sflag:s6] =	ssyncadd.s32 $0xFFFFF000  }
0x19b: {  	_ =	swait.ge [sflag:s6], $0x1000  }
0x19c: {  	[sflag:s6] =	ssyncset.done $0x0  }
0x19d: {  	[sflag:s6] =	ssyncadd.s32 $0xFFFFF000  }
0x19e: {  	_ =	swait.ge [sflag:s6], $0x1000  }
0x19f: {  	[sflag:s6] =	ssyncset.done $0x0  }
0x1a0: {  	[sflag:s6] =	ssyncadd.s32 $0xFFFFF000  }
0x1a1: {  	_ =	swait.ge [sflag:s6], $0x1000  }
0x1a2: {  	[sflag:s6] =	ssyncset.done $0x0  }
0x1a3: {  	[sflag:s6] =	ssyncadd.s32 $0xFFFFF000  }
0x1a4: {  	_ =	swait.ge [sflag:s6], $0x1000  }
0x1a5: {  	[sflag:s6] =	ssyncset.done $0x0  }
0x1a6: {  	[sflag:s6] =	ssyncadd.s32 $0xFFFFF000  }
0x1a7: {  	_ =	swait.ge [sflag:s6], $0x1000  }
0x1a8: {  	[sflag:s6] =	ssyncset.done $0x0  }
0x1a9: {  	[sflag:s6] =	ssyncadd.s32 $0xFFFFF000  }
0x1aa: {  	_ =	swait.ge [sflag:s6], $0x1000  }
0x1ab: {  	[sflag:s6] =	ssyncset.done $0x0  }
0x1ac: {  	[sflag:s6] =	ssyncadd.s32 $0xFFFFF000  }
0x1ad: {  	_ =	swait.ge [sflag:s6], $0x1000  }
0x1ae: {  	[sflag:s6] =	ssyncset.done $0x0  }
0x1af: {  	[sflag:s6] =	ssyncadd.s32 $0xFFFFF000  }
0x1b0: {  	_ =	swait.ge [sflag:s6], $0x1000  }
0x1b1: {  	[sflag:s6] =	ssyncset.done $0x0  }
0x1b2: {  	[sflag:s6] =	ssyncadd.s32 $0xFFFFF000  }
0x1b3: {  	_ =	swait.ge [sflag:s6], $0x1000  }
0x1b4: {  	[sflag:s6] =	ssyncset.done $0x0  }
0x1b5: {  	[sflag:s6] =	ssyncadd.s32 $0xFFFFF000  }
0x1b6: {  	_ =	swait.ge [sflag:s6], $0x1000  }
0x1b7: {  	[sflag:s6] =	ssyncset.done $0x0  }
0x1b8: {  	[sflag:s6] =	ssyncadd.s32 $0xFFFFF000  }
0x1b9: {  	_ =	swait.ge [sflag:s6], $0x1000  }
0x1ba: {  	[sflag:s6] =	ssyncset.done $0x0  }
0x1bb: {  	[sflag:s6] =	ssyncadd.s32 $0xFFFFF000  }
0x1bc: {  	_ =	swait.ge [sflag:s6], $0x1000  }
0x1bd: {  	[sflag:s6] =	ssyncset.done $0x0  }
0x1be: {  	[sflag:s6] =	ssyncadd.s32 $0xFFFFF000  }
0x1bf: {  	_ =	swait.ge [sflag:s6], $0x1000  }
0x1c0: {  	[sflag:s6] =	ssyncset.done $0x0  }
0x1c1: {  	[sflag:s6] =	ssyncadd.s32 $0xFFFFF000  }
0x1c2: {  	_ =	swait.ge [sflag:s6], $0x1000  }
0x1c3: {  	[sflag:s6] =	ssyncset.done $0x0  }
0x1c4: {  	[sflag:s6] =	ssyncadd.s32 $0xFFFFF000  }
0x1c5: {  	_ =	swait.ge [sflag:s6], $0x1000  }
0x1c6: {  	[sflag:s6] =	ssyncset.done $0x0  }
0x1c7: {  	[sflag:s6] =	ssyncadd.s32 $0xFFFFF000  }
0x1c8: {  	_ =	swait.ge [sflag:s6], $0x1000  }
0x1c9: {  	[sflag:s6] =	ssyncset.done $0x0  }
0x1ca: {  	[sflag:s6] =	ssyncadd.s32 $0xFFFFF000  }
0x1cb: {  	_ =	swait.ge [sflag:s6], $0x1000  }
0x1cc: {  	[sflag:s6] =	ssyncset.done $0x0  }
0x1cd: {  	[sflag:s6] =	ssyncadd.s32 $0xFFFFF000  }
0x1ce: {  	_ =	swait.ge [sflag:s6], $0x1000  }
0x1cf: {  	[sflag:s6] =	ssyncset.done $0x0  }
0x1d0: {  	[sflag:s6] =	ssyncadd.s32 $0xFFFFF000  }
0x1d1: {  	_ =	swait.ge [sflag:s6], $0x1000  }
0x1d2: {  	[sflag:s6] =	ssyncset.done $0x0  }
0x1d3: {  	[sflag:s6] =	ssyncadd.s32 $0xFFFFF000  }
0x1d4: {  	[bflag:$0x0] =	sbarrier.arrive $0xFFFF  }
0x1d5: {  	s13 =	rddreg [dreg:$0xa]  }
0x1d6: {  	s10 =	rddreg [dreg:$0xc]  }
0x1d7: {  	s11 =	rddreg [dreg:$0xd]  }
0x1d8: {  	[hbm:s13], [sflag:s10] =	dma.local [spmem:s11], $0x3120  }
0x1d9: {  	_ =	swait.ge [sflag:s9], $0x3120  }
0x1da: {  	s13 =	rddreg [dreg:$0xe]  }
0x1db: {  	s7 =	rddreg [dreg:$0xb];
	s13 =	sadd.s32 $0x1, s13  }
0x1dc: {  	p0 =	sne.s32 s13, s7  }
.Ltmp1:
0x1dd: {  	_ = 	snop;
	(pc) =	sbr.rel @p0 .LBB2_1-.Ltmp1, $3  }
0x1de: {  	_ =	sdelay $0x1  }
0x1df: {  	[sflag:s9] =	ssyncset.done $0x0  }
0x1e0: {  	[sflag:s9] =	ssyncadd.s32 $0xFFFFCEE0  }
0x1e1: {  	_ =	sfence.sel $0x180000  }
0x1e2: {  	[bflag:$0x0] =	sbarrier.arrive $0xFFFF  }
0x1e3: {  	_ =	strace $0x90000047  }
0x1e4: {  	s0 =	stileid.u32;
	[bflag:$0x2] =	sbarrier.arrive $0xFFFF  }
0x1e5: {  	p0 =	sne.s32 s0, $0x0;
	s0 =	rddreg [dreg:$0x2]  }
0x1e6: {  	s0 =	sadd.s32 @!p0 $0x100000, s0  }
0x1e7: {  	[sflag:s0] =	ssyncadd.tile.s32 @!p0 $0x1;
	_ =	shalt  }
.Lfunc_end2:
_tile_overlayer_lowered:
.L_overlay_start_2:
0x1e8: {  	(tag) =	ssettag $0x2  }
0x1e9: {  	s0 =	rddreg [dreg:$0x0];
	s2 =	stileid.u32  }
0x1ea: {  	s1 =	rddreg [dreg:$0x1];
	p0 =	sne.s32 s2, $0x0  }
0x1eb: {  	s3 =	rddreg [dreg:$0x2];
	[bflag:$0x3] =	sbarrier.arrive $0xFFFF;
	s2 =	simm.s32 @!p0 $0x1C02  }
0x1ec: {  	[timem:s3], [sflag:s2] =	dma.local @!p0 [hbm:s0], s1  }
0x1ed: {  	s0 =	simm.s32 @!p0 $0x2  }
0x1ee: {  	_ =	swait.ge @!p0 [sflag:s0], s1  }
0x1ef: {  	s1 =	ssub.s32 @!p0 $0x0, s1;
	[sflag:s0] =	ssyncset.done @!p0 $0x0  }
0x1f0: {  	[sflag:s0] =	ssyncadd.s32 @!p0 s1  }
0x1f1: {  	[bflag:$0x3] =	sbarrier.arrive $0xFFFF  }
0x1f2: {  	_ =	shalt  }

</sc_bundles>
